<compile_context>
chip_gen: v7x
topology: tpu7x:2x2x1
jax: 0.10.2.dev20260603
libtpu: 0.0.44.dev20260713+nightly
codegen_flags: <defaults>
</compile_context>

<pallas_src>
import dataclasses
import functools

import jax
import jax.numpy as jnp
from jax import lax
from jax.experimental import pallas as pl
from jax.experimental.pallas import tpu as pltpu
from jax.experimental.pallas import tpu_sc as plsc

N = 10000
E = 160000
D = 300
DH = 150
DHP = 160
NPAD = 10240
NW = 32
EPW = E // NW
CHUNK = 80
ROWS_PER_SUB = E // 16 // CHUNK
NBLK = 5
RPB = ROWS_PER_SUB // NBLK
NSUB = 16
NDRAIN = NPAD // NSUB

_vmesh = plsc.VectorSubcoreMesh(core_axis_name="c", subcore_axis_name="s")

_sc_params = pltpu.CompilerParams()
if "needs_layout_passes" in pltpu.CompilerParams.__dataclass_fields__:
    _sc_params = dataclasses.replace(_sc_params, needs_layout_passes=False)
_sc_agg_params = dataclasses.replace(_sc_params, use_tc_tiling_on_sc=False)


def _sc_degrees(idx_flat):
    @functools.partial(
        pl.kernel,
        out_type=jax.ShapeDtypeStruct((NW, 4, NPAD), jnp.float32),
        mesh=_vmesh,
        compiler_params=_sc_params,
        scratch_types=[
            pltpu.VMEM((EPW,), jnp.int32),
            pltpu.VMEM((NPAD,), jnp.float32),
        ],
    )
    def k(idx_hbm, out_hbm, idx_v, hist_v):
        wid = lax.axis_index("s") * 2 + lax.axis_index("c")
        ones = jnp.full((16,), 1.0, jnp.float32)
        zeros = jnp.zeros((16,), jnp.float32)
        for h in range(4):
            pltpu.sync_copy(idx_hbm.at[h].at[wid], idx_v)

            @pl.loop(0, NPAD // 16)
            def _(t):
                hist_v[pl.ds(t * 16, 16)] = zeros

            @pl.loop(0, EPW // 16)
            def _(t):
                idx16 = idx_v[pl.ds(t * 16, 16)]
                plsc.addupdate_scatter(hist_v, [idx16], ones)

            pltpu.sync_copy(hist_v, out_hbm.at[wid, h])

    return k(idx_flat)


def _tc_scales(deg_part):
    def body(d_ref, o_ref):
        deg = jnp.sum(d_ref[...], axis=0)
        s = lax.rsqrt(jnp.clip(deg, 1.0, None))
        o_ref[...] = s.T

    return pl.pallas_call(
        body,
        out_shape=jax.ShapeDtypeStruct((NPAD, 4), jnp.float32),
    )(deg_part)


def _split_pad(h):
    h0 = jnp.pad(h[:, :DH], ((0, 0), (0, DHP - DH)))
    h1 = jnp.pad(h[:, DH:], ((0, 0), (0, DHP - DH)))
    return jnp.stack([h0, h1])


BN = 400


def _tc_pre(x, W_r1, W_c1, scales):
    def body(x_ref, wr_ref, wc_ref, s_ref, hr_ref, hc_ref):
        xb = x_ref[...]
        s_or = s_ref[:, 0:1]
        s_oc = s_ref[:, 2:3]
        hr = jnp.dot(xb, wr_ref[...], preferred_element_type=jnp.float32) * s_or
        hc = jnp.dot(xb, wc_ref[...], preferred_element_type=jnp.float32) * s_oc
        hr_ref[...] = _split_pad(hr)
        hc_ref[...] = _split_pad(hc)

    grid = (N // BN,)
    return pl.pallas_call(
        body,
        grid=grid,
        in_specs=[
            pl.BlockSpec((BN, D), lambda i: (i, 0)),
            pl.BlockSpec((D, D), lambda i: (0, 0)),
            pl.BlockSpec((D, D), lambda i: (0, 0)),
            pl.BlockSpec((BN, 4), lambda i: (i, 0)),
        ],
        out_specs=[
            pl.BlockSpec((2, BN, DHP), lambda i: (0, i, 0)),
            pl.BlockSpec((2, BN, DHP), lambda i: (0, i, 0)),
        ],
        out_shape=[
            jax.ShapeDtypeStruct((2, N, DHP), jnp.float32),
            jax.ShapeDtypeStruct((2, N, DHP), jnp.float32),
        ],
    )(x, W_r1, W_c1, scales)


def _sc_aggregate(h_r, h_c, rs2, rd2, cs2, cd2, zrows):
    out_t = jax.ShapeDtypeStruct((2, NPAD, DHP), jnp.float32)

    @functools.partial(
        pl.kernel,
        out_type=(out_t, out_t),
        mesh=_vmesh,
        compiler_params=_sc_agg_params,
        scratch_types=[
            pltpu.VMEM_SHARED((NPAD, DHP), jnp.float32),
            pltpu.VMEM((RPB, CHUNK), jnp.int32),
            pltpu.VMEM((RPB, CHUNK), jnp.int32),
            pltpu.VMEM((CHUNK,), jnp.int32),
            pltpu.VMEM((CHUNK, DHP), jnp.float32),
            pltpu.SemaphoreType.DMA,
        ],
    )
    def k(hr_hbm, hc_hbm, rs_hbm, rd_hbm, cs_hbm, cd_hbm, z_hbm,
          ar_hbm, ac_hbm, acc, src_v, dst_v, dbuf, gbuf, sem):
        c = lax.axis_index("c")
        s = lax.axis_index("s")
        for (h_hbm, s_hbm, d_hbm, o_hbm) in (
            (hr_hbm, rs_hbm, rd_hbm, ar_hbm),
            (hc_hbm, cs_hbm, cd_hbm, ac_hbm),
        ):
            pltpu.sync_copy(
                z_hbm, acc.at[pl.ds(pl.multiple_of(s * NDRAIN, NDRAIN),
                                    NDRAIN)])
            plsc.subcore_barrier()

            @pl.loop(0, NBLK)
            def _(b):
                pltpu.sync_copy(s_hbm.at[s].at[b], src_v)
                pltpu.sync_copy(d_hbm.at[s].at[b], dst_v)

                @pl.loop(0, RPB)
                def _(j):
                    for t in range(CHUNK // 16):
                        dbuf[pl.ds(t * 16, 16)] = dst_v[j, pl.ds(t * 16, 16)]
                    pltpu.async_copy(h_hbm.at[c].at[src_v.at[j]],
                                     gbuf, sem).wait()
                    pltpu.sync_copy(gbuf, acc.at[dbuf], add=True)

            plsc.subcore_barrier()
            drain = pl.ds(pl.multiple_of(s * NDRAIN, NDRAIN), NDRAIN)
            pltpu.sync_copy(acc.at[drain], o_hbm.at[c].at[drain])
            plsc.subcore_barrier()

    return k(h_r, h_c, rs2, rd2, cs2, cd2, zrows)


def _merge_halves(a_ref):
    a = a_ref[...]
    return jnp.concatenate([a[0, :, :DH], a[1, :, :DH]], axis=1)


def _ln(x, g, b):
    m = jnp.mean(x, axis=-1, keepdims=True)
    v = jnp.mean((x - m) ** 2, axis=-1, keepdims=True)
    return (x - m) * lax.rsqrt(v + 1e-5) * g + b


def _tc_mid(agg_r, agg_c, scales, b_r1, b_c1,
            Ws_r, bs_r, g_r, be_r, Ws_c, bs_c, g_c, be_c,
            Wm, bm, gm, bem, W_r2, W_c2):
    def body(ar_ref, ac_ref, s_ref, br1_ref, bc1_ref,
             wsr_ref, bsr_ref, gr_ref, ber_ref,
             wsc_ref, bsc_ref, gc_ref, bec_ref,
             wm_ref, bm_ref, gm_ref, bem_ref,
             wr2_ref, wc2_ref, hr_ref, hc_ref):
        s_or = s_ref[:, 0:1]
        s_ir = s_ref[:, 1:2]
        s_oc = s_ref[:, 2:3]
        s_ic = s_ref[:, 3:4]
        r1 = jax.nn.relu(_merge_halves(ar_ref) * s_ir + br1_ref[...])
        c1 = jax.nn.relu(_merge_halves(ac_ref) * s_ic + bc1_ref[...])
        rs = _ln(jnp.dot(r1, wsr_ref[...], preferred_element_type=jnp.float32)
                 + bsr_ref[...], gr_ref[...], ber_ref[...])
        cs = _ln(jnp.dot(c1, wsc_ref[...], preferred_element_type=jnp.float32)
                 + bsc_ref[...], gc_ref[...], bec_ref[...])
        cat = jnp.concatenate([rs, cs], axis=1)
        g_rep = _ln(jnp.dot(cat, wm_ref[...],
                            preferred_element_type=jnp.float32)
                    + bm_ref[...], gm_ref[...], bem_ref[...])
        hr = jnp.dot(g_rep, wr2_ref[...],
                     preferred_element_type=jnp.float32) * s_or
        hc = jnp.dot(g_rep, wc2_ref[...],
                     preferred_element_type=jnp.float32) * s_oc
        hr_ref[...] = _split_pad(hr)
        hc_ref[...] = _split_pad(hc)

    vec = lambda: pl.BlockSpec((D,), lambda i: (0,))
    mat = lambda r: pl.BlockSpec((r, D), lambda i: (0, 0))
    grid = (N // BN,)
    return pl.pallas_call(
        body,
        grid=grid,
        in_specs=[
            pl.BlockSpec((2, BN, DHP), lambda i: (0, i, 0)),
            pl.BlockSpec((2, BN, DHP), lambda i: (0, i, 0)),
            pl.BlockSpec((BN, 4), lambda i: (i, 0)),
            vec(), vec(),
            mat(D), vec(), vec(), vec(),
            mat(D), vec(), vec(), vec(),
            mat(2 * D), vec(), vec(), vec(),
            mat(D), mat(D),
        ],
        out_specs=[
            pl.BlockSpec((2, BN, DHP), lambda i: (0, i, 0)),
            pl.BlockSpec((2, BN, DHP), lambda i: (0, i, 0)),
        ],
        out_shape=[
            jax.ShapeDtypeStruct((2, N, DHP), jnp.float32),
            jax.ShapeDtypeStruct((2, N, DHP), jnp.float32),
        ],
    )(agg_r, agg_c, scales, b_r1, b_c1,
      Ws_r, bs_r, g_r, be_r, Ws_c, bs_c, g_c, be_c,
      Wm, bm, gm, bem, W_r2, W_c2)


def _tc_final(agg_r, agg_c, scales, b_r2, b_c2, w1, b1, w2, b2):
    def body(ar_ref, ac_ref, s_ref, br2_ref, bc2_ref,
             w1_ref, b1_ref, w2_ref, b2_ref, o_ref):
        s_ir = s_ref[:, 1:2]
        s_ic = s_ref[:, 3:4]
        r2 = jax.nn.relu(_merge_halves(ar_ref) * s_ir + br2_ref[...])
        c2 = jax.nn.relu(_merge_halves(ac_ref) * s_ic + bc2_ref[...])
        alpha = jax.nn.sigmoid(
            jnp.dot(r2, w1_ref[...], preferred_element_type=jnp.float32)
            + b1_ref[...])
        beta = jax.nn.sigmoid(
            jnp.dot(c2, w2_ref[...], preferred_element_type=jnp.float32)
            + b2_ref[...])
        a = alpha / (alpha + beta)
        o_ref[...] = a * r2 + (1.0 - a) * c2

    grid = (N // BN,)
    return pl.pallas_call(
        body,
        grid=grid,
        in_specs=[
            pl.BlockSpec((2, BN, DHP), lambda i: (0, i, 0)),
            pl.BlockSpec((2, BN, DHP), lambda i: (0, i, 0)),
            pl.BlockSpec((BN, 4), lambda i: (i, 0)),
            pl.BlockSpec((D,), lambda i: (0,)),
            pl.BlockSpec((D,), lambda i: (0,)),
            pl.BlockSpec((D, 1), lambda i: (0, 0)),
            pl.BlockSpec((1,), lambda i: (0,)),
            pl.BlockSpec((D, 1), lambda i: (0, 0)),
            pl.BlockSpec((1,), lambda i: (0,)),
        ],
        out_specs=pl.BlockSpec((BN, D), lambda i: (i, 0)),
        out_shape=jax.ShapeDtypeStruct((N, D), jnp.float32),
    )(agg_r, agg_c, scales, b_r2, b_c2, w1, b1, w2, b2)


def kernel(table_feat, row_graph, col_graph, W_r1, b_r1, W_c1, b_c1,
           Ws_r, bs_r, g_r, be_r, Ws_c, bs_c, g_c, be_c,
           Wm, bm, gm, bem, W_r2, b_r2, W_c2, b_c2, w1, b1, w2, b2):
    idx_flat = jnp.concatenate([row_graph, col_graph],
                               axis=0).reshape(4, NW, EPW)
    rs2 = row_graph[0].reshape(NSUB, NBLK, RPB, CHUNK)
    rd2 = row_graph[1].reshape(NSUB, NBLK, RPB, CHUNK)
    cs2 = col_graph[0].reshape(NSUB, NBLK, RPB, CHUNK)
    cd2 = col_graph[1].reshape(NSUB, NBLK, RPB, CHUNK)
    zrows = jnp.zeros((NDRAIN, DHP), jnp.float32)

    deg_part = _sc_degrees(idx_flat)
    scales = _tc_scales(deg_part)
    h_r, h_c = _tc_pre(table_feat, W_r1, W_c1, scales)
    agg_r, agg_c = _sc_aggregate(h_r, h_c, rs2, rd2, cs2, cd2, zrows)
    h2_r, h2_c = _tc_mid(agg_r, agg_c, scales, b_r1, b_c1,
                         Ws_r, bs_r, g_r, be_r, Ws_c, bs_c, g_c, be_c,
                         Wm, bm, gm, bem, W_r2, W_c2)
    agg2_r, agg2_c = _sc_aggregate(h2_r, h2_c, rs2, rd2, cs2, cd2, zrows)
    return _tc_final(agg2_r, agg2_c, scales, b_r2, b_c2, w1, b1, w2, b2)

# --- scband reference (transcript-rebuilt; emitter-appended) ---
"""Pipeline reference for scband-dual-g-45561013076175 (READ-ONLY COPY).

The authoritative reference and input builder live on the scoring server;
editing this copy changes nothing except your own understanding.
"""

import jax, jax.numpy as jnp
import numpy as np

N = 10000
E = 160000
D = 300


def _layer_norm(x, g, b):
    m = jnp.mean(x, axis=-1, keepdims=True)
    v = jnp.mean((x - m) ** 2, axis=-1, keepdims=True)
    return (x - m) / jnp.sqrt(v + 1e-5) * g + b


def _graph_conv(edge_index, x, W, b):
    # DGL GraphConv with norm='both', activation=relu
    src = edge_index[0]
    dst = edge_index[1]
    n = x.shape[0]
    out_deg = jnp.clip(jnp.zeros((n,), jnp.float32).at[src].add(1.0), 1.0, None)
    in_deg = jnp.clip(jnp.zeros((n,), jnp.float32).at[dst].add(1.0), 1.0, None)
    h = x * (out_deg ** -0.5)[:, None]
    h = h @ W
    agg = jnp.zeros((n, W.shape[1]), h.dtype).at[dst].add(h[src])
    agg = agg * (in_deg ** -0.5)[:, None]
    return jax.nn.relu(agg + b)


def setup_inputs(seed: int = 0) -> dict:
    key = jax.random.key(seed)
    ks = jax.random.split(key, 32)
    def p(k, shape):
        return jax.random.normal(k, shape, dtype=jnp.float32) * 0.05
    inp = {}
    inp["table_feat"] = jax.random.normal(ks[0], (N, D), dtype=jnp.float32)
    inp["row_graph"] = jax.random.randint(ks[1], (2, E), 0, N, dtype=jnp.int32)
    inp["col_graph"] = jax.random.randint(ks[2], (2, E), 0, N, dtype=jnp.int32)
    # first_layer GraphConvs
    inp["W_r1"] = p(ks[3], (D, D)); inp["b_r1"] = jnp.zeros((D,), jnp.float32)
    inp["W_c1"] = p(ks[4], (D, D)); inp["b_c1"] = jnp.zeros((D,), jnp.float32)
    # row/col graph_support: Linear + LayerNorm
    inp["Ws_r"] = p(ks[5], (D, D)); inp["bs_r"] = jnp.zeros((D,), jnp.float32)
    inp["g_r"] = jnp.ones((D,), jnp.float32); inp["be_r"] = jnp.zeros((D,), jnp.float32)
    inp["Ws_c"] = p(ks[6], (D, D)); inp["bs_c"] = jnp.zeros((D,), jnp.float32)
    inp["g_c"] = jnp.ones((D,), jnp.float32); inp["be_c"] = jnp.zeros((D,), jnp.float32)
    # graph_merge: Linear(2D -> D) + LayerNorm
    inp["Wm"] = p(ks[7], (2 * D, D)); inp["bm"] = jnp.zeros((D,), jnp.float32)
    inp["gm"] = jnp.ones((D,), jnp.float32); inp["bem"] = jnp.zeros((D,), jnp.float32)
    # final_layer GraphConvs
    inp["W_r2"] = p(ks[8], (D, D)); inp["b_r2"] = jnp.zeros((D,), jnp.float32)
    inp["W_c2"] = p(ks[9], (D, D)); inp["b_c2"] = jnp.zeros((D,), jnp.float32)
    # AdaptiveFusion
    inp["w1"] = p(ks[10], (D, 1)); inp["b1"] = jnp.zeros((1,), jnp.float32)
    inp["w2"] = p(ks[11], (D, 1)); inp["b2"] = jnp.zeros((1,), jnp.float32)
    return inp


def reference(table_feat, row_graph, col_graph,
              W_r1, b_r1, W_c1, b_c1,
              Ws_r, bs_r, g_r, be_r,
              Ws_c, bs_c, g_c, be_c,
              Wm, bm, gm, bem,
              W_r2, b_r2, W_c2, b_c2,
              w1, b1, w2, b2):
    # DG_Interaction (first_layer)
    r1 = _graph_conv(row_graph, table_feat, W_r1, b_r1)
    c1 = _graph_conv(col_graph, table_feat, W_c1, b_c1)
    rs = _layer_norm(r1 @ Ws_r + bs_r, g_r, be_r)
    cs = _layer_norm(c1 @ Ws_c + bs_c, g_c, be_c)
    g_rep = _layer_norm(jnp.concatenate([rs, cs], axis=1) @ Wm + bm, gm, bem)
    # DG_Interaction (final_layer=True)
    r2 = _graph_conv(row_graph, g_rep, W_r2, b_r2)
    c2 = _graph_conv(col_graph, g_rep, W_c2, b_c2)
    # AdaptiveFusion
    alpha = jax.nn.sigmoid(r2 @ w1 + b1)
    beta = jax.nn.sigmoid(c2 @ w2 + b2)
    alpha = alpha / (alpha + beta)
    beta = 1.0 - alpha
    return alpha * r2 + beta * c2

if __name__ == "__main__":
    import jax
    _d = setup_inputs()
    print(jax.jit(kernel)(*tuple(_d.values())))

</pallas_src>

<mosaic_0001>
#map = affine_map<(d0, d1) -> (0, 0, 0)>
#map1 = affine_map<(d0, d1) -> (0, 0, 0, 0)>
#map2 = affine_map<(d0, d1) -> (0, 0)>
module attributes {stable_mosaic.version = 14 : i64} {
  func.func @k(%arg0: i32, %arg1: i32, %arg2: memref<2x10000x160xf32, #tpu.memory_space<hbm>>, %arg3: memref<2x10000x160xf32, #tpu.memory_space<hbm>>, %arg4: memref<16x5x25x80xi32, #tpu.memory_space<hbm>>, %arg5: memref<16x5x25x80xi32, #tpu.memory_space<hbm>>, %arg6: memref<16x5x25x80xi32, #tpu.memory_space<hbm>>, %arg7: memref<16x5x25x80xi32, #tpu.memory_space<hbm>>, %arg8: memref<640x160xf32, #tpu.memory_space<hbm>>, %arg9: memref<2x10240x160xf32, #tpu.memory_space<hbm>>, %arg10: memref<2x10240x160xf32, #tpu.memory_space<hbm>>, %arg11: memref<10240x160xf32, #tpu.memory_space<vmem_shared>>, %arg12: memref<25x80xi32, #tpu.memory_space<vmem>>, %arg13: memref<25x80xi32, #tpu.memory_space<vmem>>, %arg14: memref<80xi32, #tpu.memory_space<vmem>>, %arg15: memref<80x160xf32, #tpu.memory_space<vmem>>, %arg16: memref<!tpu.dma_semaphore, #tpu.memory_space<semaphore_mem>>) attributes {dimension_semantics = [#tpu.dimension_semantics<core_parallel>, #tpu.dimension_semantics<subcore_parallel>], iteration_bounds = array<i64: 2, 16>, scalar_prefetch = 0 : i64, scratch_operands = 6 : i64, tpu.core_type = #tpu.core_type<sc_vector_subcore>, window_params = [{transform_indices = #map}, {transform_indices = #map}, {transform_indices = #map1}, {transform_indices = #map1}, {transform_indices = #map1}, {transform_indices = #map1}, {transform_indices = #map2}, {transform_indices = #map}, {transform_indices = #map}]} {
    %mul3A = arith.constant 640 : i32
    %mul3A_0 = arith.muli %arg1, %mul3A : i32
    %multiple_of3A = tpu.assume_multiple %mul3A_0, 640 : i32
    "tpu.region"() ({
      %run_scoped3A = tpu.sem_alloc : memref<!tpu.dma_semaphore, #tpu.memory_space<semaphore_mem>>
      %dma_start3A = arith.constant 0 : i32
      %dma_start3A_24 = tpu.memref_slice %arg11[%multiple_of3A, %dma_start3A] : memref<10240x160xf32, #tpu.memory_space<vmem_shared>> -> memref<640x160xf32, #tpu.memory_space<vmem_shared>>
      tpu.enqueue_dma source(%arg8 : memref<640x160xf32, #tpu.memory_space<hbm>>) target(%dma_start3A_24 : memref<640x160xf32, #tpu.memory_space<vmem_shared>>) target_semaphore(%run_scoped3A : memref<!tpu.dma_semaphore, #tpu.memory_space<semaphore_mem>>)
      %dma_wait3A = arith.constant 0 : i32
      %dma_wait3A_25 = tpu.memref_slice %arg11[%multiple_of3A, %dma_wait3A] : memref<10240x160xf32, #tpu.memory_space<vmem_shared>> -> memref<640x160xf32, #tpu.memory_space<vmem_shared>>
      tpu.wait_dma2 semaphore(%run_scoped3A : memref<!tpu.dma_semaphore, #tpu.memory_space<semaphore_mem>>) src(%arg8 : memref<640x160xf32, #tpu.memory_space<hbm>>) dst(%dma_wait3A_25 : memref<640x160xf32, #tpu.memory_space<vmem_shared>>)
      tpu.yield
    }) : () -> ()
    %barrier3A = arith.constant 0 : index
    tpu.barrier barrier_id(%barrier3A)
    %scan3A = arith.constant 0 : i32
    %scan3A_1 = arith.constant 5 : i32
    %scan3A_2 = arith.addi %scan3A, %scan3A_1 : i32
    %scan3A_3 = arith.constant 1 : i32
    scf.for %scan3A_24 = %scan3A to %scan3A_2 step %scan3A_3  : i32 {
      %mul3A_25 = arith.constant 1 : i32
      %mul3A_26 = arith.muli %scan3A_24, %mul3A_25 : i32
      %add3A = arith.constant 0 : i32
      %add3A_27 = arith.addi %add3A, %mul3A_26 : i32
      "tpu.region"() ({
        %run_scoped3A = tpu.sem_alloc : memref<!tpu.dma_semaphore, #tpu.memory_space<semaphore_mem>>
        %dma_start3A = arith.constant 0 : i32
        %dma_start3A_33 = arith.constant 0 : i32
        %dma_start3A_34 = arith.constant 0 : i32
        %dma_start3A_35 = tpu.memref_slice %arg4[%arg1, %dma_start3A, %dma_start3A_33, %dma_start3A_34] : memref<16x5x25x80xi32, #tpu.memory_space<hbm>> -> memref<1x5x25x80xi32, #tpu.memory_space<hbm>>
        %dma_start3A_36 = tpu.memref_squeeze %dma_start3A_35 : memref<1x5x25x80xi32, #tpu.memory_space<hbm>> -> memref<5x25x80xi32, #tpu.memory_space<hbm>>
        %dma_start3A_37 = arith.constant 0 : i32
        %dma_start3A_38 = arith.constant 0 : i32
        %dma_start3A_39 = tpu.memref_slice %dma_start3A_36[%add3A_27, %dma_start3A_37, %dma_start3A_38] : memref<5x25x80xi32, #tpu.memory_space<hbm>> -> memref<1x25x80xi32, #tpu.memory_space<hbm>>
        %dma_start3A_40 = tpu.memref_squeeze %dma_start3A_39 : memref<1x25x80xi32, #tpu.memory_space<hbm>> -> memref<25x80xi32, #tpu.memory_space<hbm>>
        %dma_start3A_41 = arith.constant 0 : i32
        %dma_start3A_42 = arith.constant 0 : i32
        %dma_start3A_43 = arith.constant 0 : i32
        %dma_start3A_44 = tpu.memref_slice %arg4[%arg1, %dma_start3A_41, %dma_start3A_42, %dma_start3A_43] : memref<16x5x25x80xi32, #tpu.memory_space<hbm>> -> memref<1x5x25x80xi32, #tpu.memory_space<hbm>>
        %dma_start3A_45 = tpu.memref_squeeze %dma_start3A_44 : memref<1x5x25x80xi32, #tpu.memory_space<hbm>> -> memref<5x25x80xi32, #tpu.memory_space<hbm>>
        %dma_start3A_46 = arith.constant 0 : i32
        %dma_start3A_47 = arith.constant 0 : i32
        %dma_start3A_48 = tpu.memref_slice %dma_start3A_45[%add3A_27, %dma_start3A_46, %dma_start3A_47] : memref<5x25x80xi32, #tpu.memory_space<hbm>> -> memref<1x25x80xi32, #tpu.memory_space<hbm>>
        %dma_start3A_49 = tpu.memref_squeeze %dma_start3A_48 : memref<1x25x80xi32, #tpu.memory_space<hbm>> -> memref<25x80xi32, #tpu.memory_space<hbm>>
        tpu.enqueue_dma source(%dma_start3A_49 : memref<25x80xi32, #tpu.memory_space<hbm>>) target(%arg12 : memref<25x80xi32, #tpu.memory_space<vmem>>) target_semaphore(%run_scoped3A : memref<!tpu.dma_semaphore, #tpu.memory_space<semaphore_mem>>)
        %dma_wait3A = arith.constant 0 : i32
        %dma_wait3A_50 = arith.constant 0 : i32
        %dma_wait3A_51 = arith.constant 0 : i32
        %dma_wait3A_52 = tpu.memref_slice %arg4[%arg1, %dma_wait3A, %dma_wait3A_50, %dma_wait3A_51] : memref<16x5x25x80xi32, #tpu.memory_space<hbm>> -> memref<1x5x25x80xi32, #tpu.memory_space<hbm>>
        %dma_wait3A_53 = tpu.memref_squeeze %dma_wait3A_52 : memref<1x5x25x80xi32, #tpu.memory_space<hbm>> -> memref<5x25x80xi32, #tpu.memory_space<hbm>>
        %dma_wait3A_54 = arith.constant 0 : i32
        %dma_wait3A_55 = arith.constant 0 : i32
        %dma_wait3A_56 = tpu.memref_slice %dma_wait3A_53[%add3A_27, %dma_wait3A_54, %dma_wait3A_55] : memref<5x25x80xi32, #tpu.memory_space<hbm>> -> memref<1x25x80xi32, #tpu.memory_space<hbm>>
        %dma_wait3A_57 = tpu.memref_squeeze %dma_wait3A_56 : memref<1x25x80xi32, #tpu.memory_space<hbm>> -> memref<25x80xi32, #tpu.memory_space<hbm>>
        %dma_wait3A_58 = arith.constant 0 : i32
        %dma_wait3A_59 = arith.constant 0 : i32
        %dma_wait3A_60 = arith.constant 0 : i32
        %dma_wait3A_61 = tpu.memref_slice %arg4[%arg1, %dma_wait3A_58, %dma_wait3A_59, %dma_wait3A_60] : memref<16x5x25x80xi32, #tpu.memory_space<hbm>> -> memref<1x5x25x80xi32, #tpu.memory_space<hbm>>
        %dma_wait3A_62 = tpu.memref_squeeze %dma_wait3A_61 : memref<1x5x25x80xi32, #tpu.memory_space<hbm>> -> memref<5x25x80xi32, #tpu.memory_space<hbm>>
        %dma_wait3A_63 = arith.constant 0 : i32
        %dma_wait3A_64 = arith.constant 0 : i32
        %dma_wait3A_65 = tpu.memref_slice %dma_wait3A_62[%add3A_27, %dma_wait3A_63, %dma_wait3A_64] : memref<5x25x80xi32, #tpu.memory_space<hbm>> -> memref<1x25x80xi32, #tpu.memory_space<hbm>>
        %dma_wait3A_66 = tpu.memref_squeeze %dma_wait3A_65 : memref<1x25x80xi32, #tpu.memory_space<hbm>> -> memref<25x80xi32, #tpu.memory_space<hbm>>
        tpu.wait_dma2 semaphore(%run_scoped3A : memref<!tpu.dma_semaphore, #tpu.memory_space<semaphore_mem>>) src(%dma_wait3A_66 : memref<25x80xi32, #tpu.memory_space<hbm>>) dst(%arg12 : memref<25x80xi32, #tpu.memory_space<vmem>>)
        tpu.yield
      }) : () -> ()
      "tpu.region"() ({
        %run_scoped3A = tpu.sem_alloc : memref<!tpu.dma_semaphore, #tpu.memory_space<semaphore_mem>>
        %dma_start3A = arith.constant 0 : i32
        %dma_start3A_33 = arith.constant 0 : i32
        %dma_start3A_34 = arith.constant 0 : i32
        %dma_start3A_35 = tpu.memref_slice %arg5[%arg1, %dma_start3A, %dma_start3A_33, %dma_start3A_34] : memref<16x5x25x80xi32, #tpu.memory_space<hbm>> -> memref<1x5x25x80xi32, #tpu.memory_space<hbm>>
        %dma_start3A_36 = tpu.memref_squeeze %dma_start3A_35 : memref<1x5x25x80xi32, #tpu.memory_space<hbm>> -> memref<5x25x80xi32, #tpu.memory_space<hbm>>
        %dma_start3A_37 = arith.constant 0 : i32
        %dma_start3A_38 = arith.constant 0 : i32
        %dma_start3A_39 = tpu.memref_slice %dma_start3A_36[%add3A_27, %dma_start3A_37, %dma_start3A_38] : memref<5x25x80xi32, #tpu.memory_space<hbm>> -> memref<1x25x80xi32, #tpu.memory_space<hbm>>
        %dma_start3A_40 = tpu.memref_squeeze %dma_start3A_39 : memref<1x25x80xi32, #tpu.memory_space<hbm>> -> memref<25x80xi32, #tpu.memory_space<hbm>>
        %dma_start3A_41 = arith.constant 0 : i32
        %dma_start3A_42 = arith.constant 0 : i32
        %dma_start3A_43 = arith.constant 0 : i32
        %dma_start3A_44 = tpu.memref_slice %arg5[%arg1, %dma_start3A_41, %dma_start3A_42, %dma_start3A_43] : memref<16x5x25x80xi32, #tpu.memory_space<hbm>> -> memref<1x5x25x80xi32, #tpu.memory_space<hbm>>
        %dma_start3A_45 = tpu.memref_squeeze %dma_start3A_44 : memref<1x5x25x80xi32, #tpu.memory_space<hbm>> -> memref<5x25x80xi32, #tpu.memory_space<hbm>>
        %dma_start3A_46 = arith.constant 0 : i32
        %dma_start3A_47 = arith.constant 0 : i32
        %dma_start3A_48 = tpu.memref_slice %dma_start3A_45[%add3A_27, %dma_start3A_46, %dma_start3A_47] : memref<5x25x80xi32, #tpu.memory_space<hbm>> -> memref<1x25x80xi32, #tpu.memory_space<hbm>>
        %dma_start3A_49 = tpu.memref_squeeze %dma_start3A_48 : memref<1x25x80xi32, #tpu.memory_space<hbm>> -> memref<25x80xi32, #tpu.memory_space<hbm>>
        tpu.enqueue_dma source(%dma_start3A_49 : memref<25x80xi32, #tpu.memory_space<hbm>>) target(%arg13 : memref<25x80xi32, #tpu.memory_space<vmem>>) target_semaphore(%run_scoped3A : memref<!tpu.dma_semaphore, #tpu.memory_space<semaphore_mem>>)
        %dma_wait3A = arith.constant 0 : i32
        %dma_wait3A_50 = arith.constant 0 : i32
        %dma_wait3A_51 = arith.constant 0 : i32
        %dma_wait3A_52 = tpu.memref_slice %arg5[%arg1, %dma_wait3A, %dma_wait3A_50, %dma_wait3A_51] : memref<16x5x25x80xi32, #tpu.memory_space<hbm>> -> memref<1x5x25x80xi32, #tpu.memory_space<hbm>>
        %dma_wait3A_53 = tpu.memref_squeeze %dma_wait3A_52 : memref<1x5x25x80xi32, #tpu.memory_space<hbm>> -> memref<5x25x80xi32, #tpu.memory_space<hbm>>
        %dma_wait3A_54 = arith.constant 0 : i32
        %dma_wait3A_55 = arith.constant 0 : i32
        %dma_wait3A_56 = tpu.memref_slice %dma_wait3A_53[%add3A_27, %dma_wait3A_54, %dma_wait3A_55] : memref<5x25x80xi32, #tpu.memory_space<hbm>> -> memref<1x25x80xi32, #tpu.memory_space<hbm>>
        %dma_wait3A_57 = tpu.memref_squeeze %dma_wait3A_56 : memref<1x25x80xi32, #tpu.memory_space<hbm>> -> memref<25x80xi32, #tpu.memory_space<hbm>>
        %dma_wait3A_58 = arith.constant 0 : i32
        %dma_wait3A_59 = arith.constant 0 : i32
        %dma_wait3A_60 = arith.constant 0 : i32
        %dma_wait3A_61 = tpu.memref_slice %arg5[%arg1, %dma_wait3A_58, %dma_wait3A_59, %dma_wait3A_60] : memref<16x5x25x80xi32, #tpu.memory_space<hbm>> -> memref<1x5x25x80xi32, #tpu.memory_space<hbm>>
        %dma_wait3A_62 = tpu.memref_squeeze %dma_wait3A_61 : memref<1x5x25x80xi32, #tpu.memory_space<hbm>> -> memref<5x25x80xi32, #tpu.memory_space<hbm>>
        %dma_wait3A_63 = arith.constant 0 : i32
        %dma_wait3A_64 = arith.constant 0 : i32
        %dma_wait3A_65 = tpu.memref_slice %dma_wait3A_62[%add3A_27, %dma_wait3A_63, %dma_wait3A_64] : memref<5x25x80xi32, #tpu.memory_space<hbm>> -> memref<1x25x80xi32, #tpu.memory_space<hbm>>
        %dma_wait3A_66 = tpu.memref_squeeze %dma_wait3A_65 : memref<1x25x80xi32, #tpu.memory_space<hbm>> -> memref<25x80xi32, #tpu.memory_space<hbm>>
        tpu.wait_dma2 semaphore(%run_scoped3A : memref<!tpu.dma_semaphore, #tpu.memory_space<semaphore_mem>>) src(%dma_wait3A_66 : memref<25x80xi32, #tpu.memory_space<hbm>>) dst(%arg13 : memref<25x80xi32, #tpu.memory_space<vmem>>)
        tpu.yield
      }) : () -> ()
      %scan3A_28 = arith.constant 0 : i32
      %scan3A_29 = arith.constant 25 : i32
      %scan3A_30 = arith.addi %scan3A_28, %scan3A_29 : i32
      %scan3A_31 = arith.constant 1 : i32
      scf.for %scan3A_33 = %scan3A_28 to %scan3A_30 step %scan3A_31  : i32 {
        %mul3A_34 = arith.constant 1 : i32
        %mul3A_35 = arith.muli %scan3A_33, %mul3A_34 : i32
        %add3A_36 = arith.constant 0 : i32
        %add3A_37 = arith.addi %add3A_36, %mul3A_35 : i32
        %get3A = arith.index_cast %add3A_37 : i32 to index
        %get3A_38 = arith.constant 0 : index
        %get3A_39 = tpu.vector_load %arg13[%get3A, %get3A_38] {strides = array<i32>} : memref<25x80xi32, #tpu.memory_space<vmem>>, vector<16xi32>,
        %swap3A = arith.constant 0 : index
        %swap3A_40 = tpu.vector_load %arg14[%swap3A] {strides = array<i32>} : memref<80xi32, #tpu.memory_space<vmem>>, vector<16xi32>,
        tpu.vector_store %arg14[%swap3A], %get3A_39 {strides = array<i32>} : memref<80xi32, #tpu.memory_space<vmem>>, vector<16xi32>,
        %get3A_41 = arith.index_cast %add3A_37 : i32 to index
        %get3A_42 = arith.constant 16 : index
        %get3A_43 = tpu.vector_load %arg13[%get3A_41, %get3A_42] {strides = array<i32>} : memref<25x80xi32, #tpu.memory_space<vmem>>, vector<16xi32>,
        %swap3A_44 = arith.constant 16 : index
        %swap3A_45 = tpu.vector_load %arg14[%swap3A_44] {strides = array<i32>} : memref<80xi32, #tpu.memory_space<vmem>>, vector<16xi32>,
        tpu.vector_store %arg14[%swap3A_44], %get3A_43 {strides = array<i32>} : memref<80xi32, #tpu.memory_space<vmem>>, vector<16xi32>,
        %get3A_46 = arith.index_cast %add3A_37 : i32 to index
        %get3A_47 = arith.constant 32 : index
        %get3A_48 = tpu.vector_load %arg13[%get3A_46, %get3A_47] {strides = array<i32>} : memref<25x80xi32, #tpu.memory_space<vmem>>, vector<16xi32>,
        %swap3A_49 = arith.constant 32 : index
        %swap3A_50 = tpu.vector_load %arg14[%swap3A_49] {strides = array<i32>} : memref<80xi32, #tpu.memory_space<vmem>>, vector<16xi32>,
        tpu.vector_store %arg14[%swap3A_49], %get3A_48 {strides = array<i32>} : memref<80xi32, #tpu.memory_space<vmem>>, vector<16xi32>,
        %get3A_51 = arith.index_cast %add3A_37 : i32 to index
        %get3A_52 = arith.constant 48 : index
        %get3A_53 = tpu.vector_load %arg13[%get3A_51, %get3A_52] {strides = array<i32>} : memref<25x80xi32, #tpu.memory_space<vmem>>, vector<16xi32>,
        %swap3A_54 = arith.constant 48 : index
        %swap3A_55 = tpu.vector_load %arg14[%swap3A_54] {strides = array<i32>} : memref<80xi32, #tpu.memory_space<vmem>>, vector<16xi32>,
        tpu.vector_store %arg14[%swap3A_54], %get3A_53 {strides = array<i32>} : memref<80xi32, #tpu.memory_space<vmem>>, vector<16xi32>,
        %get3A_56 = arith.index_cast %add3A_37 : i32 to index
        %get3A_57 = arith.constant 64 : index
        %get3A_58 = tpu.vector_load %arg13[%get3A_56, %get3A_57] {strides = array<i32>} : memref<25x80xi32, #tpu.memory_space<vmem>>, vector<16xi32>,
        %swap3A_59 = arith.constant 64 : index
        %swap3A_60 = tpu.vector_load %arg14[%swap3A_59] {strides = array<i32>} : memref<80xi32, #tpu.memory_space<vmem>>, vector<16xi32>,
        tpu.vector_store %arg14[%swap3A_59], %get3A_58 {strides = array<i32>} : memref<80xi32, #tpu.memory_space<vmem>>, vector<16xi32>,
        %dma_start3A = arith.constant 0 : i32
        %dma_start3A_61 = tpu.memref_slice %arg12[%add3A_37, %dma_start3A] : memref<25x80xi32, #tpu.memory_space<vmem>> -> memref<1x80xi32, #tpu.memory_space<vmem>>
        %dma_start3A_62 = tpu.memref_squeeze %dma_start3A_61 : memref<1x80xi32, #tpu.memory_space<vmem>> -> memref<80xi32, #tpu.memory_space<vmem>>
        %dma_start3A_63 = arith.constant 0 : i32
        %dma_start3A_64 = arith.constant 0 : i32
        %dma_start3A_65 = tpu.memref_slice %arg2[%arg0, %dma_start3A_63, %dma_start3A_64] : memref<2x10000x160xf32, #tpu.memory_space<hbm>> -> memref<1x10000x160xf32, #tpu.memory_space<hbm>>
        %dma_start3A_66 = tpu.memref_squeeze %dma_start3A_65 : memref<1x10000x160xf32, #tpu.memory_space<hbm>> -> memref<10000x160xf32, #tpu.memory_space<hbm>>
        %dma_start3A_67 = arith.constant 0 : i32
        %dma_start3A_68 = arith.constant 0 : i32
        %dma_start3A_69 = tpu.memref_slice %dma_start3A_66[%dma_start3A_67, %dma_start3A_68] : memref<10000x160xf32, #tpu.memory_space<hbm>> -> memref<10000x160xf32, #tpu.memory_space<hbm>>
        tpu.enqueue_indirect_dma source(%dma_start3A_69 : memref<10000x160xf32, #tpu.memory_space<hbm>>) target(%arg15 : memref<80x160xf32, #tpu.memory_space<vmem>>) offsets(%dma_start3A_62 : memref<80xi32, #tpu.memory_space<vmem>>) semaphore(%arg16 : memref<!tpu.dma_semaphore, #tpu.memory_space<semaphore_mem>>)
        %dma_wait3A = arith.constant 0 : i32
        %dma_wait3A_70 = tpu.memref_slice %arg12[%add3A_37, %dma_wait3A] : memref<25x80xi32, #tpu.memory_space<vmem>> -> memref<1x80xi32, #tpu.memory_space<vmem>>
        %dma_wait3A_71 = tpu.memref_squeeze %dma_wait3A_70 : memref<1x80xi32, #tpu.memory_space<vmem>> -> memref<80xi32, #tpu.memory_space<vmem>>
        %dma_wait3A_72 = arith.constant 0 : i32
        %dma_wait3A_73 = arith.constant 0 : i32
        %dma_wait3A_74 = tpu.memref_slice %arg2[%arg0, %dma_wait3A_72, %dma_wait3A_73] : memref<2x10000x160xf32, #tpu.memory_space<hbm>> -> memref<1x10000x160xf32, #tpu.memory_space<hbm>>
        %dma_wait3A_75 = tpu.memref_squeeze %dma_wait3A_74 : memref<1x10000x160xf32, #tpu.memory_space<hbm>> -> memref<10000x160xf32, #tpu.memory_space<hbm>>
        %dma_wait3A_76 = arith.constant 0 : i32
        %dma_wait3A_77 = arith.constant 0 : i32
        %dma_wait3A_78 = tpu.memref_slice %dma_wait3A_75[%dma_wait3A_76, %dma_wait3A_77] : memref<10000x160xf32, #tpu.memory_space<hbm>> -> memref<10000x160xf32, #tpu.memory_space<hbm>>
        tpu.wait_indirect_dma semaphore(%arg16 : memref<!tpu.dma_semaphore, #tpu.memory_space<semaphore_mem>>) src(%dma_wait3A_78 : memref<10000x160xf32, #tpu.memory_space<hbm>>) dst(%arg15 : memref<80x160xf32, #tpu.memory_space<vmem>>)
        "tpu.region"() ({
          %run_scoped3A = tpu.sem_alloc : memref<!tpu.dma_semaphore, #tpu.memory_space<semaphore_mem>>
          %dma_start3A_79 = arith.constant 0 : i32
          %dma_start3A_80 = arith.constant 0 : i32
          %dma_start3A_81 = tpu.memref_slice %arg11[%dma_start3A_79, %dma_start3A_80] : memref<10240x160xf32, #tpu.memory_space<vmem_shared>> -> memref<10240x160xf32, #tpu.memory_space<vmem_shared>>
          tpu.enqueue_indirect_dma source(%arg15 : memref<80x160xf32, #tpu.memory_space<vmem>>) target(%dma_start3A_81 : memref<10240x160xf32, #tpu.memory_space<vmem_shared>>) offsets(%arg14 : memref<80xi32, #tpu.memory_space<vmem>>) semaphore(%run_scoped3A : memref<!tpu.dma_semaphore, #tpu.memory_space<semaphore_mem>>) {add = true}
          %dma_wait3A_82 = arith.constant 0 : i32
          %dma_wait3A_83 = arith.constant 0 : i32
          %dma_wait3A_84 = tpu.memref_slice %arg11[%dma_wait3A_82, %dma_wait3A_83] : memref<10240x160xf32, #tpu.memory_space<vmem_shared>> -> memref<10240x160xf32, #tpu.memory_space<vmem_shared>>
          tpu.wait_indirect_dma semaphore(%run_scoped3A : memref<!tpu.dma_semaphore, #tpu.memory_space<semaphore_mem>>) src(%arg15 : memref<80x160xf32, #tpu.memory_space<vmem>>) dst(%dma_wait3A_84 : memref<10240x160xf32, #tpu.memory_space<vmem_shared>>)
          tpu.yield
        }) : () -> ()
      }
      %scan3A_32 = arith.constant 25 : i32
    }
    %scan3A_4 = arith.constant 5 : i32
    %barrier3A_5 = arith.constant 0 : index
    tpu.barrier barrier_id(%barrier3A_5)
    %mul3A_6 = arith.constant 640 : i32
    %mul3A_7 = arith.muli %arg1, %mul3A_6 : i32
    %multiple_of3A_8 = tpu.assume_multiple %mul3A_7, 640 : i32
    "tpu.region"() ({
      %run_scoped3A = tpu.sem_alloc : memref<!tpu.dma_semaphore, #tpu.memory_space<semaphore_mem>>
      %dma_start3A = arith.constant 0 : i32
      %dma_start3A_24 = arith.constant 0 : i32
      %dma_start3A_25 = tpu.memref_slice %arg9[%arg0, %dma_start3A, %dma_start3A_24] : memref<2x10240x160xf32, #tpu.memory_space<hbm>> -> memref<1x10240x160xf32, #tpu.memory_space<hbm>>
      %dma_start3A_26 = tpu.memref_squeeze %dma_start3A_25 : memref<1x10240x160xf32, #tpu.memory_space<hbm>> -> memref<10240x160xf32, #tpu.memory_space<hbm>>
      %dma_start3A_27 = arith.constant 0 : i32
      %dma_start3A_28 = tpu.memref_slice %dma_start3A_26[%multiple_of3A_8, %dma_start3A_27] : memref<10240x160xf32, #tpu.memory_space<hbm>> -> memref<640x160xf32, #tpu.memory_space<hbm>>
      %dma_start3A_29 = arith.constant 0 : i32
      %dma_start3A_30 = tpu.memref_slice %arg11[%multiple_of3A_8, %dma_start3A_29] : memref<10240x160xf32, #tpu.memory_space<vmem_shared>> -> memref<640x160xf32, #tpu.memory_space<vmem_shared>>
      tpu.enqueue_dma source(%dma_start3A_30 : memref<640x160xf32, #tpu.memory_space<vmem_shared>>) target(%dma_start3A_28 : memref<640x160xf32, #tpu.memory_space<hbm>>) target_semaphore(%run_scoped3A : memref<!tpu.dma_semaphore, #tpu.memory_space<semaphore_mem>>)
      %dma_wait3A = arith.constant 0 : i32
      %dma_wait3A_31 = arith.constant 0 : i32
      %dma_wait3A_32 = tpu.memref_slice %arg9[%arg0, %dma_wait3A, %dma_wait3A_31] : memref<2x10240x160xf32, #tpu.memory_space<hbm>> -> memref<1x10240x160xf32, #tpu.memory_space<hbm>>
      %dma_wait3A_33 = tpu.memref_squeeze %dma_wait3A_32 : memref<1x10240x160xf32, #tpu.memory_space<hbm>> -> memref<10240x160xf32, #tpu.memory_space<hbm>>
      %dma_wait3A_34 = arith.constant 0 : i32
      %dma_wait3A_35 = tpu.memref_slice %dma_wait3A_33[%multiple_of3A_8, %dma_wait3A_34] : memref<10240x160xf32, #tpu.memory_space<hbm>> -> memref<640x160xf32, #tpu.memory_space<hbm>>
      %dma_wait3A_36 = arith.constant 0 : i32
      %dma_wait3A_37 = tpu.memref_slice %arg11[%multiple_of3A_8, %dma_wait3A_36] : memref<10240x160xf32, #tpu.memory_space<vmem_shared>> -> memref<640x160xf32, #tpu.memory_space<vmem_shared>>
      tpu.wait_dma2 semaphore(%run_scoped3A : memref<!tpu.dma_semaphore, #tpu.memory_space<semaphore_mem>>) src(%dma_wait3A_37 : memref<640x160xf32, #tpu.memory_space<vmem_shared>>) dst(%dma_wait3A_35 : memref<640x160xf32, #tpu.memory_space<hbm>>)
      tpu.yield
    }) : () -> ()
    %barrier3A_9 = arith.constant 0 : index
    tpu.barrier barrier_id(%barrier3A_9)
    %mul3A_10 = arith.constant 640 : i32
    %mul3A_11 = arith.muli %arg1, %mul3A_10 : i32
    %multiple_of3A_12 = tpu.assume_multiple %mul3A_11, 640 : i32
    "tpu.region"() ({
      %run_scoped3A = tpu.sem_alloc : memref<!tpu.dma_semaphore, #tpu.memory_space<semaphore_mem>>
      %dma_start3A = arith.constant 0 : i32
      %dma_start3A_24 = tpu.memref_slice %arg11[%multiple_of3A_12, %dma_start3A] : memref<10240x160xf32, #tpu.memory_space<vmem_shared>> -> memref<640x160xf32, #tpu.memory_space<vmem_shared>>
      tpu.enqueue_dma source(%arg8 : memref<640x160xf32, #tpu.memory_space<hbm>>) target(%dma_start3A_24 : memref<640x160xf32, #tpu.memory_space<vmem_shared>>) target_semaphore(%run_scoped3A : memref<!tpu.dma_semaphore, #tpu.memory_space<semaphore_mem>>)
      %dma_wait3A = arith.constant 0 : i32
      %dma_wait3A_25 = tpu.memref_slice %arg11[%multiple_of3A_12, %dma_wait3A] : memref<10240x160xf32, #tpu.memory_space<vmem_shared>> -> memref<640x160xf32, #tpu.memory_space<vmem_shared>>
      tpu.wait_dma2 semaphore(%run_scoped3A : memref<!tpu.dma_semaphore, #tpu.memory_space<semaphore_mem>>) src(%arg8 : memref<640x160xf32, #tpu.memory_space<hbm>>) dst(%dma_wait3A_25 : memref<640x160xf32, #tpu.memory_space<vmem_shared>>)
      tpu.yield
    }) : () -> ()
    %barrier3A_13 = arith.constant 0 : index
    tpu.barrier barrier_id(%barrier3A_13)
    %scan3A_14 = arith.constant 0 : i32
    %scan3A_15 = arith.constant 5 : i32
    %scan3A_16 = arith.addi %scan3A_14, %scan3A_15 : i32
    %scan3A_17 = arith.constant 1 : i32
    scf.for %scan3A_24 = %scan3A_14 to %scan3A_16 step %scan3A_17  : i32 {
      %mul3A_25 = arith.constant 1 : i32
      %mul3A_26 = arith.muli %scan3A_24, %mul3A_25 : i32
      %add3A = arith.constant 0 : i32
      %add3A_27 = arith.addi %add3A, %mul3A_26 : i32
      "tpu.region"() ({
        %run_scoped3A = tpu.sem_alloc : memref<!tpu.dma_semaphore, #tpu.memory_space<semaphore_mem>>
        %dma_start3A = arith.constant 0 : i32
        %dma_start3A_33 = arith.constant 0 : i32
        %dma_start3A_34 = arith.constant 0 : i32
        %dma_start3A_35 = tpu.memref_slice %arg6[%arg1, %dma_start3A, %dma_start3A_33, %dma_start3A_34] : memref<16x5x25x80xi32, #tpu.memory_space<hbm>> -> memref<1x5x25x80xi32, #tpu.memory_space<hbm>>
        %dma_start3A_36 = tpu.memref_squeeze %dma_start3A_35 : memref<1x5x25x80xi32, #tpu.memory_space<hbm>> -> memref<5x25x80xi32, #tpu.memory_space<hbm>>
        %dma_start3A_37 = arith.constant 0 : i32
        %dma_start3A_38 = arith.constant 0 : i32
        %dma_start3A_39 = tpu.memref_slice %dma_start3A_36[%add3A_27, %dma_start3A_37, %dma_start3A_38] : memref<5x25x80xi32, #tpu.memory_space<hbm>> -> memref<1x25x80xi32, #tpu.memory_space<hbm>>
        %dma_start3A_40 = tpu.memref_squeeze %dma_start3A_39 : memref<1x25x80xi32, #tpu.memory_space<hbm>> -> memref<25x80xi32, #tpu.memory_space<hbm>>
        %dma_start3A_41 = arith.constant 0 : i32
        %dma_start3A_42 = arith.constant 0 : i32
        %dma_start3A_43 = arith.constant 0 : i32
        %dma_start3A_44 = tpu.memref_slice %arg6[%arg1, %dma_start3A_41, %dma_start3A_42, %dma_start3A_43] : memref<16x5x25x80xi32, #tpu.memory_space<hbm>> -> memref<1x5x25x80xi32, #tpu.memory_space<hbm>>
        %dma_start3A_45 = tpu.memref_squeeze %dma_start3A_44 : memref<1x5x25x80xi32, #tpu.memory_space<hbm>> -> memref<5x25x80xi32, #tpu.memory_space<hbm>>
        %dma_start3A_46 = arith.constant 0 : i32
        %dma_start3A_47 = arith.constant 0 : i32
        %dma_start3A_48 = tpu.memref_slice %dma_start3A_45[%add3A_27, %dma_start3A_46, %dma_start3A_47] : memref<5x25x80xi32, #tpu.memory_space<hbm>> -> memref<1x25x80xi32, #tpu.memory_space<hbm>>
        %dma_start3A_49 = tpu.memref_squeeze %dma_start3A_48 : memref<1x25x80xi32, #tpu.memory_space<hbm>> -> memref<25x80xi32, #tpu.memory_space<hbm>>
        tpu.enqueue_dma source(%dma_start3A_49 : memref<25x80xi32, #tpu.memory_space<hbm>>) target(%arg12 : memref<25x80xi32, #tpu.memory_space<vmem>>) target_semaphore(%run_scoped3A : memref<!tpu.dma_semaphore, #tpu.memory_space<semaphore_mem>>)
        %dma_wait3A = arith.constant 0 : i32
        %dma_wait3A_50 = arith.constant 0 : i32
        %dma_wait3A_51 = arith.constant 0 : i32
        %dma_wait3A_52 = tpu.memref_slice %arg6[%arg1, %dma_wait3A, %dma_wait3A_50, %dma_wait3A_51] : memref<16x5x25x80xi32, #tpu.memory_space<hbm>> -> memref<1x5x25x80xi32, #tpu.memory_space<hbm>>
        %dma_wait3A_53 = tpu.memref_squeeze %dma_wait3A_52 : memref<1x5x25x80xi32, #tpu.memory_space<hbm>> -> memref<5x25x80xi32, #tpu.memory_space<hbm>>
        %dma_wait3A_54 = arith.constant 0 : i32
        %dma_wait3A_55 = arith.constant 0 : i32
        %dma_wait3A_56 = tpu.memref_slice %dma_wait3A_53[%add3A_27, %dma_wait3A_54, %dma_wait3A_55] : memref<5x25x80xi32, #tpu.memory_space<hbm>> -> memref<1x25x80xi32, #tpu.memory_space<hbm>>
        %dma_wait3A_57 = tpu.memref_squeeze %dma_wait3A_56 : memref<1x25x80xi32, #tpu.memory_space<hbm>> -> memref<25x80xi32, #tpu.memory_space<hbm>>
        %dma_wait3A_58 = arith.constant 0 : i32
        %dma_wait3A_59 = arith.constant 0 : i32
        %dma_wait3A_60 = arith.constant 0 : i32
        %dma_wait3A_61 = tpu.memref_slice %arg6[%arg1, %dma_wait3A_58, %dma_wait3A_59, %dma_wait3A_60] : memref<16x5x25x80xi32, #tpu.memory_space<hbm>> -> memref<1x5x25x80xi32, #tpu.memory_space<hbm>>
        %dma_wait3A_62 = tpu.memref_squeeze %dma_wait3A_61 : memref<1x5x25x80xi32, #tpu.memory_space<hbm>> -> memref<5x25x80xi32, #tpu.memory_space<hbm>>
        %dma_wait3A_63 = arith.constant 0 : i32
        %dma_wait3A_64 = arith.constant 0 : i32
        %dma_wait3A_65 = tpu.memref_slice %dma_wait3A_62[%add3A_27, %dma_wait3A_63, %dma_wait3A_64] : memref<5x25x80xi32, #tpu.memory_space<hbm>> -> memref<1x25x80xi32, #tpu.memory_space<hbm>>
        %dma_wait3A_66 = tpu.memref_squeeze %dma_wait3A_65 : memref<1x25x80xi32, #tpu.memory_space<hbm>> -> memref<25x80xi32, #tpu.memory_space<hbm>>
        tpu.wait_dma2 semaphore(%run_scoped3A : memref<!tpu.dma_semaphore, #tpu.memory_space<semaphore_mem>>) src(%dma_wait3A_66 : memref<25x80xi32, #tpu.memory_space<hbm>>) dst(%arg12 : memref<25x80xi32, #tpu.memory_space<vmem>>)
        tpu.yield
      }) : () -> ()
      "tpu.region"() ({
        %run_scoped3A = tpu.sem_alloc : memref<!tpu.dma_semaphore, #tpu.memory_space<semaphore_mem>>
        %dma_start3A = arith.constant 0 : i32
        %dma_start3A_33 = arith.constant 0 : i32
        %dma_start3A_34 = arith.constant 0 : i32
        %dma_start3A_35 = tpu.memref_slice %arg7[%arg1, %dma_start3A, %dma_start3A_33, %dma_start3A_34] : memref<16x5x25x80xi32, #tpu.memory_space<hbm>> -> memref<1x5x25x80xi32, #tpu.memory_space<hbm>>
        %dma_start3A_36 = tpu.memref_squeeze %dma_start3A_35 : memref<1x5x25x80xi32, #tpu.memory_space<hbm>> -> memref<5x25x80xi32, #tpu.memory_space<hbm>>
        %dma_start3A_37 = arith.constant 0 : i32
        %dma_start3A_38 = arith.constant 0 : i32
        %dma_start3A_39 = tpu.memref_slice %dma_start3A_36[%add3A_27, %dma_start3A_37, %dma_start3A_38] : memref<5x25x80xi32, #tpu.memory_space<hbm>> -> memref<1x25x80xi32, #tpu.memory_space<hbm>>
        %dma_start3A_40 = tpu.memref_squeeze %dma_start3A_39 : memref<1x25x80xi32, #tpu.memory_space<hbm>> -> memref<25x80xi32, #tpu.memory_space<hbm>>
        %dma_start3A_41 = arith.constant 0 : i32
        %dma_start3A_42 = arith.constant 0 : i32
        %dma_start3A_43 = arith.constant 0 : i32
        %dma_start3A_44 = tpu.memref_slice %arg7[%arg1, %dma_start3A_41, %dma_start3A_42, %dma_start3A_43] : memref<16x5x25x80xi32, #tpu.memory_space<hbm>> -> memref<1x5x25x80xi32, #tpu.memory_space<hbm>>
        %dma_start3A_45 = tpu.memref_squeeze %dma_start3A_44 : memref<1x5x25x80xi32, #tpu.memory_space<hbm>> -> memref<5x25x80xi32, #tpu.memory_space<hbm>>
        %dma_start3A_46 = arith.constant 0 : i32
        %dma_start3A_47 = arith.constant 0 : i32
        %dma_start3A_48 = tpu.memref_slice %dma_start3A_45[%add3A_27, %dma_start3A_46, %dma_start3A_47] : memref<5x25x80xi32, #tpu.memory_space<hbm>> -> memref<1x25x80xi32, #tpu.memory_space<hbm>>
        %dma_start3A_49 = tpu.memref_squeeze %dma_start3A_48 : memref<1x25x80xi32, #tpu.memory_space<hbm>> -> memref<25x80xi32, #tpu.memory_space<hbm>>
        tpu.enqueue_dma source(%dma_start3A_49 : memref<25x80xi32, #tpu.memory_space<hbm>>) target(%arg13 : memref<25x80xi32, #tpu.memory_space<vmem>>) target_semaphore(%run_scoped3A : memref<!tpu.dma_semaphore, #tpu.memory_space<semaphore_mem>>)
        %dma_wait3A = arith.constant 0 : i32
        %dma_wait3A_50 = arith.constant 0 : i32
        %dma_wait3A_51 = arith.constant 0 : i32
        %dma_wait3A_52 = tpu.memref_slice %arg7[%arg1, %dma_wait3A, %dma_wait3A_50, %dma_wait3A_51] : memref<16x5x25x80xi32, #tpu.memory_space<hbm>> -> memref<1x5x25x80xi32, #tpu.memory_space<hbm>>
        %dma_wait3A_53 = tpu.memref_squeeze %dma_wait3A_52 : memref<1x5x25x80xi32, #tpu.memory_space<hbm>> -> memref<5x25x80xi32, #tpu.memory_space<hbm>>
        %dma_wait3A_54 = arith.constant 0 : i32
        %dma_wait3A_55 = arith.constant 0 : i32
        %dma_wait3A_56 = tpu.memref_slice %dma_wait3A_53[%add3A_27, %dma_wait3A_54, %dma_wait3A_55] : memref<5x25x80xi32, #tpu.memory_space<hbm>> -> memref<1x25x80xi32, #tpu.memory_space<hbm>>
        %dma_wait3A_57 = tpu.memref_squeeze %dma_wait3A_56 : memref<1x25x80xi32, #tpu.memory_space<hbm>> -> memref<25x80xi32, #tpu.memory_space<hbm>>
        %dma_wait3A_58 = arith.constant 0 : i32
        %dma_wait3A_59 = arith.constant 0 : i32
        %dma_wait3A_60 = arith.constant 0 : i32
        %dma_wait3A_61 = tpu.memref_slice %arg7[%arg1, %dma_wait3A_58, %dma_wait3A_59, %dma_wait3A_60] : memref<16x5x25x80xi32, #tpu.memory_space<hbm>> -> memref<1x5x25x80xi32, #tpu.memory_space<hbm>>
        %dma_wait3A_62 = tpu.memref_squeeze %dma_wait3A_61 : memref<1x5x25x80xi32, #tpu.memory_space<hbm>> -> memref<5x25x80xi32, #tpu.memory_space<hbm>>
        %dma_wait3A_63 = arith.constant 0 : i32
        %dma_wait3A_64 = arith.constant 0 : i32
        %dma_wait3A_65 = tpu.memref_slice %dma_wait3A_62[%add3A_27, %dma_wait3A_63, %dma_wait3A_64] : memref<5x25x80xi32, #tpu.memory_space<hbm>> -> memref<1x25x80xi32, #tpu.memory_space<hbm>>
        %dma_wait3A_66 = tpu.memref_squeeze %dma_wait3A_65 : memref<1x25x80xi32, #tpu.memory_space<hbm>> -> memref<25x80xi32, #tpu.memory_space<hbm>>
        tpu.wait_dma2 semaphore(%run_scoped3A : memref<!tpu.dma_semaphore, #tpu.memory_space<semaphore_mem>>) src(%dma_wait3A_66 : memref<25x80xi32, #tpu.memory_space<hbm>>) dst(%arg13 : memref<25x80xi32, #tpu.memory_space<vmem>>)
        tpu.yield
      }) : () -> ()
      %scan3A_28 = arith.constant 0 : i32
      %scan3A_29 = arith.constant 25 : i32
      %scan3A_30 = arith.addi %scan3A_28, %scan3A_29 : i32
      %scan3A_31 = arith.constant 1 : i32
      scf.for %scan3A_33 = %scan3A_28 to %scan3A_30 step %scan3A_31  : i32 {
        %mul3A_34 = arith.constant 1 : i32
        %mul3A_35 = arith.muli %scan3A_33, %mul3A_34 : i32
        %add3A_36 = arith.constant 0 : i32
        %add3A_37 = arith.addi %add3A_36, %mul3A_35 : i32
        %get3A = arith.index_cast %add3A_37 : i32 to index
        %get3A_38 = arith.constant 0 : index
        %get3A_39 = tpu.vector_load %arg13[%get3A, %get3A_38] {strides = array<i32>} : memref<25x80xi32, #tpu.memory_space<vmem>>, vector<16xi32>,
        %swap3A = arith.constant 0 : index
        %swap3A_40 = tpu.vector_load %arg14[%swap3A] {strides = array<i32>} : memref<80xi32, #tpu.memory_space<vmem>>, vector<16xi32>,
        tpu.vector_store %arg14[%swap3A], %get3A_39 {strides = array<i32>} : memref<80xi32, #tpu.memory_space<vmem>>, vector<16xi32>,
        %get3A_41 = arith.index_cast %add3A_37 : i32 to index
        %get3A_42 = arith.constant 16 : index
        %get3A_43 = tpu.vector_load %arg13[%get3A_41, %get3A_42] {strides = array<i32>} : memref<25x80xi32, #tpu.memory_space<vmem>>, vector<16xi32>,
        %swap3A_44 = arith.constant 16 : index
        %swap3A_45 = tpu.vector_load %arg14[%swap3A_44] {strides = array<i32>} : memref<80xi32, #tpu.memory_space<vmem>>, vector<16xi32>,
        tpu.vector_store %arg14[%swap3A_44], %get3A_43 {strides = array<i32>} : memref<80xi32, #tpu.memory_space<vmem>>, vector<16xi32>,
        %get3A_46 = arith.index_cast %add3A_37 : i32 to index
        %get3A_47 = arith.constant 32 : index
        %get3A_48 = tpu.vector_load %arg13[%get3A_46, %get3A_47] {strides = array<i32>} : memref<25x80xi32, #tpu.memory_space<vmem>>, vector<16xi32>,
        %swap3A_49 = arith.constant 32 : index
        %swap3A_50 = tpu.vector_load %arg14[%swap3A_49] {strides = array<i32>} : memref<80xi32, #tpu.memory_space<vmem>>, vector<16xi32>,
        tpu.vector_store %arg14[%swap3A_49], %get3A_48 {strides = array<i32>} : memref<80xi32, #tpu.memory_space<vmem>>, vector<16xi32>,
        %get3A_51 = arith.index_cast %add3A_37 : i32 to index
        %get3A_52 = arith.constant 48 : index
        %get3A_53 = tpu.vector_load %arg13[%get3A_51, %get3A_52] {strides = array<i32>} : memref<25x80xi32, #tpu.memory_space<vmem>>, vector<16xi32>,
        %swap3A_54 = arith.constant 48 : index
        %swap3A_55 = tpu.vector_load %arg14[%swap3A_54] {strides = array<i32>} : memref<80xi32, #tpu.memory_space<vmem>>, vector<16xi32>,
        tpu.vector_store %arg14[%swap3A_54], %get3A_53 {strides = array<i32>} : memref<80xi32, #tpu.memory_space<vmem>>, vector<16xi32>,
        %get3A_56 = arith.index_cast %add3A_37 : i32 to index
        %get3A_57 = arith.constant 64 : index
        %get3A_58 = tpu.vector_load %arg13[%get3A_56, %get3A_57] {strides = array<i32>} : memref<25x80xi32, #tpu.memory_space<vmem>>, vector<16xi32>,
        %swap3A_59 = arith.constant 64 : index
        %swap3A_60 = tpu.vector_load %arg14[%swap3A_59] {strides = array<i32>} : memref<80xi32, #tpu.memory_space<vmem>>, vector<16xi32>,
        tpu.vector_store %arg14[%swap3A_59], %get3A_58 {strides = array<i32>} : memref<80xi32, #tpu.memory_space<vmem>>, vector<16xi32>,
        %dma_start3A = arith.constant 0 : i32
        %dma_start3A_61 = tpu.memref_slice %arg12[%add3A_37, %dma_start3A] : memref<25x80xi32, #tpu.memory_space<vmem>> -> memref<1x80xi32, #tpu.memory_space<vmem>>
        %dma_start3A_62 = tpu.memref_squeeze %dma_start3A_61 : memref<1x80xi32, #tpu.memory_space<vmem>> -> memref<80xi32, #tpu.memory_space<vmem>>
        %dma_start3A_63 = arith.constant 0 : i32
        %dma_start3A_64 = arith.constant 0 : i32
        %dma_start3A_65 = tpu.memref_slice %arg3[%arg0, %dma_start3A_63, %dma_start3A_64] : memref<2x10000x160xf32, #tpu.memory_space<hbm>> -> memref<1x10000x160xf32, #tpu.memory_space<hbm>>
        %dma_start3A_66 = tpu.memref_squeeze %dma_start3A_65 : memref<1x10000x160xf32, #tpu.memory_space<hbm>> -> memref<10000x160xf32, #tpu.memory_space<hbm>>
        %dma_start3A_67 = arith.constant 0 : i32
        %dma_start3A_68 = arith.constant 0 : i32
        %dma_start3A_69 = tpu.memref_slice %dma_start3A_66[%dma_start3A_67, %dma_start3A_68] : memref<10000x160xf32, #tpu.memory_space<hbm>> -> memref<10000x160xf32, #tpu.memory_space<hbm>>
        tpu.enqueue_indirect_dma source(%dma_start3A_69 : memref<10000x160xf32, #tpu.memory_space<hbm>>) target(%arg15 : memref<80x160xf32, #tpu.memory_space<vmem>>) offsets(%dma_start3A_62 : memref<80xi32, #tpu.memory_space<vmem>>) semaphore(%arg16 : memref<!tpu.dma_semaphore, #tpu.memory_space<semaphore_mem>>)
        %dma_wait3A = arith.constant 0 : i32
        %dma_wait3A_70 = tpu.memref_slice %arg12[%add3A_37, %dma_wait3A] : memref<25x80xi32, #tpu.memory_space<vmem>> -> memref<1x80xi32, #tpu.memory_space<vmem>>
        %dma_wait3A_71 = tpu.memref_squeeze %dma_wait3A_70 : memref<1x80xi32, #tpu.memory_space<vmem>> -> memref<80xi32, #tpu.memory_space<vmem>>
        %dma_wait3A_72 = arith.constant 0 : i32
        %dma_wait3A_73 = arith.constant 0 : i32
        %dma_wait3A_74 = tpu.memref_slice %arg3[%arg0, %dma_wait3A_72, %dma_wait3A_73] : memref<2x10000x160xf32, #tpu.memory_space<hbm>> -> memref<1x10000x160xf32, #tpu.memory_space<hbm>>
        %dma_wait3A_75 = tpu.memref_squeeze %dma_wait3A_74 : memref<1x10000x160xf32, #tpu.memory_space<hbm>> -> memref<10000x160xf32, #tpu.memory_space<hbm>>
        %dma_wait3A_76 = arith.constant 0 : i32
        %dma_wait3A_77 = arith.constant 0 : i32
        %dma_wait3A_78 = tpu.memref_slice %dma_wait3A_75[%dma_wait3A_76, %dma_wait3A_77] : memref<10000x160xf32, #tpu.memory_space<hbm>> -> memref<10000x160xf32, #tpu.memory_space<hbm>>
        tpu.wait_indirect_dma semaphore(%arg16 : memref<!tpu.dma_semaphore, #tpu.memory_space<semaphore_mem>>) src(%dma_wait3A_78 : memref<10000x160xf32, #tpu.memory_space<hbm>>) dst(%arg15 : memref<80x160xf32, #tpu.memory_space<vmem>>)
        "tpu.region"() ({
          %run_scoped3A = tpu.sem_alloc : memref<!tpu.dma_semaphore, #tpu.memory_space<semaphore_mem>>
          %dma_start3A_79 = arith.constant 0 : i32
          %dma_start3A_80 = arith.constant 0 : i32
          %dma_start3A_81 = tpu.memref_slice %arg11[%dma_start3A_79, %dma_start3A_80] : memref<10240x160xf32, #tpu.memory_space<vmem_shared>> -> memref<10240x160xf32, #tpu.memory_space<vmem_shared>>
          tpu.enqueue_indirect_dma source(%arg15 : memref<80x160xf32, #tpu.memory_space<vmem>>) target(%dma_start3A_81 : memref<10240x160xf32, #tpu.memory_space<vmem_shared>>) offsets(%arg14 : memref<80xi32, #tpu.memory_space<vmem>>) semaphore(%run_scoped3A : memref<!tpu.dma_semaphore, #tpu.memory_space<semaphore_mem>>) {add = true}
          %dma_wait3A_82 = arith.constant 0 : i32
          %dma_wait3A_83 = arith.constant 0 : i32
          %dma_wait3A_84 = tpu.memref_slice %arg11[%dma_wait3A_82, %dma_wait3A_83] : memref<10240x160xf32, #tpu.memory_space<vmem_shared>> -> memref<10240x160xf32, #tpu.memory_space<vmem_shared>>
          tpu.wait_indirect_dma semaphore(%run_scoped3A : memref<!tpu.dma_semaphore, #tpu.memory_space<semaphore_mem>>) src(%arg15 : memref<80x160xf32, #tpu.memory_space<vmem>>) dst(%dma_wait3A_84 : memref<10240x160xf32, #tpu.memory_space<vmem_shared>>)
          tpu.yield
        }) : () -> ()
      }
      %scan3A_32 = arith.constant 25 : i32
    }
    %scan3A_18 = arith.constant 5 : i32
    %barrier3A_19 = arith.constant 0 : index
    tpu.barrier barrier_id(%barrier3A_19)
    %mul3A_20 = arith.constant 640 : i32
    %mul3A_21 = arith.muli %arg1, %mul3A_20 : i32
    %multiple_of3A_22 = tpu.assume_multiple %mul3A_21, 640 : i32
    "tpu.region"() ({
      %run_scoped3A = tpu.sem_alloc : memref<!tpu.dma_semaphore, #tpu.memory_space<semaphore_mem>>
      %dma_start3A = arith.constant 0 : i32
      %dma_start3A_24 = arith.constant 0 : i32
      %dma_start3A_25 = tpu.memref_slice %arg10[%arg0, %dma_start3A, %dma_start3A_24] : memref<2x10240x160xf32, #tpu.memory_space<hbm>> -> memref<1x10240x160xf32, #tpu.memory_space<hbm>>
      %dma_start3A_26 = tpu.memref_squeeze %dma_start3A_25 : memref<1x10240x160xf32, #tpu.memory_space<hbm>> -> memref<10240x160xf32, #tpu.memory_space<hbm>>
      %dma_start3A_27 = arith.constant 0 : i32
      %dma_start3A_28 = tpu.memref_slice %dma_start3A_26[%multiple_of3A_22, %dma_start3A_27] : memref<10240x160xf32, #tpu.memory_space<hbm>> -> memref<640x160xf32, #tpu.memory_space<hbm>>
      %dma_start3A_29 = arith.constant 0 : i32
      %dma_start3A_30 = tpu.memref_slice %arg11[%multiple_of3A_22, %dma_start3A_29] : memref<10240x160xf32, #tpu.memory_space<vmem_shared>> -> memref<640x160xf32, #tpu.memory_space<vmem_shared>>
      tpu.enqueue_dma source(%dma_start3A_30 : memref<640x160xf32, #tpu.memory_space<vmem_shared>>) target(%dma_start3A_28 : memref<640x160xf32, #tpu.memory_space<hbm>>) target_semaphore(%run_scoped3A : memref<!tpu.dma_semaphore, #tpu.memory_space<semaphore_mem>>)
      %dma_wait3A = arith.constant 0 : i32
      %dma_wait3A_31 = arith.constant 0 : i32
      %dma_wait3A_32 = tpu.memref_slice %arg10[%arg0, %dma_wait3A, %dma_wait3A_31] : memref<2x10240x160xf32, #tpu.memory_space<hbm>> -> memref<1x10240x160xf32, #tpu.memory_space<hbm>>
      %dma_wait3A_33 = tpu.memref_squeeze %dma_wait3A_32 : memref<1x10240x160xf32, #tpu.memory_space<hbm>> -> memref<10240x160xf32, #tpu.memory_space<hbm>>
      %dma_wait3A_34 = arith.constant 0 : i32
      %dma_wait3A_35 = tpu.memref_slice %dma_wait3A_33[%multiple_of3A_22, %dma_wait3A_34] : memref<10240x160xf32, #tpu.memory_space<hbm>> -> memref<640x160xf32, #tpu.memory_space<hbm>>
      %dma_wait3A_36 = arith.constant 0 : i32
      %dma_wait3A_37 = tpu.memref_slice %arg11[%multiple_of3A_22, %dma_wait3A_36] : memref<10240x160xf32, #tpu.memory_space<vmem_shared>> -> memref<640x160xf32, #tpu.memory_space<vmem_shared>>
      tpu.wait_dma2 semaphore(%run_scoped3A : memref<!tpu.dma_semaphore, #tpu.memory_space<semaphore_mem>>) src(%dma_wait3A_37 : memref<640x160xf32, #tpu.memory_space<vmem_shared>>) dst(%dma_wait3A_35 : memref<640x160xf32, #tpu.memory_space<hbm>>)
      tpu.yield
    }) : () -> ()
    %barrier3A_23 = arith.constant 0 : index
    tpu.barrier barrier_id(%barrier3A_23)
    return
  }
}

#map = affine_map<(d0, d1) -> (0, 0, 0)>
module attributes {stable_mosaic.version = 14 : i64} {
  func.func @k(%arg0: i32, %arg1: i32, %arg2: memref<4x32x5000xi32, #tpu.memory_space<hbm>>, %arg3: memref<32x4x10240xf32, #tpu.memory_space<hbm>>, %arg4: memref<5000xi32, #tpu.memory_space<vmem>>, %arg5: memref<10240xf32, #tpu.memory_space<vmem>>) attributes {dimension_semantics = [#tpu.dimension_semantics<core_parallel>, #tpu.dimension_semantics<subcore_parallel>], iteration_bounds = array<i64: 2, 16>, scalar_prefetch = 0 : i64, scratch_operands = 2 : i64, tpu.core_type = #tpu.core_type<sc_vector_subcore>, window_params = [{transform_indices = #map}, {transform_indices = #map}]} {
    %mul3A = arith.constant 2 : i32
    %mul3A_0 = arith.muli %arg1, %mul3A : i32
    %add3A = arith.addi %mul3A_0, %arg0 : i32
    %broadcast_in_dim3A = arith.constant 1.000000e+00 : f32
    %broadcast_in_dim3A_1 = vector.broadcast %broadcast_in_dim3A : f32 to vector<16xf32>
    %broadcast_in_dim3A_2 = arith.constant 0.000000e+00 : f32
    %broadcast_in_dim3A_3 = vector.broadcast %broadcast_in_dim3A_2 : f32 to vector<16xf32>
    %run_scoped3A = arith.constant 0 : i32
    "tpu.region"() ({
      %run_scoped3A_50 = tpu.sem_alloc : memref<!tpu.dma_semaphore, #tpu.memory_space<semaphore_mem>>
      %dma_start3A = arith.constant 0 : i32
      %dma_start3A_51 = arith.constant 0 : i32
      %dma_start3A_52 = tpu.memref_slice %arg2[%run_scoped3A, %dma_start3A, %dma_start3A_51] : memref<4x32x5000xi32, #tpu.memory_space<hbm>> -> memref<1x32x5000xi32, #tpu.memory_space<hbm>>
      %dma_start3A_53 = tpu.memref_squeeze %dma_start3A_52 : memref<1x32x5000xi32, #tpu.memory_space<hbm>> -> memref<32x5000xi32, #tpu.memory_space<hbm>>
      %dma_start3A_54 = arith.constant 0 : i32
      %dma_start3A_55 = tpu.memref_slice %dma_start3A_53[%add3A, %dma_start3A_54] : memref<32x5000xi32, #tpu.memory_space<hbm>> -> memref<1x5000xi32, #tpu.memory_space<hbm>>
      %dma_start3A_56 = tpu.memref_squeeze %dma_start3A_55 : memref<1x5000xi32, #tpu.memory_space<hbm>> -> memref<5000xi32, #tpu.memory_space<hbm>>
      %dma_start3A_57 = arith.constant 0 : i32
      %dma_start3A_58 = arith.constant 0 : i32
      %dma_start3A_59 = tpu.memref_slice %arg2[%run_scoped3A, %dma_start3A_57, %dma_start3A_58] : memref<4x32x5000xi32, #tpu.memory_space<hbm>> -> memref<1x32x5000xi32, #tpu.memory_space<hbm>>
      %dma_start3A_60 = tpu.memref_squeeze %dma_start3A_59 : memref<1x32x5000xi32, #tpu.memory_space<hbm>> -> memref<32x5000xi32, #tpu.memory_space<hbm>>
      %dma_start3A_61 = arith.constant 0 : i32
      %dma_start3A_62 = tpu.memref_slice %dma_start3A_60[%add3A, %dma_start3A_61] : memref<32x5000xi32, #tpu.memory_space<hbm>> -> memref<1x5000xi32, #tpu.memory_space<hbm>>
      %dma_start3A_63 = tpu.memref_squeeze %dma_start3A_62 : memref<1x5000xi32, #tpu.memory_space<hbm>> -> memref<5000xi32, #tpu.memory_space<hbm>>
      tpu.enqueue_dma source(%dma_start3A_63 : memref<5000xi32, #tpu.memory_space<hbm>>) target(%arg4 : memref<5000xi32, #tpu.memory_space<vmem>>) target_semaphore(%run_scoped3A_50 : memref<!tpu.dma_semaphore, #tpu.memory_space<semaphore_mem>>)
      %dma_wait3A = arith.constant 0 : i32
      %dma_wait3A_64 = arith.constant 0 : i32
      %dma_wait3A_65 = tpu.memref_slice %arg2[%run_scoped3A, %dma_wait3A, %dma_wait3A_64] : memref<4x32x5000xi32, #tpu.memory_space<hbm>> -> memref<1x32x5000xi32, #tpu.memory_space<hbm>>
      %dma_wait3A_66 = tpu.memref_squeeze %dma_wait3A_65 : memref<1x32x5000xi32, #tpu.memory_space<hbm>> -> memref<32x5000xi32, #tpu.memory_space<hbm>>
      %dma_wait3A_67 = arith.constant 0 : i32
      %dma_wait3A_68 = tpu.memref_slice %dma_wait3A_66[%add3A, %dma_wait3A_67] : memref<32x5000xi32, #tpu.memory_space<hbm>> -> memref<1x5000xi32, #tpu.memory_space<hbm>>
      %dma_wait3A_69 = tpu.memref_squeeze %dma_wait3A_68 : memref<1x5000xi32, #tpu.memory_space<hbm>> -> memref<5000xi32, #tpu.memory_space<hbm>>
      %dma_wait3A_70 = arith.constant 0 : i32
      %dma_wait3A_71 = arith.constant 0 : i32
      %dma_wait3A_72 = tpu.memref_slice %arg2[%run_scoped3A, %dma_wait3A_70, %dma_wait3A_71] : memref<4x32x5000xi32, #tpu.memory_space<hbm>> -> memref<1x32x5000xi32, #tpu.memory_space<hbm>>
      %dma_wait3A_73 = tpu.memref_squeeze %dma_wait3A_72 : memref<1x32x5000xi32, #tpu.memory_space<hbm>> -> memref<32x5000xi32, #tpu.memory_space<hbm>>
      %dma_wait3A_74 = arith.constant 0 : i32
      %dma_wait3A_75 = tpu.memref_slice %dma_wait3A_73[%add3A, %dma_wait3A_74] : memref<32x5000xi32, #tpu.memory_space<hbm>> -> memref<1x5000xi32, #tpu.memory_space<hbm>>
      %dma_wait3A_76 = tpu.memref_squeeze %dma_wait3A_75 : memref<1x5000xi32, #tpu.memory_space<hbm>> -> memref<5000xi32, #tpu.memory_space<hbm>>
      tpu.wait_dma2 semaphore(%run_scoped3A_50 : memref<!tpu.dma_semaphore, #tpu.memory_space<semaphore_mem>>) src(%dma_wait3A_76 : memref<5000xi32, #tpu.memory_space<hbm>>) dst(%arg4 : memref<5000xi32, #tpu.memory_space<vmem>>)
      tpu.yield
    }) : () -> ()
    %scan3A = arith.constant 0 : i32
    %scan3A_4 = arith.constant 640 : i32
    %scan3A_5 = arith.addi %scan3A, %scan3A_4 : i32
    %scan3A_6 = arith.constant 1 : i32
    scf.for %scan3A_50 = %scan3A to %scan3A_5 step %scan3A_6  : i32 {
      %mul3A_51 = arith.constant 1 : i32
      %mul3A_52 = arith.muli %scan3A_50, %mul3A_51 : i32
      %add3A_53 = arith.constant 0 : i32
      %add3A_54 = arith.addi %add3A_53, %mul3A_52 : i32
      %mul3A_55 = arith.constant 16 : i32
      %mul3A_56 = arith.muli %add3A_54, %mul3A_55 : i32
      %swap3A = arith.index_cast %mul3A_56 : i32 to index
      %swap3A_57 = tpu.vector_load %arg5[%swap3A] {strides = array<i32>} : memref<10240xf32, #tpu.memory_space<vmem>>, vector<16xf32>,
      tpu.vector_store %arg5[%swap3A], %broadcast_in_dim3A_3 {strides = array<i32>} : memref<10240xf32, #tpu.memory_space<vmem>>, vector<16xf32>,
    }
    %scan3A_7 = arith.constant 640 : i32
    %scan3A_8 = arith.constant 0 : i32
    %scan3A_9 = arith.constant 312 : i32
    %scan3A_10 = arith.addi %scan3A_8, %scan3A_9 : i32
    %scan3A_11 = arith.constant 1 : i32
    scf.for %scan3A_50 = %scan3A_8 to %scan3A_10 step %scan3A_11  : i32 {
      %mul3A_51 = arith.constant 1 : i32
      %mul3A_52 = arith.muli %scan3A_50, %mul3A_51 : i32
      %add3A_53 = arith.constant 0 : i32
      %add3A_54 = arith.addi %add3A_53, %mul3A_52 : i32
      %mul3A_55 = arith.constant 16 : i32
      %mul3A_56 = arith.muli %add3A_54, %mul3A_55 : i32
      %get3A = arith.index_cast %mul3A_56 : i32 to index
      %get3A_57 = tpu.vector_load %arg4[%get3A] {strides = array<i32>} : memref<5000xi32, #tpu.memory_space<vmem>>, vector<16xi32>,
      tpu.vector_store_idx %arg5[%get3A_57], %broadcast_in_dim3A_1 {add = true} : memref<10240xf32, #tpu.memory_space<vmem>>[vector<16xi32>], vector<16xf32>,
    }
    %scan3A_12 = arith.constant 312 : i32
    %run_scoped3A_13 = arith.constant 0 : i32
    "tpu.region"() ({
      %run_scoped3A_50 = tpu.sem_alloc : memref<!tpu.dma_semaphore, #tpu.memory_space<semaphore_mem>>
      %dma_start3A = arith.constant 0 : i32
      %dma_start3A_51 = tpu.memref_slice %arg3[%add3A, %run_scoped3A_13, %dma_start3A] : memref<32x4x10240xf32, #tpu.memory_space<hbm>> -> memref<1x1x10240xf32, #tpu.memory_space<hbm>>
      %dma_start3A_52 = tpu.memref_squeeze %dma_start3A_51 : memref<1x1x10240xf32, #tpu.memory_space<hbm>> -> memref<10240xf32, #tpu.memory_space<hbm>>
      %dma_start3A_53 = arith.constant 0 : i32
      %dma_start3A_54 = tpu.memref_slice %arg3[%add3A, %run_scoped3A_13, %dma_start3A_53] : memref<32x4x10240xf32, #tpu.memory_space<hbm>> -> memref<1x1x10240xf32, #tpu.memory_space<hbm>>
      %dma_start3A_55 = tpu.memref_squeeze %dma_start3A_54 : memref<1x1x10240xf32, #tpu.memory_space<hbm>> -> memref<10240xf32, #tpu.memory_space<hbm>>
      tpu.enqueue_dma source(%arg5 : memref<10240xf32, #tpu.memory_space<vmem>>) target(%dma_start3A_55 : memref<10240xf32, #tpu.memory_space<hbm>>) target_semaphore(%run_scoped3A_50 : memref<!tpu.dma_semaphore, #tpu.memory_space<semaphore_mem>>)
      %dma_wait3A = arith.constant 0 : i32
      %dma_wait3A_56 = tpu.memref_slice %arg3[%add3A, %run_scoped3A_13, %dma_wait3A] : memref<32x4x10240xf32, #tpu.memory_space<hbm>> -> memref<1x1x10240xf32, #tpu.memory_space<hbm>>
      %dma_wait3A_57 = tpu.memref_squeeze %dma_wait3A_56 : memref<1x1x10240xf32, #tpu.memory_space<hbm>> -> memref<10240xf32, #tpu.memory_space<hbm>>
      %dma_wait3A_58 = arith.constant 0 : i32
      %dma_wait3A_59 = tpu.memref_slice %arg3[%add3A, %run_scoped3A_13, %dma_wait3A_58] : memref<32x4x10240xf32, #tpu.memory_space<hbm>> -> memref<1x1x10240xf32, #tpu.memory_space<hbm>>
      %dma_wait3A_60 = tpu.memref_squeeze %dma_wait3A_59 : memref<1x1x10240xf32, #tpu.memory_space<hbm>> -> memref<10240xf32, #tpu.memory_space<hbm>>
      tpu.wait_dma2 semaphore(%run_scoped3A_50 : memref<!tpu.dma_semaphore, #tpu.memory_space<semaphore_mem>>) src(%arg5 : memref<10240xf32, #tpu.memory_space<vmem>>) dst(%dma_wait3A_60 : memref<10240xf32, #tpu.memory_space<hbm>>)
      tpu.yield
    }) : () -> ()
    %run_scoped3A_14 = arith.constant 1 : i32
    "tpu.region"() ({
      %run_scoped3A_50 = tpu.sem_alloc : memref<!tpu.dma_semaphore, #tpu.memory_space<semaphore_mem>>
      %dma_start3A = arith.constant 0 : i32
      %dma_start3A_51 = arith.constant 0 : i32
      %dma_start3A_52 = tpu.memref_slice %arg2[%run_scoped3A_14, %dma_start3A, %dma_start3A_51] : memref<4x32x5000xi32, #tpu.memory_space<hbm>> -> memref<1x32x5000xi32, #tpu.memory_space<hbm>>
      %dma_start3A_53 = tpu.memref_squeeze %dma_start3A_52 : memref<1x32x5000xi32, #tpu.memory_space<hbm>> -> memref<32x5000xi32, #tpu.memory_space<hbm>>
      %dma_start3A_54 = arith.constant 0 : i32
      %dma_start3A_55 = tpu.memref_slice %dma_start3A_53[%add3A, %dma_start3A_54] : memref<32x5000xi32, #tpu.memory_space<hbm>> -> memref<1x5000xi32, #tpu.memory_space<hbm>>
      %dma_start3A_56 = tpu.memref_squeeze %dma_start3A_55 : memref<1x5000xi32, #tpu.memory_space<hbm>> -> memref<5000xi32, #tpu.memory_space<hbm>>
      %dma_start3A_57 = arith.constant 0 : i32
      %dma_start3A_58 = arith.constant 0 : i32
      %dma_start3A_59 = tpu.memref_slice %arg2[%run_scoped3A_14, %dma_start3A_57, %dma_start3A_58] : memref<4x32x5000xi32, #tpu.memory_space<hbm>> -> memref<1x32x5000xi32, #tpu.memory_space<hbm>>
      %dma_start3A_60 = tpu.memref_squeeze %dma_start3A_59 : memref<1x32x5000xi32, #tpu.memory_space<hbm>> -> memref<32x5000xi32, #tpu.memory_space<hbm>>
      %dma_start3A_61 = arith.constant 0 : i32
      %dma_start3A_62 = tpu.memref_slice %dma_start3A_60[%add3A, %dma_start3A_61] : memref<32x5000xi32, #tpu.memory_space<hbm>> -> memref<1x5000xi32, #tpu.memory_space<hbm>>
      %dma_start3A_63 = tpu.memref_squeeze %dma_start3A_62 : memref<1x5000xi32, #tpu.memory_space<hbm>> -> memref<5000xi32, #tpu.memory_space<hbm>>
      tpu.enqueue_dma source(%dma_start3A_63 : memref<5000xi32, #tpu.memory_space<hbm>>) target(%arg4 : memref<5000xi32, #tpu.memory_space<vmem>>) target_semaphore(%run_scoped3A_50 : memref<!tpu.dma_semaphore, #tpu.memory_space<semaphore_mem>>)
      %dma_wait3A = arith.constant 0 : i32
      %dma_wait3A_64 = arith.constant 0 : i32
      %dma_wait3A_65 = tpu.memref_slice %arg2[%run_scoped3A_14, %dma_wait3A, %dma_wait3A_64] : memref<4x32x5000xi32, #tpu.memory_space<hbm>> -> memref<1x32x5000xi32, #tpu.memory_space<hbm>>
      %dma_wait3A_66 = tpu.memref_squeeze %dma_wait3A_65 : memref<1x32x5000xi32, #tpu.memory_space<hbm>> -> memref<32x5000xi32, #tpu.memory_space<hbm>>
      %dma_wait3A_67 = arith.constant 0 : i32
      %dma_wait3A_68 = tpu.memref_slice %dma_wait3A_66[%add3A, %dma_wait3A_67] : memref<32x5000xi32, #tpu.memory_space<hbm>> -> memref<1x5000xi32, #tpu.memory_space<hbm>>
      %dma_wait3A_69 = tpu.memref_squeeze %dma_wait3A_68 : memref<1x5000xi32, #tpu.memory_space<hbm>> -> memref<5000xi32, #tpu.memory_space<hbm>>
      %dma_wait3A_70 = arith.constant 0 : i32
      %dma_wait3A_71 = arith.constant 0 : i32
      %dma_wait3A_72 = tpu.memref_slice %arg2[%run_scoped3A_14, %dma_wait3A_70, %dma_wait3A_71] : memref<4x32x5000xi32, #tpu.memory_space<hbm>> -> memref<1x32x5000xi32, #tpu.memory_space<hbm>>
      %dma_wait3A_73 = tpu.memref_squeeze %dma_wait3A_72 : memref<1x32x5000xi32, #tpu.memory_space<hbm>> -> memref<32x5000xi32, #tpu.memory_space<hbm>>
      %dma_wait3A_74 = arith.constant 0 : i32
      %dma_wait3A_75 = tpu.memref_slice %dma_wait3A_73[%add3A, %dma_wait3A_74] : memref<32x5000xi32, #tpu.memory_space<hbm>> -> memref<1x5000xi32, #tpu.memory_space<hbm>>
      %dma_wait3A_76 = tpu.memref_squeeze %dma_wait3A_75 : memref<1x5000xi32, #tpu.memory_space<hbm>> -> memref<5000xi32, #tpu.memory_space<hbm>>
      tpu.wait_dma2 semaphore(%run_scoped3A_50 : memref<!tpu.dma_semaphore, #tpu.memory_space<semaphore_mem>>) src(%dma_wait3A_76 : memref<5000xi32, #tpu.memory_space<hbm>>) dst(%arg4 : memref<5000xi32, #tpu.memory_space<vmem>>)
      tpu.yield
    }) : () -> ()
    %scan3A_15 = arith.constant 0 : i32
    %scan3A_16 = arith.constant 640 : i32
    %scan3A_17 = arith.addi %scan3A_15, %scan3A_16 : i32
    %scan3A_18 = arith.constant 1 : i32
    scf.for %scan3A_50 = %scan3A_15 to %scan3A_17 step %scan3A_18  : i32 {
      %mul3A_51 = arith.constant 1 : i32
      %mul3A_52 = arith.muli %scan3A_50, %mul3A_51 : i32
      %add3A_53 = arith.constant 0 : i32
      %add3A_54 = arith.addi %add3A_53, %mul3A_52 : i32
      %mul3A_55 = arith.constant 16 : i32
      %mul3A_56 = arith.muli %add3A_54, %mul3A_55 : i32
      %swap3A = arith.index_cast %mul3A_56 : i32 to index
      %swap3A_57 = tpu.vector_load %arg5[%swap3A] {strides = array<i32>} : memref<10240xf32, #tpu.memory_space<vmem>>, vector<16xf32>,
      tpu.vector_store %arg5[%swap3A], %broadcast_in_dim3A_3 {strides = array<i32>} : memref<10240xf32, #tpu.memory_space<vmem>>, vector<16xf32>,
    }
    %scan3A_19 = arith.constant 640 : i32
    %scan3A_20 = arith.constant 0 : i32
    %scan3A_21 = arith.constant 312 : i32
    %scan3A_22 = arith.addi %scan3A_20, %scan3A_21 : i32
    %scan3A_23 = arith.constant 1 : i32
    scf.for %scan3A_50 = %scan3A_20 to %scan3A_22 step %scan3A_23  : i32 {
      %mul3A_51 = arith.constant 1 : i32
      %mul3A_52 = arith.muli %scan3A_50, %mul3A_51 : i32
      %add3A_53 = arith.constant 0 : i32
      %add3A_54 = arith.addi %add3A_53, %mul3A_52 : i32
      %mul3A_55 = arith.constant 16 : i32
      %mul3A_56 = arith.muli %add3A_54, %mul3A_55 : i32
      %get3A = arith.index_cast %mul3A_56 : i32 to index
      %get3A_57 = tpu.vector_load %arg4[%get3A] {strides = array<i32>} : memref<5000xi32, #tpu.memory_space<vmem>>, vector<16xi32>,
      tpu.vector_store_idx %arg5[%get3A_57], %broadcast_in_dim3A_1 {add = true} : memref<10240xf32, #tpu.memory_space<vmem>>[vector<16xi32>], vector<16xf32>,
    }
    %scan3A_24 = arith.constant 312 : i32
    %run_scoped3A_25 = arith.constant 1 : i32
    "tpu.region"() ({
      %run_scoped3A_50 = tpu.sem_alloc : memref<!tpu.dma_semaphore, #tpu.memory_space<semaphore_mem>>
      %dma_start3A = arith.constant 0 : i32
      %dma_start3A_51 = tpu.memref_slice %arg3[%add3A, %run_scoped3A_25, %dma_start3A] : memref<32x4x10240xf32, #tpu.memory_space<hbm>> -> memref<1x1x10240xf32, #tpu.memory_space<hbm>>
      %dma_start3A_52 = tpu.memref_squeeze %dma_start3A_51 : memref<1x1x10240xf32, #tpu.memory_space<hbm>> -> memref<10240xf32, #tpu.memory_space<hbm>>
      %dma_start3A_53 = arith.constant 0 : i32
      %dma_start3A_54 = tpu.memref_slice %arg3[%add3A, %run_scoped3A_25, %dma_start3A_53] : memref<32x4x10240xf32, #tpu.memory_space<hbm>> -> memref<1x1x10240xf32, #tpu.memory_space<hbm>>
      %dma_start3A_55 = tpu.memref_squeeze %dma_start3A_54 : memref<1x1x10240xf32, #tpu.memory_space<hbm>> -> memref<10240xf32, #tpu.memory_space<hbm>>
      tpu.enqueue_dma source(%arg5 : memref<10240xf32, #tpu.memory_space<vmem>>) target(%dma_start3A_55 : memref<10240xf32, #tpu.memory_space<hbm>>) target_semaphore(%run_scoped3A_50 : memref<!tpu.dma_semaphore, #tpu.memory_space<semaphore_mem>>)
      %dma_wait3A = arith.constant 0 : i32
      %dma_wait3A_56 = tpu.memref_slice %arg3[%add3A, %run_scoped3A_25, %dma_wait3A] : memref<32x4x10240xf32, #tpu.memory_space<hbm>> -> memref<1x1x10240xf32, #tpu.memory_space<hbm>>
      %dma_wait3A_57 = tpu.memref_squeeze %dma_wait3A_56 : memref<1x1x10240xf32, #tpu.memory_space<hbm>> -> memref<10240xf32, #tpu.memory_space<hbm>>
      %dma_wait3A_58 = arith.constant 0 : i32
      %dma_wait3A_59 = tpu.memref_slice %arg3[%add3A, %run_scoped3A_25, %dma_wait3A_58] : memref<32x4x10240xf32, #tpu.memory_space<hbm>> -> memref<1x1x10240xf32, #tpu.memory_space<hbm>>
      %dma_wait3A_60 = tpu.memref_squeeze %dma_wait3A_59 : memref<1x1x10240xf32, #tpu.memory_space<hbm>> -> memref<10240xf32, #tpu.memory_space<hbm>>
      tpu.wait_dma2 semaphore(%run_scoped3A_50 : memref<!tpu.dma_semaphore, #tpu.memory_space<semaphore_mem>>) src(%arg5 : memref<10240xf32, #tpu.memory_space<vmem>>) dst(%dma_wait3A_60 : memref<10240xf32, #tpu.memory_space<hbm>>)
      tpu.yield
    }) : () -> ()
    %run_scoped3A_26 = arith.constant 2 : i32
    "tpu.region"() ({
      %run_scoped3A_50 = tpu.sem_alloc : memref<!tpu.dma_semaphore, #tpu.memory_space<semaphore_mem>>
      %dma_start3A = arith.constant 0 : i32
      %dma_start3A_51 = arith.constant 0 : i32
      %dma_start3A_52 = tpu.memref_slice %arg2[%run_scoped3A_26, %dma_start3A, %dma_start3A_51] : memref<4x32x5000xi32, #tpu.memory_space<hbm>> -> memref<1x32x5000xi32, #tpu.memory_space<hbm>>
      %dma_start3A_53 = tpu.memref_squeeze %dma_start3A_52 : memref<1x32x5000xi32, #tpu.memory_space<hbm>> -> memref<32x5000xi32, #tpu.memory_space<hbm>>
      %dma_start3A_54 = arith.constant 0 : i32
      %dma_start3A_55 = tpu.memref_slice %dma_start3A_53[%add3A, %dma_start3A_54] : memref<32x5000xi32, #tpu.memory_space<hbm>> -> memref<1x5000xi32, #tpu.memory_space<hbm>>
      %dma_start3A_56 = tpu.memref_squeeze %dma_start3A_55 : memref<1x5000xi32, #tpu.memory_space<hbm>> -> memref<5000xi32, #tpu.memory_space<hbm>>
      %dma_start3A_57 = arith.constant 0 : i32
      %dma_start3A_58 = arith.constant 0 : i32
      %dma_start3A_59 = tpu.memref_slice %arg2[%run_scoped3A_26, %dma_start3A_57, %dma_start3A_58] : memref<4x32x5000xi32, #tpu.memory_space<hbm>> -> memref<1x32x5000xi32, #tpu.memory_space<hbm>>
      %dma_start3A_60 = tpu.memref_squeeze %dma_start3A_59 : memref<1x32x5000xi32, #tpu.memory_space<hbm>> -> memref<32x5000xi32, #tpu.memory_space<hbm>>
      %dma_start3A_61 = arith.constant 0 : i32
      %dma_start3A_62 = tpu.memref_slice %dma_start3A_60[%add3A, %dma_start3A_61] : memref<32x5000xi32, #tpu.memory_space<hbm>> -> memref<1x5000xi32, #tpu.memory_space<hbm>>
      %dma_start3A_63 = tpu.memref_squeeze %dma_start3A_62 : memref<1x5000xi32, #tpu.memory_space<hbm>> -> memref<5000xi32, #tpu.memory_space<hbm>>
      tpu.enqueue_dma source(%dma_start3A_63 : memref<5000xi32, #tpu.memory_space<hbm>>) target(%arg4 : memref<5000xi32, #tpu.memory_space<vmem>>) target_semaphore(%run_scoped3A_50 : memref<!tpu.dma_semaphore, #tpu.memory_space<semaphore_mem>>)
      %dma_wait3A = arith.constant 0 : i32
      %dma_wait3A_64 = arith.constant 0 : i32
      %dma_wait3A_65 = tpu.memref_slice %arg2[%run_scoped3A_26, %dma_wait3A, %dma_wait3A_64] : memref<4x32x5000xi32, #tpu.memory_space<hbm>> -> memref<1x32x5000xi32, #tpu.memory_space<hbm>>
      %dma_wait3A_66 = tpu.memref_squeeze %dma_wait3A_65 : memref<1x32x5000xi32, #tpu.memory_space<hbm>> -> memref<32x5000xi32, #tpu.memory_space<hbm>>
      %dma_wait3A_67 = arith.constant 0 : i32
      %dma_wait3A_68 = tpu.memref_slice %dma_wait3A_66[%add3A, %dma_wait3A_67] : memref<32x5000xi32, #tpu.memory_space<hbm>> -> memref<1x5000xi32, #tpu.memory_space<hbm>>
      %dma_wait3A_69 = tpu.memref_squeeze %dma_wait3A_68 : memref<1x5000xi32, #tpu.memory_space<hbm>> -> memref<5000xi32, #tpu.memory_space<hbm>>
      %dma_wait3A_70 = arith.constant 0 : i32
      %dma_wait3A_71 = arith.constant 0 : i32
      %dma_wait3A_72 = tpu.memref_slice %arg2[%run_scoped3A_26, %dma_wait3A_70, %dma_wait3A_71] : memref<4x32x5000xi32, #tpu.memory_space<hbm>> -> memref<1x32x5000xi32, #tpu.memory_space<hbm>>
      %dma_wait3A_73 = tpu.memref_squeeze %dma_wait3A_72 : memref<1x32x5000xi32, #tpu.memory_space<hbm>> -> memref<32x5000xi32, #tpu.memory_space<hbm>>
      %dma_wait3A_74 = arith.constant 0 : i32
      %dma_wait3A_75 = tpu.memref_slice %dma_wait3A_73[%add3A, %dma_wait3A_74] : memref<32x5000xi32, #tpu.memory_space<hbm>> -> memref<1x5000xi32, #tpu.memory_space<hbm>>
      %dma_wait3A_76 = tpu.memref_squeeze %dma_wait3A_75 : memref<1x5000xi32, #tpu.memory_space<hbm>> -> memref<5000xi32, #tpu.memory_space<hbm>>
      tpu.wait_dma2 semaphore(%run_scoped3A_50 : memref<!tpu.dma_semaphore, #tpu.memory_space<semaphore_mem>>) src(%dma_wait3A_76 : memref<5000xi32, #tpu.memory_space<hbm>>) dst(%arg4 : memref<5000xi32, #tpu.memory_space<vmem>>)
      tpu.yield
    }) : () -> ()
    %scan3A_27 = arith.constant 0 : i32
    %scan3A_28 = arith.constant 640 : i32
    %scan3A_29 = arith.addi %scan3A_27, %scan3A_28 : i32
    %scan3A_30 = arith.constant 1 : i32
    scf.for %scan3A_50 = %scan3A_27 to %scan3A_29 step %scan3A_30  : i32 {
      %mul3A_51 = arith.constant 1 : i32
      %mul3A_52 = arith.muli %scan3A_50, %mul3A_51 : i32
      %add3A_53 = arith.constant 0 : i32
      %add3A_54 = arith.addi %add3A_53, %mul3A_52 : i32
      %mul3A_55 = arith.constant 16 : i32
      %mul3A_56 = arith.muli %add3A_54, %mul3A_55 : i32
      %swap3A = arith.index_cast %mul3A_56 : i32 to index
      %swap3A_57 = tpu.vector_load %arg5[%swap3A] {strides = array<i32>} : memref<10240xf32, #tpu.memory_space<vmem>>, vector<16xf32>,
      tpu.vector_store %arg5[%swap3A], %broadcast_in_dim3A_3 {strides = array<i32>} : memref<10240xf32, #tpu.memory_space<vmem>>, vector<16xf32>,
    }
    %scan3A_31 = arith.constant 640 : i32
    %scan3A_32 = arith.constant 0 : i32
    %scan3A_33 = arith.constant 312 : i32
    %scan3A_34 = arith.addi %scan3A_32, %scan3A_33 : i32
    %scan3A_35 = arith.constant 1 : i32
    scf.for %scan3A_50 = %scan3A_32 to %scan3A_34 step %scan3A_35  : i32 {
      %mul3A_51 = arith.constant 1 : i32
      %mul3A_52 = arith.muli %scan3A_50, %mul3A_51 : i32
      %add3A_53 = arith.constant 0 : i32
      %add3A_54 = arith.addi %add3A_53, %mul3A_52 : i32
      %mul3A_55 = arith.constant 16 : i32
      %mul3A_56 = arith.muli %add3A_54, %mul3A_55 : i32
      %get3A = arith.index_cast %mul3A_56 : i32 to index
      %get3A_57 = tpu.vector_load %arg4[%get3A] {strides = array<i32>} : memref<5000xi32, #tpu.memory_space<vmem>>, vector<16xi32>,
      tpu.vector_store_idx %arg5[%get3A_57], %broadcast_in_dim3A_1 {add = true} : memref<10240xf32, #tpu.memory_space<vmem>>[vector<16xi32>], vector<16xf32>,
    }
    %scan3A_36 = arith.constant 312 : i32
    %run_scoped3A_37 = arith.constant 2 : i32
    "tpu.region"() ({
      %run_scoped3A_50 = tpu.sem_alloc : memref<!tpu.dma_semaphore, #tpu.memory_space<semaphore_mem>>
      %dma_start3A = arith.constant 0 : i32
      %dma_start3A_51 = tpu.memref_slice %arg3[%add3A, %run_scoped3A_37, %dma_start3A] : memref<32x4x10240xf32, #tpu.memory_space<hbm>> -> memref<1x1x10240xf32, #tpu.memory_space<hbm>>
      %dma_start3A_52 = tpu.memref_squeeze %dma_start3A_51 : memref<1x1x10240xf32, #tpu.memory_space<hbm>> -> memref<10240xf32, #tpu.memory_space<hbm>>
      %dma_start3A_53 = arith.constant 0 : i32
      %dma_start3A_54 = tpu.memref_slice %arg3[%add3A, %run_scoped3A_37, %dma_start3A_53] : memref<32x4x10240xf32, #tpu.memory_space<hbm>> -> memref<1x1x10240xf32, #tpu.memory_space<hbm>>
      %dma_start3A_55 = tpu.memref_squeeze %dma_start3A_54 : memref<1x1x10240xf32, #tpu.memory_space<hbm>> -> memref<10240xf32, #tpu.memory_space<hbm>>
      tpu.enqueue_dma source(%arg5 : memref<10240xf32, #tpu.memory_space<vmem>>) target(%dma_start3A_55 : memref<10240xf32, #tpu.memory_space<hbm>>) target_semaphore(%run_scoped3A_50 : memref<!tpu.dma_semaphore, #tpu.memory_space<semaphore_mem>>)
      %dma_wait3A = arith.constant 0 : i32
      %dma_wait3A_56 = tpu.memref_slice %arg3[%add3A, %run_scoped3A_37, %dma_wait3A] : memref<32x4x10240xf32, #tpu.memory_space<hbm>> -> memref<1x1x10240xf32, #tpu.memory_space<hbm>>
      %dma_wait3A_57 = tpu.memref_squeeze %dma_wait3A_56 : memref<1x1x10240xf32, #tpu.memory_space<hbm>> -> memref<10240xf32, #tpu.memory_space<hbm>>
      %dma_wait3A_58 = arith.constant 0 : i32
      %dma_wait3A_59 = tpu.memref_slice %arg3[%add3A, %run_scoped3A_37, %dma_wait3A_58] : memref<32x4x10240xf32, #tpu.memory_space<hbm>> -> memref<1x1x10240xf32, #tpu.memory_space<hbm>>
      %dma_wait3A_60 = tpu.memref_squeeze %dma_wait3A_59 : memref<1x1x10240xf32, #tpu.memory_space<hbm>> -> memref<10240xf32, #tpu.memory_space<hbm>>
      tpu.wait_dma2 semaphore(%run_scoped3A_50 : memref<!tpu.dma_semaphore, #tpu.memory_space<semaphore_mem>>) src(%arg5 : memref<10240xf32, #tpu.memory_space<vmem>>) dst(%dma_wait3A_60 : memref<10240xf32, #tpu.memory_space<hbm>>)
      tpu.yield
    }) : () -> ()
    %run_scoped3A_38 = arith.constant 3 : i32
    "tpu.region"() ({
      %run_scoped3A_50 = tpu.sem_alloc : memref<!tpu.dma_semaphore, #tpu.memory_space<semaphore_mem>>
      %dma_start3A = arith.constant 0 : i32
      %dma_start3A_51 = arith.constant 0 : i32
      %dma_start3A_52 = tpu.memref_slice %arg2[%run_scoped3A_38, %dma_start3A, %dma_start3A_51] : memref<4x32x5000xi32, #tpu.memory_space<hbm>> -> memref<1x32x5000xi32, #tpu.memory_space<hbm>>
      %dma_start3A_53 = tpu.memref_squeeze %dma_start3A_52 : memref<1x32x5000xi32, #tpu.memory_space<hbm>> -> memref<32x5000xi32, #tpu.memory_space<hbm>>
      %dma_start3A_54 = arith.constant 0 : i32
      %dma_start3A_55 = tpu.memref_slice %dma_start3A_53[%add3A, %dma_start3A_54] : memref<32x5000xi32, #tpu.memory_space<hbm>> -> memref<1x5000xi32, #tpu.memory_space<hbm>>
      %dma_start3A_56 = tpu.memref_squeeze %dma_start3A_55 : memref<1x5000xi32, #tpu.memory_space<hbm>> -> memref<5000xi32, #tpu.memory_space<hbm>>
      %dma_start3A_57 = arith.constant 0 : i32
      %dma_start3A_58 = arith.constant 0 : i32
      %dma_start3A_59 = tpu.memref_slice %arg2[%run_scoped3A_38, %dma_start3A_57, %dma_start3A_58] : memref<4x32x5000xi32, #tpu.memory_space<hbm>> -> memref<1x32x5000xi32, #tpu.memory_space<hbm>>
      %dma_start3A_60 = tpu.memref_squeeze %dma_start3A_59 : memref<1x32x5000xi32, #tpu.memory_space<hbm>> -> memref<32x5000xi32, #tpu.memory_space<hbm>>
      %dma_start3A_61 = arith.constant 0 : i32
      %dma_start3A_62 = tpu.memref_slice %dma_start3A_60[%add3A, %dma_start3A_61] : memref<32x5000xi32, #tpu.memory_space<hbm>> -> memref<1x5000xi32, #tpu.memory_space<hbm>>
      %dma_start3A_63 = tpu.memref_squeeze %dma_start3A_62 : memref<1x5000xi32, #tpu.memory_space<hbm>> -> memref<5000xi32, #tpu.memory_space<hbm>>
      tpu.enqueue_dma source(%dma_start3A_63 : memref<5000xi32, #tpu.memory_space<hbm>>) target(%arg4 : memref<5000xi32, #tpu.memory_space<vmem>>) target_semaphore(%run_scoped3A_50 : memref<!tpu.dma_semaphore, #tpu.memory_space<semaphore_mem>>)
      %dma_wait3A = arith.constant 0 : i32
      %dma_wait3A_64 = arith.constant 0 : i32
      %dma_wait3A_65 = tpu.memref_slice %arg2[%run_scoped3A_38, %dma_wait3A, %dma_wait3A_64] : memref<4x32x5000xi32, #tpu.memory_space<hbm>> -> memref<1x32x5000xi32, #tpu.memory_space<hbm>>
      %dma_wait3A_66 = tpu.memref_squeeze %dma_wait3A_65 : memref<1x32x5000xi32, #tpu.memory_space<hbm>> -> memref<32x5000xi32, #tpu.memory_space<hbm>>
      %dma_wait3A_67 = arith.constant 0 : i32
      %dma_wait3A_68 = tpu.memref_slice %dma_wait3A_66[%add3A, %dma_wait3A_67] : memref<32x5000xi32, #tpu.memory_space<hbm>> -> memref<1x5000xi32, #tpu.memory_space<hbm>>
      %dma_wait3A_69 = tpu.memref_squeeze %dma_wait3A_68 : memref<1x5000xi32, #tpu.memory_space<hbm>> -> memref<5000xi32, #tpu.memory_space<hbm>>
      %dma_wait3A_70 = arith.constant 0 : i32
      %dma_wait3A_71 = arith.constant 0 : i32
      %dma_wait3A_72 = tpu.memref_slice %arg2[%run_scoped3A_38, %dma_wait3A_70, %dma_wait3A_71] : memref<4x32x5000xi32, #tpu.memory_space<hbm>> -> memref<1x32x5000xi32, #tpu.memory_space<hbm>>
      %dma_wait3A_73 = tpu.memref_squeeze %dma_wait3A_72 : memref<1x32x5000xi32, #tpu.memory_space<hbm>> -> memref<32x5000xi32, #tpu.memory_space<hbm>>
      %dma_wait3A_74 = arith.constant 0 : i32
      %dma_wait3A_75 = tpu.memref_slice %dma_wait3A_73[%add3A, %dma_wait3A_74] : memref<32x5000xi32, #tpu.memory_space<hbm>> -> memref<1x5000xi32, #tpu.memory_space<hbm>>
      %dma_wait3A_76 = tpu.memref_squeeze %dma_wait3A_75 : memref<1x5000xi32, #tpu.memory_space<hbm>> -> memref<5000xi32, #tpu.memory_space<hbm>>
      tpu.wait_dma2 semaphore(%run_scoped3A_50 : memref<!tpu.dma_semaphore, #tpu.memory_space<semaphore_mem>>) src(%dma_wait3A_76 : memref<5000xi32, #tpu.memory_space<hbm>>) dst(%arg4 : memref<5000xi32, #tpu.memory_space<vmem>>)
      tpu.yield
    }) : () -> ()
    %scan3A_39 = arith.constant 0 : i32
    %scan3A_40 = arith.constant 640 : i32
    %scan3A_41 = arith.addi %scan3A_39, %scan3A_40 : i32
    %scan3A_42 = arith.constant 1 : i32
    scf.for %scan3A_50 = %scan3A_39 to %scan3A_41 step %scan3A_42  : i32 {
      %mul3A_51 = arith.constant 1 : i32
      %mul3A_52 = arith.muli %scan3A_50, %mul3A_51 : i32
      %add3A_53 = arith.constant 0 : i32
      %add3A_54 = arith.addi %add3A_53, %mul3A_52 : i32
      %mul3A_55 = arith.constant 16 : i32
      %mul3A_56 = arith.muli %add3A_54, %mul3A_55 : i32
      %swap3A = arith.index_cast %mul3A_56 : i32 to index
      %swap3A_57 = tpu.vector_load %arg5[%swap3A] {strides = array<i32>} : memref<10240xf32, #tpu.memory_space<vmem>>, vector<16xf32>,
      tpu.vector_store %arg5[%swap3A], %broadcast_in_dim3A_3 {strides = array<i32>} : memref<10240xf32, #tpu.memory_space<vmem>>, vector<16xf32>,
    }
    %scan3A_43 = arith.constant 640 : i32
    %scan3A_44 = arith.constant 0 : i32
    %scan3A_45 = arith.constant 312 : i32
    %scan3A_46 = arith.addi %scan3A_44, %scan3A_45 : i32
    %scan3A_47 = arith.constant 1 : i32
    scf.for %scan3A_50 = %scan3A_44 to %scan3A_46 step %scan3A_47  : i32 {
      %mul3A_51 = arith.constant 1 : i32
      %mul3A_52 = arith.muli %scan3A_50, %mul3A_51 : i32
      %add3A_53 = arith.constant 0 : i32
      %add3A_54 = arith.addi %add3A_53, %mul3A_52 : i32
      %mul3A_55 = arith.constant 16 : i32
      %mul3A_56 = arith.muli %add3A_54, %mul3A_55 : i32
      %get3A = arith.index_cast %mul3A_56 : i32 to index
      %get3A_57 = tpu.vector_load %arg4[%get3A] {strides = array<i32>} : memref<5000xi32, #tpu.memory_space<vmem>>, vector<16xi32>,
      tpu.vector_store_idx %arg5[%get3A_57], %broadcast_in_dim3A_1 {add = true} : memref<10240xf32, #tpu.memory_space<vmem>>[vector<16xi32>], vector<16xf32>,
    }
    %scan3A_48 = arith.constant 312 : i32
    %run_scoped3A_49 = arith.constant 3 : i32
    "tpu.region"() ({
      %run_scoped3A_50 = tpu.sem_alloc : memref<!tpu.dma_semaphore, #tpu.memory_space<semaphore_mem>>
      %dma_start3A = arith.constant 0 : i32
      %dma_start3A_51 = tpu.memref_slice %arg3[%add3A, %run_scoped3A_49, %dma_start3A] : memref<32x4x10240xf32, #tpu.memory_space<hbm>> -> memref<1x1x10240xf32, #tpu.memory_space<hbm>>
      %dma_start3A_52 = tpu.memref_squeeze %dma_start3A_51 : memref<1x1x10240xf32, #tpu.memory_space<hbm>> -> memref<10240xf32, #tpu.memory_space<hbm>>
      %dma_start3A_53 = arith.constant 0 : i32
      %dma_start3A_54 = tpu.memref_slice %arg3[%add3A, %run_scoped3A_49, %dma_start3A_53] : memref<32x4x10240xf32, #tpu.memory_space<hbm>> -> memref<1x1x10240xf32, #tpu.memory_space<hbm>>
      %dma_start3A_55 = tpu.memref_squeeze %dma_start3A_54 : memref<1x1x10240xf32, #tpu.memory_space<hbm>> -> memref<10240xf32, #tpu.memory_space<hbm>>
      tpu.enqueue_dma source(%arg5 : memref<10240xf32, #tpu.memory_space<vmem>>) target(%dma_start3A_55 : memref<10240xf32, #tpu.memory_space<hbm>>) target_semaphore(%run_scoped3A_50 : memref<!tpu.dma_semaphore, #tpu.memory_space<semaphore_mem>>)
      %dma_wait3A = arith.constant 0 : i32
      %dma_wait3A_56 = tpu.memref_slice %arg3[%add3A, %run_scoped3A_49, %dma_wait3A] : memref<32x4x10240xf32, #tpu.memory_space<hbm>> -> memref<1x1x10240xf32, #tpu.memory_space<hbm>>
      %dma_wait3A_57 = tpu.memref_squeeze %dma_wait3A_56 : memref<1x1x10240xf32, #tpu.memory_space<hbm>> -> memref<10240xf32, #tpu.memory_space<hbm>>
      %dma_wait3A_58 = arith.constant 0 : i32
      %dma_wait3A_59 = tpu.memref_slice %arg3[%add3A, %run_scoped3A_49, %dma_wait3A_58] : memref<32x4x10240xf32, #tpu.memory_space<hbm>> -> memref<1x1x10240xf32, #tpu.memory_space<hbm>>
      %dma_wait3A_60 = tpu.memref_squeeze %dma_wait3A_59 : memref<1x1x10240xf32, #tpu.memory_space<hbm>> -> memref<10240xf32, #tpu.memory_space<hbm>>
      tpu.wait_dma2 semaphore(%run_scoped3A_50 : memref<!tpu.dma_semaphore, #tpu.memory_space<semaphore_mem>>) src(%arg5 : memref<10240xf32, #tpu.memory_space<vmem>>) dst(%dma_wait3A_60 : memref<10240xf32, #tpu.memory_space<hbm>>)
      tpu.yield
    }) : () -> ()
    return
  }
}

#map = affine_map<(d0, d1) -> (0, 0, 0)>
#map1 = affine_map<(d0, d1) -> (0, 0, 0, 0)>
#map2 = affine_map<(d0, d1) -> (0, 0)>
module attributes {stable_mosaic.version = 14 : i64} {
  func.func @k(%arg0: i32, %arg1: i32, %arg2: memref<2x10000x160xf32, #tpu.memory_space<hbm>>, %arg3: memref<2x10000x160xf32, #tpu.memory_space<hbm>>, %arg4: memref<16x5x25x80xi32, #tpu.memory_space<hbm>>, %arg5: memref<16x5x25x80xi32, #tpu.memory_space<hbm>>, %arg6: memref<16x5x25x80xi32, #tpu.memory_space<hbm>>, %arg7: memref<16x5x25x80xi32, #tpu.memory_space<hbm>>, %arg8: memref<640x160xf32, #tpu.memory_space<hbm>>, %arg9: memref<2x10240x160xf32, #tpu.memory_space<hbm>>, %arg10: memref<2x10240x160xf32, #tpu.memory_space<hbm>>, %arg11: memref<10240x160xf32, #tpu.memory_space<vmem_shared>>, %arg12: memref<25x80xi32, #tpu.memory_space<vmem>>, %arg13: memref<25x80xi32, #tpu.memory_space<vmem>>, %arg14: memref<80xi32, #tpu.memory_space<vmem>>, %arg15: memref<80x160xf32, #tpu.memory_space<vmem>>, %arg16: memref<!tpu.dma_semaphore, #tpu.memory_space<semaphore_mem>>) attributes {dimension_semantics = [#tpu.dimension_semantics<core_parallel>, #tpu.dimension_semantics<subcore_parallel>], iteration_bounds = array<i64: 2, 16>, scalar_prefetch = 0 : i64, scratch_operands = 6 : i64, tpu.core_type = #tpu.core_type<sc_vector_subcore>, window_params = [{transform_indices = #map}, {transform_indices = #map}, {transform_indices = #map1}, {transform_indices = #map1}, {transform_indices = #map1}, {transform_indices = #map1}, {transform_indices = #map2}, {transform_indices = #map}, {transform_indices = #map}]} {
    %mul3A = arith.constant 640 : i32
    %mul3A_0 = arith.muli %arg1, %mul3A : i32
    %multiple_of3A = tpu.assume_multiple %mul3A_0, 640 : i32
    "tpu.region"() ({
      %run_scoped3A = tpu.sem_alloc : memref<!tpu.dma_semaphore, #tpu.memory_space<semaphore_mem>>
      %dma_start3A = arith.constant 0 : i32
      %dma_start3A_24 = tpu.memref_slice %arg11[%multiple_of3A, %dma_start3A] : memref<10240x160xf32, #tpu.memory_space<vmem_shared>> -> memref<640x160xf32, #tpu.memory_space<vmem_shared>>
      tpu.enqueue_dma source(%arg8 : memref<640x160xf32, #tpu.memory_space<hbm>>) target(%dma_start3A_24 : memref<640x160xf32, #tpu.memory_space<vmem_shared>>) target_semaphore(%run_scoped3A : memref<!tpu.dma_semaphore, #tpu.memory_space<semaphore_mem>>)
      %dma_wait3A = arith.constant 0 : i32
      %dma_wait3A_25 = tpu.memref_slice %arg11[%multiple_of3A, %dma_wait3A] : memref<10240x160xf32, #tpu.memory_space<vmem_shared>> -> memref<640x160xf32, #tpu.memory_space<vmem_shared>>
      tpu.wait_dma2 semaphore(%run_scoped3A : memref<!tpu.dma_semaphore, #tpu.memory_space<semaphore_mem>>) src(%arg8 : memref<640x160xf32, #tpu.memory_space<hbm>>) dst(%dma_wait3A_25 : memref<640x160xf32, #tpu.memory_space<vmem_shared>>)
      tpu.yield
    }) : () -> ()
    %barrier3A = arith.constant 0 : index
    tpu.barrier barrier_id(%barrier3A)
    %scan3A = arith.constant 0 : i32
    %scan3A_1 = arith.constant 5 : i32
    %scan3A_2 = arith.addi %scan3A, %scan3A_1 : i32
    %scan3A_3 = arith.constant 1 : i32
    scf.for %scan3A_24 = %scan3A to %scan3A_2 step %scan3A_3  : i32 {
      %mul3A_25 = arith.constant 1 : i32
      %mul3A_26 = arith.muli %scan3A_24, %mul3A_25 : i32
      %add3A = arith.constant 0 : i32
      %add3A_27 = arith.addi %add3A, %mul3A_26 : i32
      "tpu.region"() ({
        %run_scoped3A = tpu.sem_alloc : memref<!tpu.dma_semaphore, #tpu.memory_space<semaphore_mem>>
        %dma_start3A = arith.constant 0 : i32
        %dma_start3A_33 = arith.constant 0 : i32
        %dma_start3A_34 = arith.constant 0 : i32
        %dma_start3A_35 = tpu.memref_slice %arg4[%arg1, %dma_start3A, %dma_start3A_33, %dma_start3A_34] : memref<16x5x25x80xi32, #tpu.memory_space<hbm>> -> memref<1x5x25x80xi32, #tpu.memory_space<hbm>>
        %dma_start3A_36 = tpu.memref_squeeze %dma_start3A_35 : memref<1x5x25x80xi32, #tpu.memory_space<hbm>> -> memref<5x25x80xi32, #tpu.memory_space<hbm>>
        %dma_start3A_37 = arith.constant 0 : i32
        %dma_start3A_38 = arith.constant 0 : i32
        %dma_start3A_39 = tpu.memref_slice %dma_start3A_36[%add3A_27, %dma_start3A_37, %dma_start3A_38] : memref<5x25x80xi32, #tpu.memory_space<hbm>> -> memref<1x25x80xi32, #tpu.memory_space<hbm>>
        %dma_start3A_40 = tpu.memref_squeeze %dma_start3A_39 : memref<1x25x80xi32, #tpu.memory_space<hbm>> -> memref<25x80xi32, #tpu.memory_space<hbm>>
        %dma_start3A_41 = arith.constant 0 : i32
        %dma_start3A_42 = arith.constant 0 : i32
        %dma_start3A_43 = arith.constant 0 : i32
        %dma_start3A_44 = tpu.memref_slice %arg4[%arg1, %dma_start3A_41, %dma_start3A_42, %dma_start3A_43] : memref<16x5x25x80xi32, #tpu.memory_space<hbm>> -> memref<1x5x25x80xi32, #tpu.memory_space<hbm>>
        %dma_start3A_45 = tpu.memref_squeeze %dma_start3A_44 : memref<1x5x25x80xi32, #tpu.memory_space<hbm>> -> memref<5x25x80xi32, #tpu.memory_space<hbm>>
        %dma_start3A_46 = arith.constant 0 : i32
        %dma_start3A_47 = arith.constant 0 : i32
        %dma_start3A_48 = tpu.memref_slice %dma_start3A_45[%add3A_27, %dma_start3A_46, %dma_start3A_47] : memref<5x25x80xi32, #tpu.memory_space<hbm>> -> memref<1x25x80xi32, #tpu.memory_space<hbm>>
        %dma_start3A_49 = tpu.memref_squeeze %dma_start3A_48 : memref<1x25x80xi32, #tpu.memory_space<hbm>> -> memref<25x80xi32, #tpu.memory_space<hbm>>
        tpu.enqueue_dma source(%dma_start3A_49 : memref<25x80xi32, #tpu.memory_space<hbm>>) target(%arg12 : memref<25x80xi32, #tpu.memory_space<vmem>>) target_semaphore(%run_scoped3A : memref<!tpu.dma_semaphore, #tpu.memory_space<semaphore_mem>>)
        %dma_wait3A = arith.constant 0 : i32
        %dma_wait3A_50 = arith.constant 0 : i32
        %dma_wait3A_51 = arith.constant 0 : i32
        %dma_wait3A_52 = tpu.memref_slice %arg4[%arg1, %dma_wait3A, %dma_wait3A_50, %dma_wait3A_51] : memref<16x5x25x80xi32, #tpu.memory_space<hbm>> -> memref<1x5x25x80xi32, #tpu.memory_space<hbm>>
        %dma_wait3A_53 = tpu.memref_squeeze %dma_wait3A_52 : memref<1x5x25x80xi32, #tpu.memory_space<hbm>> -> memref<5x25x80xi32, #tpu.memory_space<hbm>>
        %dma_wait3A_54 = arith.constant 0 : i32
        %dma_wait3A_55 = arith.constant 0 : i32
        %dma_wait3A_56 = tpu.memref_slice %dma_wait3A_53[%add3A_27, %dma_wait3A_54, %dma_wait3A_55] : memref<5x25x80xi32, #tpu.memory_space<hbm>> -> memref<1x25x80xi32, #tpu.memory_space<hbm>>
        %dma_wait3A_57 = tpu.memref_squeeze %dma_wait3A_56 : memref<1x25x80xi32, #tpu.memory_space<hbm>> -> memref<25x80xi32, #tpu.memory_space<hbm>>
        %dma_wait3A_58 = arith.constant 0 : i32
        %dma_wait3A_59 = arith.constant 0 : i32
        %dma_wait3A_60 = arith.constant 0 : i32
        %dma_wait3A_61 = tpu.memref_slice %arg4[%arg1, %dma_wait3A_58, %dma_wait3A_59, %dma_wait3A_60] : memref<16x5x25x80xi32, #tpu.memory_space<hbm>> -> memref<1x5x25x80xi32, #tpu.memory_space<hbm>>
        %dma_wait3A_62 = tpu.memref_squeeze %dma_wait3A_61 : memref<1x5x25x80xi32, #tpu.memory_space<hbm>> -> memref<5x25x80xi32, #tpu.memory_space<hbm>>
        %dma_wait3A_63 = arith.constant 0 : i32
        %dma_wait3A_64 = arith.constant 0 : i32
        %dma_wait3A_65 = tpu.memref_slice %dma_wait3A_62[%add3A_27, %dma_wait3A_63, %dma_wait3A_64] : memref<5x25x80xi32, #tpu.memory_space<hbm>> -> memref<1x25x80xi32, #tpu.memory_space<hbm>>
        %dma_wait3A_66 = tpu.memref_squeeze %dma_wait3A_65 : memref<1x25x80xi32, #tpu.memory_space<hbm>> -> memref<25x80xi32, #tpu.memory_space<hbm>>
        tpu.wait_dma2 semaphore(%run_scoped3A : memref<!tpu.dma_semaphore, #tpu.memory_space<semaphore_mem>>) src(%dma_wait3A_66 : memref<25x80xi32, #tpu.memory_space<hbm>>) dst(%arg12 : memref<25x80xi32, #tpu.memory_space<vmem>>)
        tpu.yield
      }) : () -> ()
      "tpu.region"() ({
        %run_scoped3A = tpu.sem_alloc : memref<!tpu.dma_semaphore, #tpu.memory_space<semaphore_mem>>
        %dma_start3A = arith.constant 0 : i32
        %dma_start3A_33 = arith.constant 0 : i32
        %dma_start3A_34 = arith.constant 0 : i32
        %dma_start3A_35 = tpu.memref_slice %arg5[%arg1, %dma_start3A, %dma_start3A_33, %dma_start3A_34] : memref<16x5x25x80xi32, #tpu.memory_space<hbm>> -> memref<1x5x25x80xi32, #tpu.memory_space<hbm>>
        %dma_start3A_36 = tpu.memref_squeeze %dma_start3A_35 : memref<1x5x25x80xi32, #tpu.memory_space<hbm>> -> memref<5x25x80xi32, #tpu.memory_space<hbm>>
        %dma_start3A_37 = arith.constant 0 : i32
        %dma_start3A_38 = arith.constant 0 : i32
        %dma_start3A_39 = tpu.memref_slice %dma_start3A_36[%add3A_27, %dma_start3A_37, %dma_start3A_38] : memref<5x25x80xi32, #tpu.memory_space<hbm>> -> memref<1x25x80xi32, #tpu.memory_space<hbm>>
        %dma_start3A_40 = tpu.memref_squeeze %dma_start3A_39 : memref<1x25x80xi32, #tpu.memory_space<hbm>> -> memref<25x80xi32, #tpu.memory_space<hbm>>
        %dma_start3A_41 = arith.constant 0 : i32
        %dma_start3A_42 = arith.constant 0 : i32
        %dma_start3A_43 = arith.constant 0 : i32
        %dma_start3A_44 = tpu.memref_slice %arg5[%arg1, %dma_start3A_41, %dma_start3A_42, %dma_start3A_43] : memref<16x5x25x80xi32, #tpu.memory_space<hbm>> -> memref<1x5x25x80xi32, #tpu.memory_space<hbm>>
        %dma_start3A_45 = tpu.memref_squeeze %dma_start3A_44 : memref<1x5x25x80xi32, #tpu.memory_space<hbm>> -> memref<5x25x80xi32, #tpu.memory_space<hbm>>
        %dma_start3A_46 = arith.constant 0 : i32
        %dma_start3A_47 = arith.constant 0 : i32
        %dma_start3A_48 = tpu.memref_slice %dma_start3A_45[%add3A_27, %dma_start3A_46, %dma_start3A_47] : memref<5x25x80xi32, #tpu.memory_space<hbm>> -> memref<1x25x80xi32, #tpu.memory_space<hbm>>
        %dma_start3A_49 = tpu.memref_squeeze %dma_start3A_48 : memref<1x25x80xi32, #tpu.memory_space<hbm>> -> memref<25x80xi32, #tpu.memory_space<hbm>>
        tpu.enqueue_dma source(%dma_start3A_49 : memref<25x80xi32, #tpu.memory_space<hbm>>) target(%arg13 : memref<25x80xi32, #tpu.memory_space<vmem>>) target_semaphore(%run_scoped3A : memref<!tpu.dma_semaphore, #tpu.memory_space<semaphore_mem>>)
        %dma_wait3A = arith.constant 0 : i32
        %dma_wait3A_50 = arith.constant 0 : i32
        %dma_wait3A_51 = arith.constant 0 : i32
        %dma_wait3A_52 = tpu.memref_slice %arg5[%arg1, %dma_wait3A, %dma_wait3A_50, %dma_wait3A_51] : memref<16x5x25x80xi32, #tpu.memory_space<hbm>> -> memref<1x5x25x80xi32, #tpu.memory_space<hbm>>
        %dma_wait3A_53 = tpu.memref_squeeze %dma_wait3A_52 : memref<1x5x25x80xi32, #tpu.memory_space<hbm>> -> memref<5x25x80xi32, #tpu.memory_space<hbm>>
        %dma_wait3A_54 = arith.constant 0 : i32
        %dma_wait3A_55 = arith.constant 0 : i32
        %dma_wait3A_56 = tpu.memref_slice %dma_wait3A_53[%add3A_27, %dma_wait3A_54, %dma_wait3A_55] : memref<5x25x80xi32, #tpu.memory_space<hbm>> -> memref<1x25x80xi32, #tpu.memory_space<hbm>>
        %dma_wait3A_57 = tpu.memref_squeeze %dma_wait3A_56 : memref<1x25x80xi32, #tpu.memory_space<hbm>> -> memref<25x80xi32, #tpu.memory_space<hbm>>
        %dma_wait3A_58 = arith.constant 0 : i32
        %dma_wait3A_59 = arith.constant 0 : i32
        %dma_wait3A_60 = arith.constant 0 : i32
        %dma_wait3A_61 = tpu.memref_slice %arg5[%arg1, %dma_wait3A_58, %dma_wait3A_59, %dma_wait3A_60] : memref<16x5x25x80xi32, #tpu.memory_space<hbm>> -> memref<1x5x25x80xi32, #tpu.memory_space<hbm>>
        %dma_wait3A_62 = tpu.memref_squeeze %dma_wait3A_61 : memref<1x5x25x80xi32, #tpu.memory_space<hbm>> -> memref<5x25x80xi32, #tpu.memory_space<hbm>>
        %dma_wait3A_63 = arith.constant 0 : i32
        %dma_wait3A_64 = arith.constant 0 : i32
        %dma_wait3A_65 = tpu.memref_slice %dma_wait3A_62[%add3A_27, %dma_wait3A_63, %dma_wait3A_64] : memref<5x25x80xi32, #tpu.memory_space<hbm>> -> memref<1x25x80xi32, #tpu.memory_space<hbm>>
        %dma_wait3A_66 = tpu.memref_squeeze %dma_wait3A_65 : memref<1x25x80xi32, #tpu.memory_space<hbm>> -> memref<25x80xi32, #tpu.memory_space<hbm>>
        tpu.wait_dma2 semaphore(%run_scoped3A : memref<!tpu.dma_semaphore, #tpu.memory_space<semaphore_mem>>) src(%dma_wait3A_66 : memref<25x80xi32, #tpu.memory_space<hbm>>) dst(%arg13 : memref<25x80xi32, #tpu.memory_space<vmem>>)
        tpu.yield
      }) : () -> ()
      %scan3A_28 = arith.constant 0 : i32
      %scan3A_29 = arith.constant 25 : i32
      %scan3A_30 = arith.addi %scan3A_28, %scan3A_29 : i32
      %scan3A_31 = arith.constant 1 : i32
      scf.for %scan3A_33 = %scan3A_28 to %scan3A_30 step %scan3A_31  : i32 {
        %mul3A_34 = arith.constant 1 : i32
        %mul3A_35 = arith.muli %scan3A_33, %mul3A_34 : i32
        %add3A_36 = arith.constant 0 : i32
        %add3A_37 = arith.addi %add3A_36, %mul3A_35 : i32
        %get3A = arith.index_cast %add3A_37 : i32 to index
        %get3A_38 = arith.constant 0 : index
        %get3A_39 = tpu.vector_load %arg13[%get3A, %get3A_38] {strides = array<i32>} : memref<25x80xi32, #tpu.memory_space<vmem>>, vector<16xi32>,
        %swap3A = arith.constant 0 : index
        %swap3A_40 = tpu.vector_load %arg14[%swap3A] {strides = array<i32>} : memref<80xi32, #tpu.memory_space<vmem>>, vector<16xi32>,
        tpu.vector_store %arg14[%swap3A], %get3A_39 {strides = array<i32>} : memref<80xi32, #tpu.memory_space<vmem>>, vector<16xi32>,
        %get3A_41 = arith.index_cast %add3A_37 : i32 to index
        %get3A_42 = arith.constant 16 : index
        %get3A_43 = tpu.vector_load %arg13[%get3A_41, %get3A_42] {strides = array<i32>} : memref<25x80xi32, #tpu.memory_space<vmem>>, vector<16xi32>,
        %swap3A_44 = arith.constant 16 : index
        %swap3A_45 = tpu.vector_load %arg14[%swap3A_44] {strides = array<i32>} : memref<80xi32, #tpu.memory_space<vmem>>, vector<16xi32>,
        tpu.vector_store %arg14[%swap3A_44], %get3A_43 {strides = array<i32>} : memref<80xi32, #tpu.memory_space<vmem>>, vector<16xi32>,
        %get3A_46 = arith.index_cast %add3A_37 : i32 to index
        %get3A_47 = arith.constant 32 : index
        %get3A_48 = tpu.vector_load %arg13[%get3A_46, %get3A_47] {strides = array<i32>} : memref<25x80xi32, #tpu.memory_space<vmem>>, vector<16xi32>,
        %swap3A_49 = arith.constant 32 : index
        %swap3A_50 = tpu.vector_load %arg14[%swap3A_49] {strides = array<i32>} : memref<80xi32, #tpu.memory_space<vmem>>, vector<16xi32>,
        tpu.vector_store %arg14[%swap3A_49], %get3A_48 {strides = array<i32>} : memref<80xi32, #tpu.memory_space<vmem>>, vector<16xi32>,
        %get3A_51 = arith.index_cast %add3A_37 : i32 to index
        %get3A_52 = arith.constant 48 : index
        %get3A_53 = tpu.vector_load %arg13[%get3A_51, %get3A_52] {strides = array<i32>} : memref<25x80xi32, #tpu.memory_space<vmem>>, vector<16xi32>,
        %swap3A_54 = arith.constant 48 : index
        %swap3A_55 = tpu.vector_load %arg14[%swap3A_54] {strides = array<i32>} : memref<80xi32, #tpu.memory_space<vmem>>, vector<16xi32>,
        tpu.vector_store %arg14[%swap3A_54], %get3A_53 {strides = array<i32>} : memref<80xi32, #tpu.memory_space<vmem>>, vector<16xi32>,
        %get3A_56 = arith.index_cast %add3A_37 : i32 to index
        %get3A_57 = arith.constant 64 : index
        %get3A_58 = tpu.vector_load %arg13[%get3A_56, %get3A_57] {strides = array<i32>} : memref<25x80xi32, #tpu.memory_space<vmem>>, vector<16xi32>,
        %swap3A_59 = arith.constant 64 : index
        %swap3A_60 = tpu.vector_load %arg14[%swap3A_59] {strides = array<i32>} : memref<80xi32, #tpu.memory_space<vmem>>, vector<16xi32>,
        tpu.vector_store %arg14[%swap3A_59], %get3A_58 {strides = array<i32>} : memref<80xi32, #tpu.memory_space<vmem>>, vector<16xi32>,
        %dma_start3A = arith.constant 0 : i32
        %dma_start3A_61 = tpu.memref_slice %arg12[%add3A_37, %dma_start3A] : memref<25x80xi32, #tpu.memory_space<vmem>> -> memref<1x80xi32, #tpu.memory_space<vmem>>
        %dma_start3A_62 = tpu.memref_squeeze %dma_start3A_61 : memref<1x80xi32, #tpu.memory_space<vmem>> -> memref<80xi32, #tpu.memory_space<vmem>>
        %dma_start3A_63 = arith.constant 0 : i32
        %dma_start3A_64 = arith.constant 0 : i32
        %dma_start3A_65 = tpu.memref_slice %arg2[%arg0, %dma_start3A_63, %dma_start3A_64] : memref<2x10000x160xf32, #tpu.memory_space<hbm>> -> memref<1x10000x160xf32, #tpu.memory_space<hbm>>
        %dma_start3A_66 = tpu.memref_squeeze %dma_start3A_65 : memref<1x10000x160xf32, #tpu.memory_space<hbm>> -> memref<10000x160xf32, #tpu.memory_space<hbm>>
        %dma_start3A_67 = arith.constant 0 : i32
        %dma_start3A_68 = arith.constant 0 : i32
        %dma_start3A_69 = tpu.memref_slice %dma_start3A_66[%dma_start3A_67, %dma_start3A_68] : memref<10000x160xf32, #tpu.memory_space<hbm>> -> memref<10000x160xf32, #tpu.memory_space<hbm>>
        tpu.enqueue_indirect_dma source(%dma_start3A_69 : memref<10000x160xf32, #tpu.memory_space<hbm>>) target(%arg15 : memref<80x160xf32, #tpu.memory_space<vmem>>) offsets(%dma_start3A_62 : memref<80xi32, #tpu.memory_space<vmem>>) semaphore(%arg16 : memref<!tpu.dma_semaphore, #tpu.memory_space<semaphore_mem>>)
        %dma_wait3A = arith.constant 0 : i32
        %dma_wait3A_70 = tpu.memref_slice %arg12[%add3A_37, %dma_wait3A] : memref<25x80xi32, #tpu.memory_space<vmem>> -> memref<1x80xi32, #tpu.memory_space<vmem>>
        %dma_wait3A_71 = tpu.memref_squeeze %dma_wait3A_70 : memref<1x80xi32, #tpu.memory_space<vmem>> -> memref<80xi32, #tpu.memory_space<vmem>>
        %dma_wait3A_72 = arith.constant 0 : i32
        %dma_wait3A_73 = arith.constant 0 : i32
        %dma_wait3A_74 = tpu.memref_slice %arg2[%arg0, %dma_wait3A_72, %dma_wait3A_73] : memref<2x10000x160xf32, #tpu.memory_space<hbm>> -> memref<1x10000x160xf32, #tpu.memory_space<hbm>>
        %dma_wait3A_75 = tpu.memref_squeeze %dma_wait3A_74 : memref<1x10000x160xf32, #tpu.memory_space<hbm>> -> memref<10000x160xf32, #tpu.memory_space<hbm>>
        %dma_wait3A_76 = arith.constant 0 : i32
        %dma_wait3A_77 = arith.constant 0 : i32
        %dma_wait3A_78 = tpu.memref_slice %dma_wait3A_75[%dma_wait3A_76, %dma_wait3A_77] : memref<10000x160xf32, #tpu.memory_space<hbm>> -> memref<10000x160xf32, #tpu.memory_space<hbm>>
        tpu.wait_indirect_dma semaphore(%arg16 : memref<!tpu.dma_semaphore, #tpu.memory_space<semaphore_mem>>) src(%dma_wait3A_78 : memref<10000x160xf32, #tpu.memory_space<hbm>>) dst(%arg15 : memref<80x160xf32, #tpu.memory_space<vmem>>)
        "tpu.region"() ({
          %run_scoped3A = tpu.sem_alloc : memref<!tpu.dma_semaphore, #tpu.memory_space<semaphore_mem>>
          %dma_start3A_79 = arith.constant 0 : i32
          %dma_start3A_80 = arith.constant 0 : i32
          %dma_start3A_81 = tpu.memref_slice %arg11[%dma_start3A_79, %dma_start3A_80] : memref<10240x160xf32, #tpu.memory_space<vmem_shared>> -> memref<10240x160xf32, #tpu.memory_space<vmem_shared>>
          tpu.enqueue_indirect_dma source(%arg15 : memref<80x160xf32, #tpu.memory_space<vmem>>) target(%dma_start3A_81 : memref<10240x160xf32, #tpu.memory_space<vmem_shared>>) offsets(%arg14 : memref<80xi32, #tpu.memory_space<vmem>>) semaphore(%run_scoped3A : memref<!tpu.dma_semaphore, #tpu.memory_space<semaphore_mem>>) {add = true}
          %dma_wait3A_82 = arith.constant 0 : i32
          %dma_wait3A_83 = arith.constant 0 : i32
          %dma_wait3A_84 = tpu.memref_slice %arg11[%dma_wait3A_82, %dma_wait3A_83] : memref<10240x160xf32, #tpu.memory_space<vmem_shared>> -> memref<10240x160xf32, #tpu.memory_space<vmem_shared>>
          tpu.wait_indirect_dma semaphore(%run_scoped3A : memref<!tpu.dma_semaphore, #tpu.memory_space<semaphore_mem>>) src(%arg15 : memref<80x160xf32, #tpu.memory_space<vmem>>) dst(%dma_wait3A_84 : memref<10240x160xf32, #tpu.memory_space<vmem_shared>>)
          tpu.yield
        }) : () -> ()
      }
      %scan3A_32 = arith.constant 25 : i32
    }
    %scan3A_4 = arith.constant 5 : i32
    %barrier3A_5 = arith.constant 0 : index
    tpu.barrier barrier_id(%barrier3A_5)
    %mul3A_6 = arith.constant 640 : i32
    %mul3A_7 = arith.muli %arg1, %mul3A_6 : i32
    %multiple_of3A_8 = tpu.assume_multiple %mul3A_7, 640 : i32
    "tpu.region"() ({
      %run_scoped3A = tpu.sem_alloc : memref<!tpu.dma_semaphore, #tpu.memory_space<semaphore_mem>>
      %dma_start3A = arith.constant 0 : i32
      %dma_start3A_24 = arith.constant 0 : i32
      %dma_start3A_25 = tpu.memref_slice %arg9[%arg0, %dma_start3A, %dma_start3A_24] : memref<2x10240x160xf32, #tpu.memory_space<hbm>> -> memref<1x10240x160xf32, #tpu.memory_space<hbm>>
      %dma_start3A_26 = tpu.memref_squeeze %dma_start3A_25 : memref<1x10240x160xf32, #tpu.memory_space<hbm>> -> memref<10240x160xf32, #tpu.memory_space<hbm>>
      %dma_start3A_27 = arith.constant 0 : i32
      %dma_start3A_28 = tpu.memref_slice %dma_start3A_26[%multiple_of3A_8, %dma_start3A_27] : memref<10240x160xf32, #tpu.memory_space<hbm>> -> memref<640x160xf32, #tpu.memory_space<hbm>>
      %dma_start3A_29 = arith.constant 0 : i32
      %dma_start3A_30 = tpu.memref_slice %arg11[%multiple_of3A_8, %dma_start3A_29] : memref<10240x160xf32, #tpu.memory_space<vmem_shared>> -> memref<640x160xf32, #tpu.memory_space<vmem_shared>>
      tpu.enqueue_dma source(%dma_start3A_30 : memref<640x160xf32, #tpu.memory_space<vmem_shared>>) target(%dma_start3A_28 : memref<640x160xf32, #tpu.memory_space<hbm>>) target_semaphore(%run_scoped3A : memref<!tpu.dma_semaphore, #tpu.memory_space<semaphore_mem>>)
      %dma_wait3A = arith.constant 0 : i32
      %dma_wait3A_31 = arith.constant 0 : i32
      %dma_wait3A_32 = tpu.memref_slice %arg9[%arg0, %dma_wait3A, %dma_wait3A_31] : memref<2x10240x160xf32, #tpu.memory_space<hbm>> -> memref<1x10240x160xf32, #tpu.memory_space<hbm>>
      %dma_wait3A_33 = tpu.memref_squeeze %dma_wait3A_32 : memref<1x10240x160xf32, #tpu.memory_space<hbm>> -> memref<10240x160xf32, #tpu.memory_space<hbm>>
      %dma_wait3A_34 = arith.constant 0 : i32
      %dma_wait3A_35 = tpu.memref_slice %dma_wait3A_33[%multiple_of3A_8, %dma_wait3A_34] : memref<10240x160xf32, #tpu.memory_space<hbm>> -> memref<640x160xf32, #tpu.memory_space<hbm>>
      %dma_wait3A_36 = arith.constant 0 : i32
      %dma_wait3A_37 = tpu.memref_slice %arg11[%multiple_of3A_8, %dma_wait3A_36] : memref<10240x160xf32, #tpu.memory_space<vmem_shared>> -> memref<640x160xf32, #tpu.memory_space<vmem_shared>>
      tpu.wait_dma2 semaphore(%run_scoped3A : memref<!tpu.dma_semaphore, #tpu.memory_space<semaphore_mem>>) src(%dma_wait3A_37 : memref<640x160xf32, #tpu.memory_space<vmem_shared>>) dst(%dma_wait3A_35 : memref<640x160xf32, #tpu.memory_space<hbm>>)
      tpu.yield
    }) : () -> ()
    %barrier3A_9 = arith.constant 0 : index
    tpu.barrier barrier_id(%barrier3A_9)
    %mul3A_10 = arith.constant 640 : i32
    %mul3A_11 = arith.muli %arg1, %mul3A_10 : i32
    %multiple_of3A_12 = tpu.assume_multiple %mul3A_11, 640 : i32
    "tpu.region"() ({
      %run_scoped3A = tpu.sem_alloc : memref<!tpu.dma_semaphore, #tpu.memory_space<semaphore_mem>>
      %dma_start3A = arith.constant 0 : i32
      %dma_start3A_24 = tpu.memref_slice %arg11[%multiple_of3A_12, %dma_start3A] : memref<10240x160xf32, #tpu.memory_space<vmem_shared>> -> memref<640x160xf32, #tpu.memory_space<vmem_shared>>
      tpu.enqueue_dma source(%arg8 : memref<640x160xf32, #tpu.memory_space<hbm>>) target(%dma_start3A_24 : memref<640x160xf32, #tpu.memory_space<vmem_shared>>) target_semaphore(%run_scoped3A : memref<!tpu.dma_semaphore, #tpu.memory_space<semaphore_mem>>)
      %dma_wait3A = arith.constant 0 : i32
      %dma_wait3A_25 = tpu.memref_slice %arg11[%multiple_of3A_12, %dma_wait3A] : memref<10240x160xf32, #tpu.memory_space<vmem_shared>> -> memref<640x160xf32, #tpu.memory_space<vmem_shared>>
      tpu.wait_dma2 semaphore(%run_scoped3A : memref<!tpu.dma_semaphore, #tpu.memory_space<semaphore_mem>>) src(%arg8 : memref<640x160xf32, #tpu.memory_space<hbm>>) dst(%dma_wait3A_25 : memref<640x160xf32, #tpu.memory_space<vmem_shared>>)
      tpu.yield
    }) : () -> ()
    %barrier3A_13 = arith.constant 0 : index
    tpu.barrier barrier_id(%barrier3A_13)
    %scan3A_14 = arith.constant 0 : i32
    %scan3A_15 = arith.constant 5 : i32
    %scan3A_16 = arith.addi %scan3A_14, %scan3A_15 : i32
    %scan3A_17 = arith.constant 1 : i32
    scf.for %scan3A_24 = %scan3A_14 to %scan3A_16 step %scan3A_17  : i32 {
      %mul3A_25 = arith.constant 1 : i32
      %mul3A_26 = arith.muli %scan3A_24, %mul3A_25 : i32
      %add3A = arith.constant 0 : i32
      %add3A_27 = arith.addi %add3A, %mul3A_26 : i32
      "tpu.region"() ({
        %run_scoped3A = tpu.sem_alloc : memref<!tpu.dma_semaphore, #tpu.memory_space<semaphore_mem>>
        %dma_start3A = arith.constant 0 : i32
        %dma_start3A_33 = arith.constant 0 : i32
        %dma_start3A_34 = arith.constant 0 : i32
        %dma_start3A_35 = tpu.memref_slice %arg6[%arg1, %dma_start3A, %dma_start3A_33, %dma_start3A_34] : memref<16x5x25x80xi32, #tpu.memory_space<hbm>> -> memref<1x5x25x80xi32, #tpu.memory_space<hbm>>
        %dma_start3A_36 = tpu.memref_squeeze %dma_start3A_35 : memref<1x5x25x80xi32, #tpu.memory_space<hbm>> -> memref<5x25x80xi32, #tpu.memory_space<hbm>>
        %dma_start3A_37 = arith.constant 0 : i32
        %dma_start3A_38 = arith.constant 0 : i32
        %dma_start3A_39 = tpu.memref_slice %dma_start3A_36[%add3A_27, %dma_start3A_37, %dma_start3A_38] : memref<5x25x80xi32, #tpu.memory_space<hbm>> -> memref<1x25x80xi32, #tpu.memory_space<hbm>>
        %dma_start3A_40 = tpu.memref_squeeze %dma_start3A_39 : memref<1x25x80xi32, #tpu.memory_space<hbm>> -> memref<25x80xi32, #tpu.memory_space<hbm>>
        %dma_start3A_41 = arith.constant 0 : i32
        %dma_start3A_42 = arith.constant 0 : i32
        %dma_start3A_43 = arith.constant 0 : i32
        %dma_start3A_44 = tpu.memref_slice %arg6[%arg1, %dma_start3A_41, %dma_start3A_42, %dma_start3A_43] : memref<16x5x25x80xi32, #tpu.memory_space<hbm>> -> memref<1x5x25x80xi32, #tpu.memory_space<hbm>>
        %dma_start3A_45 = tpu.memref_squeeze %dma_start3A_44 : memref<1x5x25x80xi32, #tpu.memory_space<hbm>> -> memref<5x25x80xi32, #tpu.memory_space<hbm>>
        %dma_start3A_46 = arith.constant 0 : i32
        %dma_start3A_47 = arith.constant 0 : i32
        %dma_start3A_48 = tpu.memref_slice %dma_start3A_45[%add3A_27, %dma_start3A_46, %dma_start3A_47] : memref<5x25x80xi32, #tpu.memory_space<hbm>> -> memref<1x25x80xi32, #tpu.memory_space<hbm>>
        %dma_start3A_49 = tpu.memref_squeeze %dma_start3A_48 : memref<1x25x80xi32, #tpu.memory_space<hbm>> -> memref<25x80xi32, #tpu.memory_space<hbm>>
        tpu.enqueue_dma source(%dma_start3A_49 : memref<25x80xi32, #tpu.memory_space<hbm>>) target(%arg12 : memref<25x80xi32, #tpu.memory_space<vmem>>) target_semaphore(%run_scoped3A : memref<!tpu.dma_semaphore, #tpu.memory_space<semaphore_mem>>)
        %dma_wait3A = arith.constant 0 : i32
        %dma_wait3A_50 = arith.constant 0 : i32
        %dma_wait3A_51 = arith.constant 0 : i32
        %dma_wait3A_52 = tpu.memref_slice %arg6[%arg1, %dma_wait3A, %dma_wait3A_50, %dma_wait3A_51] : memref<16x5x25x80xi32, #tpu.memory_space<hbm>> -> memref<1x5x25x80xi32, #tpu.memory_space<hbm>>
        %dma_wait3A_53 = tpu.memref_squeeze %dma_wait3A_52 : memref<1x5x25x80xi32, #tpu.memory_space<hbm>> -> memref<5x25x80xi32, #tpu.memory_space<hbm>>
        %dma_wait3A_54 = arith.constant 0 : i32
        %dma_wait3A_55 = arith.constant 0 : i32
        %dma_wait3A_56 = tpu.memref_slice %dma_wait3A_53[%add3A_27, %dma_wait3A_54, %dma_wait3A_55] : memref<5x25x80xi32, #tpu.memory_space<hbm>> -> memref<1x25x80xi32, #tpu.memory_space<hbm>>
        %dma_wait3A_57 = tpu.memref_squeeze %dma_wait3A_56 : memref<1x25x80xi32, #tpu.memory_space<hbm>> -> memref<25x80xi32, #tpu.memory_space<hbm>>
        %dma_wait3A_58 = arith.constant 0 : i32
        %dma_wait3A_59 = arith.constant 0 : i32
        %dma_wait3A_60 = arith.constant 0 : i32
        %dma_wait3A_61 = tpu.memref_slice %arg6[%arg1, %dma_wait3A_58, %dma_wait3A_59, %dma_wait3A_60] : memref<16x5x25x80xi32, #tpu.memory_space<hbm>> -> memref<1x5x25x80xi32, #tpu.memory_space<hbm>>
        %dma_wait3A_62 = tpu.memref_squeeze %dma_wait3A_61 : memref<1x5x25x80xi32, #tpu.memory_space<hbm>> -> memref<5x25x80xi32, #tpu.memory_space<hbm>>
        %dma_wait3A_63 = arith.constant 0 : i32
        %dma_wait3A_64 = arith.constant 0 : i32
        %dma_wait3A_65 = tpu.memref_slice %dma_wait3A_62[%add3A_27, %dma_wait3A_63, %dma_wait3A_64] : memref<5x25x80xi32, #tpu.memory_space<hbm>> -> memref<1x25x80xi32, #tpu.memory_space<hbm>>
        %dma_wait3A_66 = tpu.memref_squeeze %dma_wait3A_65 : memref<1x25x80xi32, #tpu.memory_space<hbm>> -> memref<25x80xi32, #tpu.memory_space<hbm>>
        tpu.wait_dma2 semaphore(%run_scoped3A : memref<!tpu.dma_semaphore, #tpu.memory_space<semaphore_mem>>) src(%dma_wait3A_66 : memref<25x80xi32, #tpu.memory_space<hbm>>) dst(%arg12 : memref<25x80xi32, #tpu.memory_space<vmem>>)
        tpu.yield
      }) : () -> ()
      "tpu.region"() ({
        %run_scoped3A = tpu.sem_alloc : memref<!tpu.dma_semaphore, #tpu.memory_space<semaphore_mem>>
        %dma_start3A = arith.constant 0 : i32
        %dma_start3A_33 = arith.constant 0 : i32
        %dma_start3A_34 = arith.constant 0 : i32
        %dma_start3A_35 = tpu.memref_slice %arg7[%arg1, %dma_start3A, %dma_start3A_33, %dma_start3A_34] : memref<16x5x25x80xi32, #tpu.memory_space<hbm>> -> memref<1x5x25x80xi32, #tpu.memory_space<hbm>>
        %dma_start3A_36 = tpu.memref_squeeze %dma_start3A_35 : memref<1x5x25x80xi32, #tpu.memory_space<hbm>> -> memref<5x25x80xi32, #tpu.memory_space<hbm>>
        %dma_start3A_37 = arith.constant 0 : i32
        %dma_start3A_38 = arith.constant 0 : i32
        %dma_start3A_39 = tpu.memref_slice %dma_start3A_36[%add3A_27, %dma_start3A_37, %dma_start3A_38] : memref<5x25x80xi32, #tpu.memory_space<hbm>> -> memref<1x25x80xi32, #tpu.memory_space<hbm>>
        %dma_start3A_40 = tpu.memref_squeeze %dma_start3A_39 : memref<1x25x80xi32, #tpu.memory_space<hbm>> -> memref<25x80xi32, #tpu.memory_space<hbm>>
        %dma_start3A_41 = arith.constant 0 : i32
        %dma_start3A_42 = arith.constant 0 : i32
        %dma_start3A_43 = arith.constant 0 : i32
        %dma_start3A_44 = tpu.memref_slice %arg7[%arg1, %dma_start3A_41, %dma_start3A_42, %dma_start3A_43] : memref<16x5x25x80xi32, #tpu.memory_space<hbm>> -> memref<1x5x25x80xi32, #tpu.memory_space<hbm>>
        %dma_start3A_45 = tpu.memref_squeeze %dma_start3A_44 : memref<1x5x25x80xi32, #tpu.memory_space<hbm>> -> memref<5x25x80xi32, #tpu.memory_space<hbm>>
        %dma_start3A_46 = arith.constant 0 : i32
        %dma_start3A_47 = arith.constant 0 : i32
        %dma_start3A_48 = tpu.memref_slice %dma_start3A_45[%add3A_27, %dma_start3A_46, %dma_start3A_47] : memref<5x25x80xi32, #tpu.memory_space<hbm>> -> memref<1x25x80xi32, #tpu.memory_space<hbm>>
        %dma_start3A_49 = tpu.memref_squeeze %dma_start3A_48 : memref<1x25x80xi32, #tpu.memory_space<hbm>> -> memref<25x80xi32, #tpu.memory_space<hbm>>
        tpu.enqueue_dma source(%dma_start3A_49 : memref<25x80xi32, #tpu.memory_space<hbm>>) target(%arg13 : memref<25x80xi32, #tpu.memory_space<vmem>>) target_semaphore(%run_scoped3A : memref<!tpu.dma_semaphore, #tpu.memory_space<semaphore_mem>>)
        %dma_wait3A = arith.constant 0 : i32
        %dma_wait3A_50 = arith.constant 0 : i32
        %dma_wait3A_51 = arith.constant 0 : i32
        %dma_wait3A_52 = tpu.memref_slice %arg7[%arg1, %dma_wait3A, %dma_wait3A_50, %dma_wait3A_51] : memref<16x5x25x80xi32, #tpu.memory_space<hbm>> -> memref<1x5x25x80xi32, #tpu.memory_space<hbm>>
        %dma_wait3A_53 = tpu.memref_squeeze %dma_wait3A_52 : memref<1x5x25x80xi32, #tpu.memory_space<hbm>> -> memref<5x25x80xi32, #tpu.memory_space<hbm>>
        %dma_wait3A_54 = arith.constant 0 : i32
        %dma_wait3A_55 = arith.constant 0 : i32
        %dma_wait3A_56 = tpu.memref_slice %dma_wait3A_53[%add3A_27, %dma_wait3A_54, %dma_wait3A_55] : memref<5x25x80xi32, #tpu.memory_space<hbm>> -> memref<1x25x80xi32, #tpu.memory_space<hbm>>
        %dma_wait3A_57 = tpu.memref_squeeze %dma_wait3A_56 : memref<1x25x80xi32, #tpu.memory_space<hbm>> -> memref<25x80xi32, #tpu.memory_space<hbm>>
        %dma_wait3A_58 = arith.constant 0 : i32
        %dma_wait3A_59 = arith.constant 0 : i32
        %dma_wait3A_60 = arith.constant 0 : i32
        %dma_wait3A_61 = tpu.memref_slice %arg7[%arg1, %dma_wait3A_58, %dma_wait3A_59, %dma_wait3A_60] : memref<16x5x25x80xi32, #tpu.memory_space<hbm>> -> memref<1x5x25x80xi32, #tpu.memory_space<hbm>>
        %dma_wait3A_62 = tpu.memref_squeeze %dma_wait3A_61 : memref<1x5x25x80xi32, #tpu.memory_space<hbm>> -> memref<5x25x80xi32, #tpu.memory_space<hbm>>
        %dma_wait3A_63 = arith.constant 0 : i32
        %dma_wait3A_64 = arith.constant 0 : i32
        %dma_wait3A_65 = tpu.memref_slice %dma_wait3A_62[%add3A_27, %dma_wait3A_63, %dma_wait3A_64] : memref<5x25x80xi32, #tpu.memory_space<hbm>> -> memref<1x25x80xi32, #tpu.memory_space<hbm>>
        %dma_wait3A_66 = tpu.memref_squeeze %dma_wait3A_65 : memref<1x25x80xi32, #tpu.memory_space<hbm>> -> memref<25x80xi32, #tpu.memory_space<hbm>>
        tpu.wait_dma2 semaphore(%run_scoped3A : memref<!tpu.dma_semaphore, #tpu.memory_space<semaphore_mem>>) src(%dma_wait3A_66 : memref<25x80xi32, #tpu.memory_space<hbm>>) dst(%arg13 : memref<25x80xi32, #tpu.memory_space<vmem>>)
        tpu.yield
      }) : () -> ()
      %scan3A_28 = arith.constant 0 : i32
      %scan3A_29 = arith.constant 25 : i32
      %scan3A_30 = arith.addi %scan3A_28, %scan3A_29 : i32
      %scan3A_31 = arith.constant 1 : i32
      scf.for %scan3A_33 = %scan3A_28 to %scan3A_30 step %scan3A_31  : i32 {
        %mul3A_34 = arith.constant 1 : i32
        %mul3A_35 = arith.muli %scan3A_33, %mul3A_34 : i32
        %add3A_36 = arith.constant 0 : i32
        %add3A_37 = arith.addi %add3A_36, %mul3A_35 : i32
        %get3A = arith.index_cast %add3A_37 : i32 to index
        %get3A_38 = arith.constant 0 : index
        %get3A_39 = tpu.vector_load %arg13[%get3A, %get3A_38] {strides = array<i32>} : memref<25x80xi32, #tpu.memory_space<vmem>>, vector<16xi32>,
        %swap3A = arith.constant 0 : index
        %swap3A_40 = tpu.vector_load %arg14[%swap3A] {strides = array<i32>} : memref<80xi32, #tpu.memory_space<vmem>>, vector<16xi32>,
        tpu.vector_store %arg14[%swap3A], %get3A_39 {strides = array<i32>} : memref<80xi32, #tpu.memory_space<vmem>>, vector<16xi32>,
        %get3A_41 = arith.index_cast %add3A_37 : i32 to index
        %get3A_42 = arith.constant 16 : index
        %get3A_43 = tpu.vector_load %arg13[%get3A_41, %get3A_42] {strides = array<i32>} : memref<25x80xi32, #tpu.memory_space<vmem>>, vector<16xi32>,
        %swap3A_44 = arith.constant 16 : index
        %swap3A_45 = tpu.vector_load %arg14[%swap3A_44] {strides = array<i32>} : memref<80xi32, #tpu.memory_space<vmem>>, vector<16xi32>,
        tpu.vector_store %arg14[%swap3A_44], %get3A_43 {strides = array<i32>} : memref<80xi32, #tpu.memory_space<vmem>>, vector<16xi32>,
        %get3A_46 = arith.index_cast %add3A_37 : i32 to index
        %get3A_47 = arith.constant 32 : index
        %get3A_48 = tpu.vector_load %arg13[%get3A_46, %get3A_47] {strides = array<i32>} : memref<25x80xi32, #tpu.memory_space<vmem>>, vector<16xi32>,
        %swap3A_49 = arith.constant 32 : index
        %swap3A_50 = tpu.vector_load %arg14[%swap3A_49] {strides = array<i32>} : memref<80xi32, #tpu.memory_space<vmem>>, vector<16xi32>,
        tpu.vector_store %arg14[%swap3A_49], %get3A_48 {strides = array<i32>} : memref<80xi32, #tpu.memory_space<vmem>>, vector<16xi32>,
        %get3A_51 = arith.index_cast %add3A_37 : i32 to index
        %get3A_52 = arith.constant 48 : index
        %get3A_53 = tpu.vector_load %arg13[%get3A_51, %get3A_52] {strides = array<i32>} : memref<25x80xi32, #tpu.memory_space<vmem>>, vector<16xi32>,
        %swap3A_54 = arith.constant 48 : index
        %swap3A_55 = tpu.vector_load %arg14[%swap3A_54] {strides = array<i32>} : memref<80xi32, #tpu.memory_space<vmem>>, vector<16xi32>,
        tpu.vector_store %arg14[%swap3A_54], %get3A_53 {strides = array<i32>} : memref<80xi32, #tpu.memory_space<vmem>>, vector<16xi32>,
        %get3A_56 = arith.index_cast %add3A_37 : i32 to index
        %get3A_57 = arith.constant 64 : index
        %get3A_58 = tpu.vector_load %arg13[%get3A_56, %get3A_57] {strides = array<i32>} : memref<25x80xi32, #tpu.memory_space<vmem>>, vector<16xi32>,
        %swap3A_59 = arith.constant 64 : index
        %swap3A_60 = tpu.vector_load %arg14[%swap3A_59] {strides = array<i32>} : memref<80xi32, #tpu.memory_space<vmem>>, vector<16xi32>,
        tpu.vector_store %arg14[%swap3A_59], %get3A_58 {strides = array<i32>} : memref<80xi32, #tpu.memory_space<vmem>>, vector<16xi32>,
        %dma_start3A = arith.constant 0 : i32
        %dma_start3A_61 = tpu.memref_slice %arg12[%add3A_37, %dma_start3A] : memref<25x80xi32, #tpu.memory_space<vmem>> -> memref<1x80xi32, #tpu.memory_space<vmem>>
        %dma_start3A_62 = tpu.memref_squeeze %dma_start3A_61 : memref<1x80xi32, #tpu.memory_space<vmem>> -> memref<80xi32, #tpu.memory_space<vmem>>
        %dma_start3A_63 = arith.constant 0 : i32
        %dma_start3A_64 = arith.constant 0 : i32
        %dma_start3A_65 = tpu.memref_slice %arg3[%arg0, %dma_start3A_63, %dma_start3A_64] : memref<2x10000x160xf32, #tpu.memory_space<hbm>> -> memref<1x10000x160xf32, #tpu.memory_space<hbm>>
        %dma_start3A_66 = tpu.memref_squeeze %dma_start3A_65 : memref<1x10000x160xf32, #tpu.memory_space<hbm>> -> memref<10000x160xf32, #tpu.memory_space<hbm>>
        %dma_start3A_67 = arith.constant 0 : i32
        %dma_start3A_68 = arith.constant 0 : i32
        %dma_start3A_69 = tpu.memref_slice %dma_start3A_66[%dma_start3A_67, %dma_start3A_68] : memref<10000x160xf32, #tpu.memory_space<hbm>> -> memref<10000x160xf32, #tpu.memory_space<hbm>>
        tpu.enqueue_indirect_dma source(%dma_start3A_69 : memref<10000x160xf32, #tpu.memory_space<hbm>>) target(%arg15 : memref<80x160xf32, #tpu.memory_space<vmem>>) offsets(%dma_start3A_62 : memref<80xi32, #tpu.memory_space<vmem>>) semaphore(%arg16 : memref<!tpu.dma_semaphore, #tpu.memory_space<semaphore_mem>>)
        %dma_wait3A = arith.constant 0 : i32
        %dma_wait3A_70 = tpu.memref_slice %arg12[%add3A_37, %dma_wait3A] : memref<25x80xi32, #tpu.memory_space<vmem>> -> memref<1x80xi32, #tpu.memory_space<vmem>>
        %dma_wait3A_71 = tpu.memref_squeeze %dma_wait3A_70 : memref<1x80xi32, #tpu.memory_space<vmem>> -> memref<80xi32, #tpu.memory_space<vmem>>
        %dma_wait3A_72 = arith.constant 0 : i32
        %dma_wait3A_73 = arith.constant 0 : i32
        %dma_wait3A_74 = tpu.memref_slice %arg3[%arg0, %dma_wait3A_72, %dma_wait3A_73] : memref<2x10000x160xf32, #tpu.memory_space<hbm>> -> memref<1x10000x160xf32, #tpu.memory_space<hbm>>
        %dma_wait3A_75 = tpu.memref_squeeze %dma_wait3A_74 : memref<1x10000x160xf32, #tpu.memory_space<hbm>> -> memref<10000x160xf32, #tpu.memory_space<hbm>>
        %dma_wait3A_76 = arith.constant 0 : i32
        %dma_wait3A_77 = arith.constant 0 : i32
        %dma_wait3A_78 = tpu.memref_slice %dma_wait3A_75[%dma_wait3A_76, %dma_wait3A_77] : memref<10000x160xf32, #tpu.memory_space<hbm>> -> memref<10000x160xf32, #tpu.memory_space<hbm>>
        tpu.wait_indirect_dma semaphore(%arg16 : memref<!tpu.dma_semaphore, #tpu.memory_space<semaphore_mem>>) src(%dma_wait3A_78 : memref<10000x160xf32, #tpu.memory_space<hbm>>) dst(%arg15 : memref<80x160xf32, #tpu.memory_space<vmem>>)
        "tpu.region"() ({
          %run_scoped3A = tpu.sem_alloc : memref<!tpu.dma_semaphore, #tpu.memory_space<semaphore_mem>>
          %dma_start3A_79 = arith.constant 0 : i32
          %dma_start3A_80 = arith.constant 0 : i32
          %dma_start3A_81 = tpu.memref_slice %arg11[%dma_start3A_79, %dma_start3A_80] : memref<10240x160xf32, #tpu.memory_space<vmem_shared>> -> memref<10240x160xf32, #tpu.memory_space<vmem_shared>>
          tpu.enqueue_indirect_dma source(%arg15 : memref<80x160xf32, #tpu.memory_space<vmem>>) target(%dma_start3A_81 : memref<10240x160xf32, #tpu.memory_space<vmem_shared>>) offsets(%arg14 : memref<80xi32, #tpu.memory_space<vmem>>) semaphore(%run_scoped3A : memref<!tpu.dma_semaphore, #tpu.memory_space<semaphore_mem>>) {add = true}
          %dma_wait3A_82 = arith.constant 0 : i32
          %dma_wait3A_83 = arith.constant 0 : i32
          %dma_wait3A_84 = tpu.memref_slice %arg11[%dma_wait3A_82, %dma_wait3A_83] : memref<10240x160xf32, #tpu.memory_space<vmem_shared>> -> memref<10240x160xf32, #tpu.memory_space<vmem_shared>>
          tpu.wait_indirect_dma semaphore(%run_scoped3A : memref<!tpu.dma_semaphore, #tpu.memory_space<semaphore_mem>>) src(%arg15 : memref<80x160xf32, #tpu.memory_space<vmem>>) dst(%dma_wait3A_84 : memref<10240x160xf32, #tpu.memory_space<vmem_shared>>)
          tpu.yield
        }) : () -> ()
      }
      %scan3A_32 = arith.constant 25 : i32
    }
    %scan3A_18 = arith.constant 5 : i32
    %barrier3A_19 = arith.constant 0 : index
    tpu.barrier barrier_id(%barrier3A_19)
    %mul3A_20 = arith.constant 640 : i32
    %mul3A_21 = arith.muli %arg1, %mul3A_20 : i32
    %multiple_of3A_22 = tpu.assume_multiple %mul3A_21, 640 : i32
    "tpu.region"() ({
      %run_scoped3A = tpu.sem_alloc : memref<!tpu.dma_semaphore, #tpu.memory_space<semaphore_mem>>
      %dma_start3A = arith.constant 0 : i32
      %dma_start3A_24 = arith.constant 0 : i32
      %dma_start3A_25 = tpu.memref_slice %arg10[%arg0, %dma_start3A, %dma_start3A_24] : memref<2x10240x160xf32, #tpu.memory_space<hbm>> -> memref<1x10240x160xf32, #tpu.memory_space<hbm>>
      %dma_start3A_26 = tpu.memref_squeeze %dma_start3A_25 : memref<1x10240x160xf32, #tpu.memory_space<hbm>> -> memref<10240x160xf32, #tpu.memory_space<hbm>>
      %dma_start3A_27 = arith.constant 0 : i32
      %dma_start3A_28 = tpu.memref_slice %dma_start3A_26[%multiple_of3A_22, %dma_start3A_27] : memref<10240x160xf32, #tpu.memory_space<hbm>> -> memref<640x160xf32, #tpu.memory_space<hbm>>
      %dma_start3A_29 = arith.constant 0 : i32
      %dma_start3A_30 = tpu.memref_slice %arg11[%multiple_of3A_22, %dma_start3A_29] : memref<10240x160xf32, #tpu.memory_space<vmem_shared>> -> memref<640x160xf32, #tpu.memory_space<vmem_shared>>
      tpu.enqueue_dma source(%dma_start3A_30 : memref<640x160xf32, #tpu.memory_space<vmem_shared>>) target(%dma_start3A_28 : memref<640x160xf32, #tpu.memory_space<hbm>>) target_semaphore(%run_scoped3A : memref<!tpu.dma_semaphore, #tpu.memory_space<semaphore_mem>>)
      %dma_wait3A = arith.constant 0 : i32
      %dma_wait3A_31 = arith.constant 0 : i32
      %dma_wait3A_32 = tpu.memref_slice %arg10[%arg0, %dma_wait3A, %dma_wait3A_31] : memref<2x10240x160xf32, #tpu.memory_space<hbm>> -> memref<1x10240x160xf32, #tpu.memory_space<hbm>>
      %dma_wait3A_33 = tpu.memref_squeeze %dma_wait3A_32 : memref<1x10240x160xf32, #tpu.memory_space<hbm>> -> memref<10240x160xf32, #tpu.memory_space<hbm>>
      %dma_wait3A_34 = arith.constant 0 : i32
      %dma_wait3A_35 = tpu.memref_slice %dma_wait3A_33[%multiple_of3A_22, %dma_wait3A_34] : memref<10240x160xf32, #tpu.memory_space<hbm>> -> memref<640x160xf32, #tpu.memory_space<hbm>>
      %dma_wait3A_36 = arith.constant 0 : i32
      %dma_wait3A_37 = tpu.memref_slice %arg11[%multiple_of3A_22, %dma_wait3A_36] : memref<10240x160xf32, #tpu.memory_space<vmem_shared>> -> memref<640x160xf32, #tpu.memory_space<vmem_shared>>
      tpu.wait_dma2 semaphore(%run_scoped3A : memref<!tpu.dma_semaphore, #tpu.memory_space<semaphore_mem>>) src(%dma_wait3A_37 : memref<640x160xf32, #tpu.memory_space<vmem_shared>>) dst(%dma_wait3A_35 : memref<640x160xf32, #tpu.memory_space<hbm>>)
      tpu.yield
    }) : () -> ()
    %barrier3A_23 = arith.constant 0 : index
    tpu.barrier barrier_id(%barrier3A_23)
    return
  }
}

module attributes {stable_mosaic.version = 14 : i64} {
  func.func @body(%arg0: memref<32x4x10240xf32, #tpu.memory_space<vmem>>, %arg1: memref<10240x4xf32, #tpu.memory_space<vmem>>) attributes {dimension_semantics = [], scalar_prefetch = 0 : i64, scratch_operands = 0 : i64, tpu.core_type = #tpu.core_type<tc>} {
    %get3A = arith.constant 0 : index
    %get3A_0 = arith.constant 0 : index
    %get3A_1 = arith.constant 0 : index
    %get3A_2 = vector.load %arg0[%get3A, %get3A_0, %get3A_1] : memref<32x4x10240xf32, #tpu.memory_space<vmem>>, vector<32x4x10240xf32>
    %reduce_sum3A = arith.constant dense<0.000000e+00> : vector<4x10240xf32>
    %reduce_sum3A_3 = vector.multi_reduction <add>, %get3A_2, %reduce_sum3A [0] : vector<32x4x10240xf32> to vector<4x10240xf32>
    %jit3A = arith.constant 1.000000e+00 : f32
    %max3A = vector.broadcast %jit3A : f32 to vector<4x10240xf32>
    %max3A_4 = arith.maximumf %max3A, %reduce_sum3A_3 : vector<4x10240xf32>
    %rsqrt3A = math.rsqrt %max3A_4 : vector<4x10240xf32>
    %transpose3A = tpu.transpose %rsqrt3A, [1, 0] : vector<4x10240xf32> -> vector<10240x4xf32>
    %swap3A = arith.constant 0 : index
    %swap3A_5 = arith.constant 0 : index
    %swap3A_6 = vector.load %arg1[%swap3A, %swap3A_5] : memref<10240x4xf32, #tpu.memory_space<vmem>>, vector<10240x4xf32>
    tpu.vector_store %arg1[%swap3A, %swap3A_5], %transpose3A {strides = array<i32>} : memref<10240x4xf32, #tpu.memory_space<vmem>>, vector<10240x4xf32>,
    return
  }
}

module attributes {stable_mosaic.version = 14 : i64} {
  func.func @body(%arg0: i32, %arg1: memref<400x300xf32, #tpu.memory_space<vmem>>, %arg2: memref<300x300xf32, #tpu.memory_space<vmem>>, %arg3: memref<300x300xf32, #tpu.memory_space<vmem>>, %arg4: memref<400x4xf32, #tpu.memory_space<vmem>>, %arg5: memref<2x400x160xf32, #tpu.memory_space<vmem>>, %arg6: memref<2x400x160xf32, #tpu.memory_space<vmem>>) attributes {dimension_semantics = [#tpu.dimension_semantics<arbitrary>], iteration_bounds = array<i64: 25>, scalar_prefetch = 0 : i64, scratch_operands = 0 : i64, tpu.core_type = #tpu.core_type<tc>, window_params = [{transform_indices = @transform_0, window_bounds = array<i64: 400, 300>}, {pipeline_mode = #tpu.pipeline_mode<synchronous>, transform_indices = @transform_1, window_bounds = array<i64: 300, 300>}, {pipeline_mode = #tpu.pipeline_mode<synchronous>, transform_indices = @transform_2, window_bounds = array<i64: 300, 300>}, {transform_indices = @transform_3, window_bounds = array<i64: 400, 4>}, {transform_indices = @transform_4, window_bounds = array<i64: 2, 400, 160>}, {transform_indices = @transform_5, window_bounds = array<i64: 2, 400, 160>}]} {
    %get3A = arith.constant 0 : index
    %get3A_0 = arith.constant 0 : index
    %get3A_1 = vector.load %arg1[%get3A, %get3A_0] : memref<400x300xf32, #tpu.memory_space<vmem>>, vector<400x300xf32>
    %get3A_2 = arith.constant 0 : index
    %get3A_3 = arith.constant 0 : index
    %get3A_4 = vector.load %arg4[%get3A_2, %get3A_3] : memref<400x4xf32, #tpu.memory_space<vmem>>, vector<400x1xf32>
    %get3A_5 = arith.constant 0 : index
    %get3A_6 = arith.constant 2 : index
    %get3A_7 = vector.load %arg4[%get3A_5, %get3A_6] : memref<400x4xf32, #tpu.memory_space<vmem>>, vector<400x1xf32>
    %get3A_8 = arith.constant 0 : index
    %get3A_9 = arith.constant 0 : index
    %get3A_10 = vector.load %arg2[%get3A_8, %get3A_9] : memref<300x300xf32, #tpu.memory_space<vmem>>, vector<300x300xf32>
    %dot_general3A = arith.constant dense<0.000000e+00> : vector<400x300xf32>
    %dot_general3A_11 = tpu.matmul %get3A_1, %get3A_10, %dot_general3A {dimension_numbers = #tpu.dot_dimension_numbers<[1], [0], [0], [1], [0, 0, 1, 1], [], []>, transpose_lhs_hint = false} : vector<400x300xf32>, vector<300x300xf32>, vector<400x300xf32> -> vector<400x300xf32>
    %mul3A = vector.broadcast %get3A_4 : vector<400x1xf32> to vector<400x300xf32>
    %mul3A_12 = arith.mulf %dot_general3A_11, %mul3A : vector<400x300xf32>
    %get3A_13 = arith.constant 0 : index
    %get3A_14 = arith.constant 0 : index
    %get3A_15 = vector.load %arg3[%get3A_13, %get3A_14] : memref<300x300xf32, #tpu.memory_space<vmem>>, vector<300x300xf32>
    %dot_general3A_16 = arith.constant dense<0.000000e+00> : vector<400x300xf32>
    %dot_general3A_17 = tpu.matmul %get3A_1, %get3A_15, %dot_general3A_16 {dimension_numbers = #tpu.dot_dimension_numbers<[1], [0], [0], [1], [0, 0, 1, 1], [], []>, transpose_lhs_hint = false} : vector<400x300xf32>, vector<300x300xf32>, vector<400x300xf32> -> vector<400x300xf32>
    %mul3A_18 = vector.broadcast %get3A_7 : vector<400x1xf32> to vector<400x300xf32>
    %mul3A_19 = arith.mulf %dot_general3A_17, %mul3A_18 : vector<400x300xf32>
    %slice3A = vector.extract_strided_slice %mul3A_12 {offsets = [0, 0], sizes = [400, 150], strides = [1, 1]} : vector<400x300xf32> to vector<400x150xf32>
    %jit3A = arith.constant 0 : i32
    %convert_element_type3A = arith.sitofp %jit3A : i32 to f32
    %pad3A = vector.broadcast %convert_element_type3A : f32 to vector<400x10xf32>
    %pad3A_20 = tpu.concatenate %slice3A, %pad3A in 1 : vector<400x150xf32>, vector<400x10xf32> -> vector<400x160xf32>
    %slice3A_21 = vector.extract_strided_slice %mul3A_12 {offsets = [0, 150], sizes = [400, 150], strides = [1, 1]} : vector<400x300xf32> to vector<400x150xf32>
    %jit3A_22 = arith.constant 0 : i32
    %convert_element_type3A_23 = arith.sitofp %jit3A_22 : i32 to f32
    %pad3A_24 = vector.broadcast %convert_element_type3A_23 : f32 to vector<400x10xf32>
    %pad3A_25 = tpu.concatenate %slice3A_21, %pad3A_24 in 1 : vector<400x150xf32>, vector<400x10xf32> -> vector<400x160xf32>
    %stack3A = vector.shape_cast %pad3A_20 : vector<400x160xf32> to vector<1x400x160xf32>
    %stack3A_26 = vector.shape_cast %pad3A_25 : vector<400x160xf32> to vector<1x400x160xf32>
    %stack3A_27 = tpu.concatenate %stack3A, %stack3A_26 in 0 : vector<1x400x160xf32>, vector<1x400x160xf32> -> vector<2x400x160xf32>
    %swap3A = arith.constant 0 : index
    %swap3A_28 = arith.constant 0 : index
    %swap3A_29 = arith.constant 0 : index
    %swap3A_30 = vector.load %arg5[%swap3A, %swap3A_28, %swap3A_29] : memref<2x400x160xf32, #tpu.memory_space<vmem>>, vector<2x400x160xf32>
    tpu.vector_store %arg5[%swap3A, %swap3A_28, %swap3A_29], %stack3A_27 {strides = array<i32>} : memref<2x400x160xf32, #tpu.memory_space<vmem>>, vector<2x400x160xf32>,
    %slice3A_31 = vector.extract_strided_slice %mul3A_19 {offsets = [0, 0], sizes = [400, 150], strides = [1, 1]} : vector<400x300xf32> to vector<400x150xf32>
    %jit3A_32 = arith.constant 0 : i32
    %convert_element_type3A_33 = arith.sitofp %jit3A_32 : i32 to f32
    %pad3A_34 = vector.broadcast %convert_element_type3A_33 : f32 to vector<400x10xf32>
    %pad3A_35 = tpu.concatenate %slice3A_31, %pad3A_34 in 1 : vector<400x150xf32>, vector<400x10xf32> -> vector<400x160xf32>
    %slice3A_36 = vector.extract_strided_slice %mul3A_19 {offsets = [0, 150], sizes = [400, 150], strides = [1, 1]} : vector<400x300xf32> to vector<400x150xf32>
    %jit3A_37 = arith.constant 0 : i32
    %convert_element_type3A_38 = arith.sitofp %jit3A_37 : i32 to f32
    %pad3A_39 = vector.broadcast %convert_element_type3A_38 : f32 to vector<400x10xf32>
    %pad3A_40 = tpu.concatenate %slice3A_36, %pad3A_39 in 1 : vector<400x150xf32>, vector<400x10xf32> -> vector<400x160xf32>
    %stack3A_41 = vector.shape_cast %pad3A_35 : vector<400x160xf32> to vector<1x400x160xf32>
    %stack3A_42 = vector.shape_cast %pad3A_40 : vector<400x160xf32> to vector<1x400x160xf32>
    %stack3A_43 = tpu.concatenate %stack3A_41, %stack3A_42 in 0 : vector<1x400x160xf32>, vector<1x400x160xf32> -> vector<2x400x160xf32>
    %swap3A_44 = arith.constant 0 : index
    %swap3A_45 = arith.constant 0 : index
    %swap3A_46 = arith.constant 0 : index
    %swap3A_47 = vector.load %arg6[%swap3A_44, %swap3A_45, %swap3A_46] : memref<2x400x160xf32, #tpu.memory_space<vmem>>, vector<2x400x160xf32>
    tpu.vector_store %arg6[%swap3A_44, %swap3A_45, %swap3A_46], %stack3A_43 {strides = array<i32>} : memref<2x400x160xf32, #tpu.memory_space<vmem>>, vector<2x400x160xf32>,
    return
  }
  func.func @transform_0(%arg0: i32) -> (i32, i32) {
    %c0_i32 = arith.constant 0 : i32
    %c0_i32_0 = arith.constant 0 : i32
    return %arg0, %c0_i32 : i32, i32
  }
  func.func @transform_1(%arg0: i32) -> (i32, i32) {
    %c0_i32 = arith.constant 0 : i32
    %c0_i32_0 = arith.constant 0 : i32
    %c0_i32_1 = arith.constant 0 : i32
    return %c0_i32, %c0_i32_0 : i32, i32
  }
  func.func @transform_2(%arg0: i32) -> (i32, i32) {
    %c0_i32 = arith.constant 0 : i32
    %c0_i32_0 = arith.constant 0 : i32
    %c0_i32_1 = arith.constant 0 : i32
    return %c0_i32, %c0_i32_0 : i32, i32
  }
  func.func @transform_3(%arg0: i32) -> (i32, i32) {
    %c0_i32 = arith.constant 0 : i32
    %c0_i32_0 = arith.constant 0 : i32
    return %arg0, %c0_i32 : i32, i32
  }
  func.func @transform_4(%arg0: i32) -> (i32, i32, i32) {
    %c0_i32 = arith.constant 0 : i32
    %c0_i32_0 = arith.constant 0 : i32
    %c0_i32_1 = arith.constant 0 : i32
    return %c0_i32, %arg0, %c0_i32_0 : i32, i32, i32
  }
  func.func @transform_5(%arg0: i32) -> (i32, i32, i32) {
    %c0_i32 = arith.constant 0 : i32
    %c0_i32_0 = arith.constant 0 : i32
    %c0_i32_1 = arith.constant 0 : i32
    return %c0_i32, %arg0, %c0_i32_0 : i32, i32, i32
  }
}

module attributes {stable_mosaic.version = 14 : i64} {
  func.func @body(%arg0: i32, %arg1: memref<2x400x160xf32, #tpu.memory_space<vmem>>, %arg2: memref<2x400x160xf32, #tpu.memory_space<vmem>>, %arg3: memref<400x4xf32, #tpu.memory_space<vmem>>, %arg4: memref<300xf32, #tpu.memory_space<vmem>>, %arg5: memref<300xf32, #tpu.memory_space<vmem>>, %arg6: memref<300x300xf32, #tpu.memory_space<vmem>>, %arg7: memref<300xf32, #tpu.memory_space<vmem>>, %arg8: memref<300xf32, #tpu.memory_space<vmem>>, %arg9: memref<300xf32, #tpu.memory_space<vmem>>, %arg10: memref<300x300xf32, #tpu.memory_space<vmem>>, %arg11: memref<300xf32, #tpu.memory_space<vmem>>, %arg12: memref<300xf32, #tpu.memory_space<vmem>>, %arg13: memref<300xf32, #tpu.memory_space<vmem>>, %arg14: memref<600x300xf32, #tpu.memory_space<vmem>>, %arg15: memref<300xf32, #tpu.memory_space<vmem>>, %arg16: memref<300xf32, #tpu.memory_space<vmem>>, %arg17: memref<300xf32, #tpu.memory_space<vmem>>, %arg18: memref<300x300xf32, #tpu.memory_space<vmem>>, %arg19: memref<300x300xf32, #tpu.memory_space<vmem>>, %arg20: memref<2x400x160xf32, #tpu.memory_space<vmem>>, %arg21: memref<2x400x160xf32, #tpu.memory_space<vmem>>) attributes {dimension_semantics = [#tpu.dimension_semantics<arbitrary>], iteration_bounds = array<i64: 25>, scalar_prefetch = 0 : i64, scratch_operands = 0 : i64, tpu.core_type = #tpu.core_type<tc>, window_params = [{transform_indices = @transform_0, window_bounds = array<i64: 2, 400, 160>}, {transform_indices = @transform_1, window_bounds = array<i64: 2, 400, 160>}, {transform_indices = @transform_2, window_bounds = array<i64: 400, 4>}, {pipeline_mode = #tpu.pipeline_mode<synchronous>, transform_indices = @transform_3, window_bounds = array<i64: 300>}, {pipeline_mode = #tpu.pipeline_mode<synchronous>, transform_indices = @transform_4, window_bounds = array<i64: 300>}, {pipeline_mode = #tpu.pipeline_mode<synchronous>, transform_indices = @transform_5, window_bounds = array<i64: 300, 300>}, {pipeline_mode = #tpu.pipeline_mode<synchronous>, transform_indices = @transform_6, window_bounds = array<i64: 300>}, {pipeline_mode = #tpu.pipeline_mode<synchronous>, transform_indices = @transform_7, window_bounds = array<i64: 300>}, {pipeline_mode = #tpu.pipeline_mode<synchronous>, transform_indices = @transform_8, window_bounds = array<i64: 300>}, {pipeline_mode = #tpu.pipeline_mode<synchronous>, transform_indices = @transform_9, window_bounds = array<i64: 300, 300>}, {pipeline_mode = #tpu.pipeline_mode<synchronous>, transform_indices = @transform_10, window_bounds = array<i64: 300>}, {pipeline_mode = #tpu.pipeline_mode<synchronous>, transform_indices = @transform_11, window_bounds = array<i64: 300>}, {pipeline_mode = #tpu.pipeline_mode<synchronous>, transform_indices = @transform_12, window_bounds = array<i64: 300>}, {pipeline_mode = #tpu.pipeline_mode<synchronous>, transform_indices = @transform_13, window_bounds = array<i64: 600, 300>}, {pipeline_mode = #tpu.pipeline_mode<synchronous>, transform_indices = @transform_14, window_bounds = array<i64: 300>}, {pipeline_mode = #tpu.pipeline_mode<synchronous>, transform_indices = @transform_15, window_bounds = array<i64: 300>}, {pipeline_mode = #tpu.pipeline_mode<synchronous>, transform_indices = @transform_16, window_bounds = array<i64: 300>}, {pipeline_mode = #tpu.pipeline_mode<synchronous>, transform_indices = @transform_17, window_bounds = array<i64: 300, 300>}, {pipeline_mode = #tpu.pipeline_mode<synchronous>, transform_indices = @transform_18, window_bounds = array<i64: 300, 300>}, {transform_indices = @transform_19, window_bounds = array<i64: 2, 400, 160>}, {transform_indices = @transform_20, window_bounds = array<i64: 2, 400, 160>}]} {
    %get3A = arith.constant 0 : index
    %get3A_0 = arith.constant 0 : index
    %get3A_1 = vector.load %arg3[%get3A, %get3A_0] : memref<400x4xf32, #tpu.memory_space<vmem>>, vector<400x1xf32>
    %get3A_2 = arith.constant 0 : index
    %get3A_3 = arith.constant 1 : index
    %get3A_4 = vector.load %arg3[%get3A_2, %get3A_3] : memref<400x4xf32, #tpu.memory_space<vmem>>, vector<400x1xf32>
    %get3A_5 = arith.constant 0 : index
    %get3A_6 = arith.constant 2 : index
    %get3A_7 = vector.load %arg3[%get3A_5, %get3A_6] : memref<400x4xf32, #tpu.memory_space<vmem>>, vector<400x1xf32>
    %get3A_8 = arith.constant 0 : index
    %get3A_9 = arith.constant 3 : index
    %get3A_10 = vector.load %arg3[%get3A_8, %get3A_9] : memref<400x4xf32, #tpu.memory_space<vmem>>, vector<400x1xf32>
    %get3A_11 = arith.constant 0 : index
    %get3A_12 = arith.constant 0 : index
    %get3A_13 = arith.constant 0 : index
    %get3A_14 = vector.load %arg1[%get3A_11, %get3A_12, %get3A_13] : memref<2x400x160xf32, #tpu.memory_space<vmem>>, vector<2x400x160xf32>
    %slice3A = vector.extract_strided_slice %get3A_14 {offsets = [0, 0, 0], sizes = [1, 400, 150], strides = [1, 1, 1]} : vector<2x400x160xf32> to vector<1x400x150xf32>
    %squeeze3A = vector.shape_cast %slice3A : vector<1x400x150xf32> to vector<400x150xf32>
    %slice3A_15 = vector.extract_strided_slice %get3A_14 {offsets = [1, 0, 0], sizes = [1, 400, 150], strides = [1, 1, 1]} : vector<2x400x160xf32> to vector<1x400x150xf32>
    %squeeze3A_16 = vector.shape_cast %slice3A_15 : vector<1x400x150xf32> to vector<400x150xf32>
    %concatenate3A = tpu.concatenate %squeeze3A, %squeeze3A_16 in 1 : vector<400x150xf32>, vector<400x150xf32> -> vector<400x300xf32>
    %mul3A = vector.broadcast %get3A_4 : vector<400x1xf32> to vector<400x300xf32>
    %mul3A_17 = arith.mulf %concatenate3A, %mul3A : vector<400x300xf32>
    %get3A_18 = arith.constant 0 : index
    %get3A_19 = vector.load %arg4[%get3A_18] : memref<300xf32, #tpu.memory_space<vmem>>, vector<300xf32>
    %broadcast_in_dim3A = vector.shape_cast %get3A_19 : vector<300xf32> to vector<1x300xf32>
    %add3A = vector.broadcast %broadcast_in_dim3A : vector<1x300xf32> to vector<400x300xf32>
    %add3A_20 = arith.addf %mul3A_17, %add3A : vector<400x300xf32>
    %max3A = arith.constant 0.000000e+00 : f32
    %max3A_21 = vector.broadcast %max3A : f32 to vector<400x300xf32>
    %max3A_22 = arith.maximumf %add3A_20, %max3A_21 : vector<400x300xf32>
    %get3A_23 = arith.constant 0 : index
    %get3A_24 = arith.constant 0 : index
    %get3A_25 = arith.constant 0 : index
    %get3A_26 = vector.load %arg2[%get3A_23, %get3A_24, %get3A_25] : memref<2x400x160xf32, #tpu.memory_space<vmem>>, vector<2x400x160xf32>
    %slice3A_27 = vector.extract_strided_slice %get3A_26 {offsets = [0, 0, 0], sizes = [1, 400, 150], strides = [1, 1, 1]} : vector<2x400x160xf32> to vector<1x400x150xf32>
    %squeeze3A_28 = vector.shape_cast %slice3A_27 : vector<1x400x150xf32> to vector<400x150xf32>
    %slice3A_29 = vector.extract_strided_slice %get3A_26 {offsets = [1, 0, 0], sizes = [1, 400, 150], strides = [1, 1, 1]} : vector<2x400x160xf32> to vector<1x400x150xf32>
    %squeeze3A_30 = vector.shape_cast %slice3A_29 : vector<1x400x150xf32> to vector<400x150xf32>
    %concatenate3A_31 = tpu.concatenate %squeeze3A_28, %squeeze3A_30 in 1 : vector<400x150xf32>, vector<400x150xf32> -> vector<400x300xf32>
    %mul3A_32 = vector.broadcast %get3A_10 : vector<400x1xf32> to vector<400x300xf32>
    %mul3A_33 = arith.mulf %concatenate3A_31, %mul3A_32 : vector<400x300xf32>
    %get3A_34 = arith.constant 0 : index
    %get3A_35 = vector.load %arg5[%get3A_34] : memref<300xf32, #tpu.memory_space<vmem>>, vector<300xf32>
    %broadcast_in_dim3A_36 = vector.shape_cast %get3A_35 : vector<300xf32> to vector<1x300xf32>
    %add3A_37 = vector.broadcast %broadcast_in_dim3A_36 : vector<1x300xf32> to vector<400x300xf32>
    %add3A_38 = arith.addf %mul3A_33, %add3A_37 : vector<400x300xf32>
    %max3A_39 = arith.constant 0.000000e+00 : f32
    %max3A_40 = vector.broadcast %max3A_39 : f32 to vector<400x300xf32>
    %max3A_41 = arith.maximumf %add3A_38, %max3A_40 : vector<400x300xf32>
    %get3A_42 = arith.constant 0 : index
    %get3A_43 = arith.constant 0 : index
    %get3A_44 = vector.load %arg6[%get3A_42, %get3A_43] : memref<300x300xf32, #tpu.memory_space<vmem>>, vector<300x300xf32>
    %dot_general3A = arith.constant dense<0.000000e+00> : vector<400x300xf32>
    %dot_general3A_45 = tpu.matmul %max3A_22, %get3A_44, %dot_general3A {dimension_numbers = #tpu.dot_dimension_numbers<[1], [0], [0], [1], [0, 0, 1, 1], [], []>, transpose_lhs_hint = false} : vector<400x300xf32>, vector<300x300xf32>, vector<400x300xf32> -> vector<400x300xf32>
    %get3A_46 = arith.constant 0 : index
    %get3A_47 = vector.load %arg7[%get3A_46] : memref<300xf32, #tpu.memory_space<vmem>>, vector<300xf32>
    %broadcast_in_dim3A_48 = vector.shape_cast %get3A_47 : vector<300xf32> to vector<1x300xf32>
    %add3A_49 = vector.broadcast %broadcast_in_dim3A_48 : vector<1x300xf32> to vector<400x300xf32>
    %add3A_50 = arith.addf %dot_general3A_45, %add3A_49 : vector<400x300xf32>
    %get3A_51 = arith.constant 0 : index
    %get3A_52 = vector.load %arg8[%get3A_51] : memref<300xf32, #tpu.memory_space<vmem>>, vector<300xf32>
    %get3A_53 = arith.constant 0 : index
    %get3A_54 = vector.load %arg9[%get3A_53] : memref<300xf32, #tpu.memory_space<vmem>>, vector<300xf32>
    %reduce_sum3A = arith.constant dense<0.000000e+00> : vector<400xf32>
    %reduce_sum3A_55 = vector.multi_reduction <add>, %add3A_50, %reduce_sum3A [1] : vector<400x300xf32> to vector<400xf32>
    %broadcast_in_dim3A_56 = vector.shape_cast %reduce_sum3A_55 : vector<400xf32> to vector<400x1xf32>
    %div3A = arith.constant 3.000000e+02 : f32
    %div3A_57 = vector.broadcast %div3A : f32 to vector<400x1xf32>
    %div3A_58 = arith.divf %broadcast_in_dim3A_56, %div3A_57 : vector<400x1xf32>
    %sub3A = vector.broadcast %div3A_58 : vector<400x1xf32> to vector<400x300xf32>
    %sub3A_59 = arith.subf %add3A_50, %sub3A : vector<400x300xf32>
    %integer_pow3A = arith.mulf %sub3A_59, %sub3A_59 : vector<400x300xf32>
    %reduce_sum3A_60 = arith.constant dense<0.000000e+00> : vector<400xf32>
    %reduce_sum3A_61 = vector.multi_reduction <add>, %integer_pow3A, %reduce_sum3A_60 [1] : vector<400x300xf32> to vector<400xf32>
    %broadcast_in_dim3A_62 = vector.shape_cast %reduce_sum3A_61 : vector<400xf32> to vector<400x1xf32>
    %div3A_63 = arith.constant 3.000000e+02 : f32
    %div3A_64 = vector.broadcast %div3A_63 : f32 to vector<400x1xf32>
    %div3A_65 = arith.divf %broadcast_in_dim3A_62, %div3A_64 : vector<400x1xf32>
    %sub3A_66 = vector.broadcast %div3A_58 : vector<400x1xf32> to vector<400x300xf32>
    %sub3A_67 = arith.subf %add3A_50, %sub3A_66 : vector<400x300xf32>
    %add3A_68 = arith.constant 9.99999974E-6 : f32
    %add3A_69 = vector.broadcast %add3A_68 : f32 to vector<400x1xf32>
    %add3A_70 = arith.addf %div3A_65, %add3A_69 : vector<400x1xf32>
    %rsqrt3A = math.rsqrt %add3A_70 : vector<400x1xf32>
    %mul3A_71 = vector.broadcast %rsqrt3A : vector<400x1xf32> to vector<400x300xf32>
    %mul3A_72 = arith.mulf %sub3A_67, %mul3A_71 : vector<400x300xf32>
    %broadcast_in_dim3A_73 = vector.shape_cast %get3A_52 : vector<300xf32> to vector<1x300xf32>
    %mul3A_74 = vector.broadcast %broadcast_in_dim3A_73 : vector<1x300xf32> to vector<400x300xf32>
    %mul3A_75 = arith.mulf %mul3A_72, %mul3A_74 : vector<400x300xf32>
    %broadcast_in_dim3A_76 = vector.shape_cast %get3A_54 : vector<300xf32> to vector<1x300xf32>
    %add3A_77 = vector.broadcast %broadcast_in_dim3A_76 : vector<1x300xf32> to vector<400x300xf32>
    %add3A_78 = arith.addf %mul3A_75, %add3A_77 : vector<400x300xf32>
    %get3A_79 = arith.constant 0 : index
    %get3A_80 = arith.constant 0 : index
    %get3A_81 = vector.load %arg10[%get3A_79, %get3A_80] : memref<300x300xf32, #tpu.memory_space<vmem>>, vector<300x300xf32>
    %dot_general3A_82 = arith.constant dense<0.000000e+00> : vector<400x300xf32>
    %dot_general3A_83 = tpu.matmul %max3A_41, %get3A_81, %dot_general3A_82 {dimension_numbers = #tpu.dot_dimension_numbers<[1], [0], [0], [1], [0, 0, 1, 1], [], []>, transpose_lhs_hint = false} : vector<400x300xf32>, vector<300x300xf32>, vector<400x300xf32> -> vector<400x300xf32>
    %get3A_84 = arith.constant 0 : index
    %get3A_85 = vector.load %arg11[%get3A_84] : memref<300xf32, #tpu.memory_space<vmem>>, vector<300xf32>
    %broadcast_in_dim3A_86 = vector.shape_cast %get3A_85 : vector<300xf32> to vector<1x300xf32>
    %add3A_87 = vector.broadcast %broadcast_in_dim3A_86 : vector<1x300xf32> to vector<400x300xf32>
    %add3A_88 = arith.addf %dot_general3A_83, %add3A_87 : vector<400x300xf32>
    %get3A_89 = arith.constant 0 : index
    %get3A_90 = vector.load %arg12[%get3A_89] : memref<300xf32, #tpu.memory_space<vmem>>, vector<300xf32>
    %get3A_91 = arith.constant 0 : index
    %get3A_92 = vector.load %arg13[%get3A_91] : memref<300xf32, #tpu.memory_space<vmem>>, vector<300xf32>
    %reduce_sum3A_93 = arith.constant dense<0.000000e+00> : vector<400xf32>
    %reduce_sum3A_94 = vector.multi_reduction <add>, %add3A_88, %reduce_sum3A_93 [1] : vector<400x300xf32> to vector<400xf32>
    %broadcast_in_dim3A_95 = vector.shape_cast %reduce_sum3A_94 : vector<400xf32> to vector<400x1xf32>
    %div3A_96 = arith.constant 3.000000e+02 : f32
    %div3A_97 = vector.broadcast %div3A_96 : f32 to vector<400x1xf32>
    %div3A_98 = arith.divf %broadcast_in_dim3A_95, %div3A_97 : vector<400x1xf32>
    %sub3A_99 = vector.broadcast %div3A_98 : vector<400x1xf32> to vector<400x300xf32>
    %sub3A_100 = arith.subf %add3A_88, %sub3A_99 : vector<400x300xf32>
    %integer_pow3A_101 = arith.mulf %sub3A_100, %sub3A_100 : vector<400x300xf32>
    %reduce_sum3A_102 = arith.constant dense<0.000000e+00> : vector<400xf32>
    %reduce_sum3A_103 = vector.multi_reduction <add>, %integer_pow3A_101, %reduce_sum3A_102 [1] : vector<400x300xf32> to vector<400xf32>
    %broadcast_in_dim3A_104 = vector.shape_cast %reduce_sum3A_103 : vector<400xf32> to vector<400x1xf32>
    %div3A_105 = arith.constant 3.000000e+02 : f32
    %div3A_106 = vector.broadcast %div3A_105 : f32 to vector<400x1xf32>
    %div3A_107 = arith.divf %broadcast_in_dim3A_104, %div3A_106 : vector<400x1xf32>
    %sub3A_108 = vector.broadcast %div3A_98 : vector<400x1xf32> to vector<400x300xf32>
    %sub3A_109 = arith.subf %add3A_88, %sub3A_108 : vector<400x300xf32>
    %add3A_110 = arith.constant 9.99999974E-6 : f32
    %add3A_111 = vector.broadcast %add3A_110 : f32 to vector<400x1xf32>
    %add3A_112 = arith.addf %div3A_107, %add3A_111 : vector<400x1xf32>
    %rsqrt3A_113 = math.rsqrt %add3A_112 : vector<400x1xf32>
    %mul3A_114 = vector.broadcast %rsqrt3A_113 : vector<400x1xf32> to vector<400x300xf32>
    %mul3A_115 = arith.mulf %sub3A_109, %mul3A_114 : vector<400x300xf32>
    %broadcast_in_dim3A_116 = vector.shape_cast %get3A_90 : vector<300xf32> to vector<1x300xf32>
    %mul3A_117 = vector.broadcast %broadcast_in_dim3A_116 : vector<1x300xf32> to vector<400x300xf32>
    %mul3A_118 = arith.mulf %mul3A_115, %mul3A_117 : vector<400x300xf32>
    %broadcast_in_dim3A_119 = vector.shape_cast %get3A_92 : vector<300xf32> to vector<1x300xf32>
    %add3A_120 = vector.broadcast %broadcast_in_dim3A_119 : vector<1x300xf32> to vector<400x300xf32>
    %add3A_121 = arith.addf %mul3A_118, %add3A_120 : vector<400x300xf32>
    %concatenate3A_122 = tpu.concatenate %add3A_78, %add3A_121 in 1 : vector<400x300xf32>, vector<400x300xf32> -> vector<400x600xf32>
    %get3A_123 = arith.constant 0 : index
    %get3A_124 = arith.constant 0 : index
    %get3A_125 = vector.load %arg14[%get3A_123, %get3A_124] : memref<600x300xf32, #tpu.memory_space<vmem>>, vector<600x300xf32>
    %dot_general3A_126 = arith.constant dense<0.000000e+00> : vector<400x300xf32>
    %dot_general3A_127 = tpu.matmul %concatenate3A_122, %get3A_125, %dot_general3A_126 {dimension_numbers = #tpu.dot_dimension_numbers<[1], [0], [0], [1], [0, 0, 1, 1], [], []>, transpose_lhs_hint = false} : vector<400x600xf32>, vector<600x300xf32>, vector<400x300xf32> -> vector<400x300xf32>
    %get3A_128 = arith.constant 0 : index
    %get3A_129 = vector.load %arg15[%get3A_128] : memref<300xf32, #tpu.memory_space<vmem>>, vector<300xf32>
    %broadcast_in_dim3A_130 = vector.shape_cast %get3A_129 : vector<300xf32> to vector<1x300xf32>
    %add3A_131 = vector.broadcast %broadcast_in_dim3A_130 : vector<1x300xf32> to vector<400x300xf32>
    %add3A_132 = arith.addf %dot_general3A_127, %add3A_131 : vector<400x300xf32>
    %get3A_133 = arith.constant 0 : index
    %get3A_134 = vector.load %arg16[%get3A_133] : memref<300xf32, #tpu.memory_space<vmem>>, vector<300xf32>
    %get3A_135 = arith.constant 0 : index
    %get3A_136 = vector.load %arg17[%get3A_135] : memref<300xf32, #tpu.memory_space<vmem>>, vector<300xf32>
    %reduce_sum3A_137 = arith.constant dense<0.000000e+00> : vector<400xf32>
    %reduce_sum3A_138 = vector.multi_reduction <add>, %add3A_132, %reduce_sum3A_137 [1] : vector<400x300xf32> to vector<400xf32>
    %broadcast_in_dim3A_139 = vector.shape_cast %reduce_sum3A_138 : vector<400xf32> to vector<400x1xf32>
    %div3A_140 = arith.constant 3.000000e+02 : f32
    %div3A_141 = vector.broadcast %div3A_140 : f32 to vector<400x1xf32>
    %div3A_142 = arith.divf %broadcast_in_dim3A_139, %div3A_141 : vector<400x1xf32>
    %sub3A_143 = vector.broadcast %div3A_142 : vector<400x1xf32> to vector<400x300xf32>
    %sub3A_144 = arith.subf %add3A_132, %sub3A_143 : vector<400x300xf32>
    %integer_pow3A_145 = arith.mulf %sub3A_144, %sub3A_144 : vector<400x300xf32>
    %reduce_sum3A_146 = arith.constant dense<0.000000e+00> : vector<400xf32>
    %reduce_sum3A_147 = vector.multi_reduction <add>, %integer_pow3A_145, %reduce_sum3A_146 [1] : vector<400x300xf32> to vector<400xf32>
    %broadcast_in_dim3A_148 = vector.shape_cast %reduce_sum3A_147 : vector<400xf32> to vector<400x1xf32>
    %div3A_149 = arith.constant 3.000000e+02 : f32
    %div3A_150 = vector.broadcast %div3A_149 : f32 to vector<400x1xf32>
    %div3A_151 = arith.divf %broadcast_in_dim3A_148, %div3A_150 : vector<400x1xf32>
    %sub3A_152 = vector.broadcast %div3A_142 : vector<400x1xf32> to vector<400x300xf32>
    %sub3A_153 = arith.subf %add3A_132, %sub3A_152 : vector<400x300xf32>
    %add3A_154 = arith.constant 9.99999974E-6 : f32
    %add3A_155 = vector.broadcast %add3A_154 : f32 to vector<400x1xf32>
    %add3A_156 = arith.addf %div3A_151, %add3A_155 : vector<400x1xf32>
    %rsqrt3A_157 = math.rsqrt %add3A_156 : vector<400x1xf32>
    %mul3A_158 = vector.broadcast %rsqrt3A_157 : vector<400x1xf32> to vector<400x300xf32>
    %mul3A_159 = arith.mulf %sub3A_153, %mul3A_158 : vector<400x300xf32>
    %broadcast_in_dim3A_160 = vector.shape_cast %get3A_134 : vector<300xf32> to vector<1x300xf32>
    %mul3A_161 = vector.broadcast %broadcast_in_dim3A_160 : vector<1x300xf32> to vector<400x300xf32>
    %mul3A_162 = arith.mulf %mul3A_159, %mul3A_161 : vector<400x300xf32>
    %broadcast_in_dim3A_163 = vector.shape_cast %get3A_136 : vector<300xf32> to vector<1x300xf32>
    %add3A_164 = vector.broadcast %broadcast_in_dim3A_163 : vector<1x300xf32> to vector<400x300xf32>
    %add3A_165 = arith.addf %mul3A_162, %add3A_164 : vector<400x300xf32>
    %get3A_166 = arith.constant 0 : index
    %get3A_167 = arith.constant 0 : index
    %get3A_168 = vector.load %arg18[%get3A_166, %get3A_167] : memref<300x300xf32, #tpu.memory_space<vmem>>, vector<300x300xf32>
    %dot_general3A_169 = arith.constant dense<0.000000e+00> : vector<400x300xf32>
    %dot_general3A_170 = tpu.matmul %add3A_165, %get3A_168, %dot_general3A_169 {dimension_numbers = #tpu.dot_dimension_numbers<[1], [0], [0], [1], [0, 0, 1, 1], [], []>, transpose_lhs_hint = false} : vector<400x300xf32>, vector<300x300xf32>, vector<400x300xf32> -> vector<400x300xf32>
    %mul3A_171 = vector.broadcast %get3A_1 : vector<400x1xf32> to vector<400x300xf32>
    %mul3A_172 = arith.mulf %dot_general3A_170, %mul3A_171 : vector<400x300xf32>
    %get3A_173 = arith.constant 0 : index
    %get3A_174 = arith.constant 0 : index
    %get3A_175 = vector.load %arg19[%get3A_173, %get3A_174] : memref<300x300xf32, #tpu.memory_space<vmem>>, vector<300x300xf32>
    %dot_general3A_176 = arith.constant dense<0.000000e+00> : vector<400x300xf32>
    %dot_general3A_177 = tpu.matmul %add3A_165, %get3A_175, %dot_general3A_176 {dimension_numbers = #tpu.dot_dimension_numbers<[1], [0], [0], [1], [0, 0, 1, 1], [], []>, transpose_lhs_hint = false} : vector<400x300xf32>, vector<300x300xf32>, vector<400x300xf32> -> vector<400x300xf32>
    %mul3A_178 = vector.broadcast %get3A_7 : vector<400x1xf32> to vector<400x300xf32>
    %mul3A_179 = arith.mulf %dot_general3A_177, %mul3A_178 : vector<400x300xf32>
    %slice3A_180 = vector.extract_strided_slice %mul3A_172 {offsets = [0, 0], sizes = [400, 150], strides = [1, 1]} : vector<400x300xf32> to vector<400x150xf32>
    %jit3A = arith.constant 0 : i32
    %convert_element_type3A = arith.sitofp %jit3A : i32 to f32
    %pad3A = vector.broadcast %convert_element_type3A : f32 to vector<400x10xf32>
    %pad3A_181 = tpu.concatenate %slice3A_180, %pad3A in 1 : vector<400x150xf32>, vector<400x10xf32> -> vector<400x160xf32>
    %slice3A_182 = vector.extract_strided_slice %mul3A_172 {offsets = [0, 150], sizes = [400, 150], strides = [1, 1]} : vector<400x300xf32> to vector<400x150xf32>
    %jit3A_183 = arith.constant 0 : i32
    %convert_element_type3A_184 = arith.sitofp %jit3A_183 : i32 to f32
    %pad3A_185 = vector.broadcast %convert_element_type3A_184 : f32 to vector<400x10xf32>
    %pad3A_186 = tpu.concatenate %slice3A_182, %pad3A_185 in 1 : vector<400x150xf32>, vector<400x10xf32> -> vector<400x160xf32>
    %stack3A = vector.shape_cast %pad3A_181 : vector<400x160xf32> to vector<1x400x160xf32>
    %stack3A_187 = vector.shape_cast %pad3A_186 : vector<400x160xf32> to vector<1x400x160xf32>
    %stack3A_188 = tpu.concatenate %stack3A, %stack3A_187 in 0 : vector<1x400x160xf32>, vector<1x400x160xf32> -> vector<2x400x160xf32>
    %swap3A = arith.constant 0 : index
    %swap3A_189 = arith.constant 0 : index
    %swap3A_190 = arith.constant 0 : index
    %swap3A_191 = vector.load %arg20[%swap3A, %swap3A_189, %swap3A_190] : memref<2x400x160xf32, #tpu.memory_space<vmem>>, vector<2x400x160xf32>
    tpu.vector_store %arg20[%swap3A, %swap3A_189, %swap3A_190], %stack3A_188 {strides = array<i32>} : memref<2x400x160xf32, #tpu.memory_space<vmem>>, vector<2x400x160xf32>,
    %slice3A_192 = vector.extract_strided_slice %mul3A_179 {offsets = [0, 0], sizes = [400, 150], strides = [1, 1]} : vector<400x300xf32> to vector<400x150xf32>
    %jit3A_193 = arith.constant 0 : i32
    %convert_element_type3A_194 = arith.sitofp %jit3A_193 : i32 to f32
    %pad3A_195 = vector.broadcast %convert_element_type3A_194 : f32 to vector<400x10xf32>
    %pad3A_196 = tpu.concatenate %slice3A_192, %pad3A_195 in 1 : vector<400x150xf32>, vector<400x10xf32> -> vector<400x160xf32>
    %slice3A_197 = vector.extract_strided_slice %mul3A_179 {offsets = [0, 150], sizes = [400, 150], strides = [1, 1]} : vector<400x300xf32> to vector<400x150xf32>
    %jit3A_198 = arith.constant 0 : i32
    %convert_element_type3A_199 = arith.sitofp %jit3A_198 : i32 to f32
    %pad3A_200 = vector.broadcast %convert_element_type3A_199 : f32 to vector<400x10xf32>
    %pad3A_201 = tpu.concatenate %slice3A_197, %pad3A_200 in 1 : vector<400x150xf32>, vector<400x10xf32> -> vector<400x160xf32>
    %stack3A_202 = vector.shape_cast %pad3A_196 : vector<400x160xf32> to vector<1x400x160xf32>
    %stack3A_203 = vector.shape_cast %pad3A_201 : vector<400x160xf32> to vector<1x400x160xf32>
    %stack3A_204 = tpu.concatenate %stack3A_202, %stack3A_203 in 0 : vector<1x400x160xf32>, vector<1x400x160xf32> -> vector<2x400x160xf32>
    %swap3A_205 = arith.constant 0 : index
    %swap3A_206 = arith.constant 0 : index
    %swap3A_207 = arith.constant 0 : index
    %swap3A_208 = vector.load %arg21[%swap3A_205, %swap3A_206, %swap3A_207] : memref<2x400x160xf32, #tpu.memory_space<vmem>>, vector<2x400x160xf32>
    tpu.vector_store %arg21[%swap3A_205, %swap3A_206, %swap3A_207], %stack3A_204 {strides = array<i32>} : memref<2x400x160xf32, #tpu.memory_space<vmem>>, vector<2x400x160xf32>,
    return
  }
  func.func @transform_0(%arg0: i32) -> (i32, i32, i32) {
    %c0_i32 = arith.constant 0 : i32
    %c0_i32_0 = arith.constant 0 : i32
    %c0_i32_1 = arith.constant 0 : i32
    return %c0_i32, %arg0, %c0_i32_0 : i32, i32, i32
  }
  func.func @transform_1(%arg0: i32) -> (i32, i32, i32) {
    %c0_i32 = arith.constant 0 : i32
    %c0_i32_0 = arith.constant 0 : i32
    %c0_i32_1 = arith.constant 0 : i32
    return %c0_i32, %arg0, %c0_i32_0 : i32, i32, i32
  }
  func.func @transform_2(%arg0: i32) -> (i32, i32) {
    %c0_i32 = arith.constant 0 : i32
    %c0_i32_0 = arith.constant 0 : i32
    return %arg0, %c0_i32 : i32, i32
  }
  func.func @transform_3(%arg0: i32) -> i32 {
    %c0_i32 = arith.constant 0 : i32
    %c0_i32_0 = arith.constant 0 : i32
    return %c0_i32 : i32
  }
  func.func @transform_4(%arg0: i32) -> i32 {
    %c0_i32 = arith.constant 0 : i32
    %c0_i32_0 = arith.constant 0 : i32
    return %c0_i32 : i32
  }
  func.func @transform_5(%arg0: i32) -> (i32, i32) {
    %c0_i32 = arith.constant 0 : i32
    %c0_i32_0 = arith.constant 0 : i32
    %c0_i32_1 = arith.constant 0 : i32
    return %c0_i32, %c0_i32_0 : i32, i32
  }
  func.func @transform_6(%arg0: i32) -> i32 {
    %c0_i32 = arith.constant 0 : i32
    %c0_i32_0 = arith.constant 0 : i32
    return %c0_i32 : i32
  }
  func.func @transform_7(%arg0: i32) -> i32 {
    %c0_i32 = arith.constant 0 : i32
    %c0_i32_0 = arith.constant 0 : i32
    return %c0_i32 : i32
  }
  func.func @transform_8(%arg0: i32) -> i32 {
    %c0_i32 = arith.constant 0 : i32
    %c0_i32_0 = arith.constant 0 : i32
    return %c0_i32 : i32
  }
  func.func @transform_9(%arg0: i32) -> (i32, i32) {
    %c0_i32 = arith.constant 0 : i32
    %c0_i32_0 = arith.constant 0 : i32
    %c0_i32_1 = arith.constant 0 : i32
    return %c0_i32, %c0_i32_0 : i32, i32
  }
  func.func @transform_10(%arg0: i32) -> i32 {
    %c0_i32 = arith.constant 0 : i32
    %c0_i32_0 = arith.constant 0 : i32
    return %c0_i32 : i32
  }
  func.func @transform_11(%arg0: i32) -> i32 {
    %c0_i32 = arith.constant 0 : i32
    %c0_i32_0 = arith.constant 0 : i32
    return %c0_i32 : i32
  }
  func.func @transform_12(%arg0: i32) -> i32 {
    %c0_i32 = arith.constant 0 : i32
    %c0_i32_0 = arith.constant 0 : i32
    return %c0_i32 : i32
  }
  func.func @transform_13(%arg0: i32) -> (i32, i32) {
    %c0_i32 = arith.constant 0 : i32
    %c0_i32_0 = arith.constant 0 : i32
    %c0_i32_1 = arith.constant 0 : i32
    return %c0_i32, %c0_i32_0 : i32, i32
  }
  func.func @transform_14(%arg0: i32) -> i32 {
    %c0_i32 = arith.constant 0 : i32
    %c0_i32_0 = arith.constant 0 : i32
    return %c0_i32 : i32
  }
  func.func @transform_15(%arg0: i32) -> i32 {
    %c0_i32 = arith.constant 0 : i32
    %c0_i32_0 = arith.constant 0 : i32
    return %c0_i32 : i32
  }
  func.func @transform_16(%arg0: i32) -> i32 {
    %c0_i32 = arith.constant 0 : i32
    %c0_i32_0 = arith.constant 0 : i32
    return %c0_i32 : i32
  }
  func.func @transform_17(%arg0: i32) -> (i32, i32) {
    %c0_i32 = arith.constant 0 : i32
    %c0_i32_0 = arith.constant 0 : i32
    %c0_i32_1 = arith.constant 0 : i32
    return %c0_i32, %c0_i32_0 : i32, i32
  }
  func.func @transform_18(%arg0: i32) -> (i32, i32) {
    %c0_i32 = arith.constant 0 : i32
    %c0_i32_0 = arith.constant 0 : i32
    %c0_i32_1 = arith.constant 0 : i32
    return %c0_i32, %c0_i32_0 : i32, i32
  }
  func.func @transform_19(%arg0: i32) -> (i32, i32, i32) {
    %c0_i32 = arith.constant 0 : i32
    %c0_i32_0 = arith.constant 0 : i32
    %c0_i32_1 = arith.constant 0 : i32
    return %c0_i32, %arg0, %c0_i32_0 : i32, i32, i32
  }
  func.func @transform_20(%arg0: i32) -> (i32, i32, i32) {
    %c0_i32 = arith.constant 0 : i32
    %c0_i32_0 = arith.constant 0 : i32
    %c0_i32_1 = arith.constant 0 : i32
    return %c0_i32, %arg0, %c0_i32_0 : i32, i32, i32
  }
}

module attributes {stable_mosaic.version = 14 : i64} {
  func.func @body(%arg0: i32, %arg1: memref<2x400x160xf32, #tpu.memory_space<vmem>>, %arg2: memref<2x400x160xf32, #tpu.memory_space<vmem>>, %arg3: memref<400x4xf32, #tpu.memory_space<vmem>>, %arg4: memref<300xf32, #tpu.memory_space<vmem>>, %arg5: memref<300xf32, #tpu.memory_space<vmem>>, %arg6: memref<300x1xf32, #tpu.memory_space<vmem>>, %arg7: memref<1xf32, #tpu.memory_space<vmem>>, %arg8: memref<300x1xf32, #tpu.memory_space<vmem>>, %arg9: memref<1xf32, #tpu.memory_space<vmem>>, %arg10: memref<400x300xf32, #tpu.memory_space<vmem>>) attributes {dimension_semantics = [#tpu.dimension_semantics<arbitrary>], iteration_bounds = array<i64: 25>, scalar_prefetch = 0 : i64, scratch_operands = 0 : i64, tpu.core_type = #tpu.core_type<tc>, window_params = [{transform_indices = @transform_0, window_bounds = array<i64: 2, 400, 160>}, {transform_indices = @transform_1, window_bounds = array<i64: 2, 400, 160>}, {transform_indices = @transform_2, window_bounds = array<i64: 400, 4>}, {pipeline_mode = #tpu.pipeline_mode<synchronous>, transform_indices = @transform_3, window_bounds = array<i64: 300>}, {pipeline_mode = #tpu.pipeline_mode<synchronous>, transform_indices = @transform_4, window_bounds = array<i64: 300>}, {pipeline_mode = #tpu.pipeline_mode<synchronous>, transform_indices = @transform_5, window_bounds = array<i64: 300, 1>}, {pipeline_mode = #tpu.pipeline_mode<synchronous>, transform_indices = @transform_6, window_bounds = array<i64: 1>}, {pipeline_mode = #tpu.pipeline_mode<synchronous>, transform_indices = @transform_7, window_bounds = array<i64: 300, 1>}, {pipeline_mode = #tpu.pipeline_mode<synchronous>, transform_indices = @transform_8, window_bounds = array<i64: 1>}, {transform_indices = @transform_9, window_bounds = array<i64: 400, 300>}]} {
    %get3A = arith.constant 0 : index
    %get3A_0 = arith.constant 1 : index
    %get3A_1 = vector.load %arg3[%get3A, %get3A_0] : memref<400x4xf32, #tpu.memory_space<vmem>>, vector<400x1xf32>
    %get3A_2 = arith.constant 0 : index
    %get3A_3 = arith.constant 3 : index
    %get3A_4 = vector.load %arg3[%get3A_2, %get3A_3] : memref<400x4xf32, #tpu.memory_space<vmem>>, vector<400x1xf32>
    %get3A_5 = arith.constant 0 : index
    %get3A_6 = arith.constant 0 : index
    %get3A_7 = arith.constant 0 : index
    %get3A_8 = vector.load %arg1[%get3A_5, %get3A_6, %get3A_7] : memref<2x400x160xf32, #tpu.memory_space<vmem>>, vector<2x400x160xf32>
    %slice3A = vector.extract_strided_slice %get3A_8 {offsets = [0, 0, 0], sizes = [1, 400, 150], strides = [1, 1, 1]} : vector<2x400x160xf32> to vector<1x400x150xf32>
    %squeeze3A = vector.shape_cast %slice3A : vector<1x400x150xf32> to vector<400x150xf32>
    %slice3A_9 = vector.extract_strided_slice %get3A_8 {offsets = [1, 0, 0], sizes = [1, 400, 150], strides = [1, 1, 1]} : vector<2x400x160xf32> to vector<1x400x150xf32>
    %squeeze3A_10 = vector.shape_cast %slice3A_9 : vector<1x400x150xf32> to vector<400x150xf32>
    %concatenate3A = tpu.concatenate %squeeze3A, %squeeze3A_10 in 1 : vector<400x150xf32>, vector<400x150xf32> -> vector<400x300xf32>
    %mul3A = vector.broadcast %get3A_1 : vector<400x1xf32> to vector<400x300xf32>
    %mul3A_11 = arith.mulf %concatenate3A, %mul3A : vector<400x300xf32>
    %get3A_12 = arith.constant 0 : index
    %get3A_13 = vector.load %arg4[%get3A_12] : memref<300xf32, #tpu.memory_space<vmem>>, vector<300xf32>
    %broadcast_in_dim3A = vector.shape_cast %get3A_13 : vector<300xf32> to vector<1x300xf32>
    %add3A = vector.broadcast %broadcast_in_dim3A : vector<1x300xf32> to vector<400x300xf32>
    %add3A_14 = arith.addf %mul3A_11, %add3A : vector<400x300xf32>
    %max3A = arith.constant 0.000000e+00 : f32
    %max3A_15 = vector.broadcast %max3A : f32 to vector<400x300xf32>
    %max3A_16 = arith.maximumf %add3A_14, %max3A_15 : vector<400x300xf32>
    %get3A_17 = arith.constant 0 : index
    %get3A_18 = arith.constant 0 : index
    %get3A_19 = arith.constant 0 : index
    %get3A_20 = vector.load %arg2[%get3A_17, %get3A_18, %get3A_19] : memref<2x400x160xf32, #tpu.memory_space<vmem>>, vector<2x400x160xf32>
    %slice3A_21 = vector.extract_strided_slice %get3A_20 {offsets = [0, 0, 0], sizes = [1, 400, 150], strides = [1, 1, 1]} : vector<2x400x160xf32> to vector<1x400x150xf32>
    %squeeze3A_22 = vector.shape_cast %slice3A_21 : vector<1x400x150xf32> to vector<400x150xf32>
    %slice3A_23 = vector.extract_strided_slice %get3A_20 {offsets = [1, 0, 0], sizes = [1, 400, 150], strides = [1, 1, 1]} : vector<2x400x160xf32> to vector<1x400x150xf32>
    %squeeze3A_24 = vector.shape_cast %slice3A_23 : vector<1x400x150xf32> to vector<400x150xf32>
    %concatenate3A_25 = tpu.concatenate %squeeze3A_22, %squeeze3A_24 in 1 : vector<400x150xf32>, vector<400x150xf32> -> vector<400x300xf32>
    %mul3A_26 = vector.broadcast %get3A_4 : vector<400x1xf32> to vector<400x300xf32>
    %mul3A_27 = arith.mulf %concatenate3A_25, %mul3A_26 : vector<400x300xf32>
    %get3A_28 = arith.constant 0 : index
    %get3A_29 = vector.load %arg5[%get3A_28] : memref<300xf32, #tpu.memory_space<vmem>>, vector<300xf32>
    %broadcast_in_dim3A_30 = vector.shape_cast %get3A_29 : vector<300xf32> to vector<1x300xf32>
    %add3A_31 = vector.broadcast %broadcast_in_dim3A_30 : vector<1x300xf32> to vector<400x300xf32>
    %add3A_32 = arith.addf %mul3A_27, %add3A_31 : vector<400x300xf32>
    %max3A_33 = arith.constant 0.000000e+00 : f32
    %max3A_34 = vector.broadcast %max3A_33 : f32 to vector<400x300xf32>
    %max3A_35 = arith.maximumf %add3A_32, %max3A_34 : vector<400x300xf32>
    %get3A_36 = arith.constant 0 : index
    %get3A_37 = arith.constant 0 : index
    %get3A_38 = vector.load %arg6[%get3A_36, %get3A_37] : memref<300x1xf32, #tpu.memory_space<vmem>>, vector<300x1xf32>
    %dot_general3A = arith.constant dense<0.000000e+00> : vector<400x1xf32>
    %dot_general3A_39 = tpu.matmul %max3A_16, %get3A_38, %dot_general3A {dimension_numbers = #tpu.dot_dimension_numbers<[1], [0], [0], [1], [0, 0, 1, 1], [], []>, transpose_lhs_hint = false} : vector<400x300xf32>, vector<300x1xf32>, vector<400x1xf32> -> vector<400x1xf32>
    %get3A_40 = arith.constant 0 : index
    %get3A_41 = vector.load %arg7[%get3A_40] : memref<1xf32, #tpu.memory_space<vmem>>, vector<1xf32>
    %broadcast_in_dim3A_42 = vector.shape_cast %get3A_41 : vector<1xf32> to vector<1x1xf32>
    %add3A_43 = vector.broadcast %broadcast_in_dim3A_42 : vector<1x1xf32> to vector<400x1xf32>
    %add3A_44 = arith.addf %dot_general3A_39, %add3A_43 : vector<400x1xf32>
    %logistic3A = arith.negf %add3A_44 : vector<400x1xf32>
    %logistic3A_45 = math.exp %logistic3A : vector<400x1xf32>
    %logistic3A_46 = arith.constant 1.000000e+00 : f32
    %logistic3A_47 = vector.broadcast %logistic3A_46 : f32 to vector<400x1xf32>
    %logistic3A_48 = arith.addf %logistic3A_47, %logistic3A_45 : vector<400x1xf32>
    %logistic3A_49 = arith.divf %logistic3A_47, %logistic3A_48 : vector<400x1xf32>
    %get3A_50 = arith.constant 0 : index
    %get3A_51 = arith.constant 0 : index
    %get3A_52 = vector.load %arg8[%get3A_50, %get3A_51] : memref<300x1xf32, #tpu.memory_space<vmem>>, vector<300x1xf32>
    %dot_general3A_53 = arith.constant dense<0.000000e+00> : vector<400x1xf32>
    %dot_general3A_54 = tpu.matmul %max3A_35, %get3A_52, %dot_general3A_53 {dimension_numbers = #tpu.dot_dimension_numbers<[1], [0], [0], [1], [0, 0, 1, 1], [], []>, transpose_lhs_hint = false} : vector<400x300xf32>, vector<300x1xf32>, vector<400x1xf32> -> vector<400x1xf32>
    %get3A_55 = arith.constant 0 : index
    %get3A_56 = vector.load %arg9[%get3A_55] : memref<1xf32, #tpu.memory_space<vmem>>, vector<1xf32>
    %broadcast_in_dim3A_57 = vector.shape_cast %get3A_56 : vector<1xf32> to vector<1x1xf32>
    %add3A_58 = vector.broadcast %broadcast_in_dim3A_57 : vector<1x1xf32> to vector<400x1xf32>
    %add3A_59 = arith.addf %dot_general3A_54, %add3A_58 : vector<400x1xf32>
    %logistic3A_60 = arith.negf %add3A_59 : vector<400x1xf32>
    %logistic3A_61 = math.exp %logistic3A_60 : vector<400x1xf32>
    %logistic3A_62 = arith.constant 1.000000e+00 : f32
    %logistic3A_63 = vector.broadcast %logistic3A_62 : f32 to vector<400x1xf32>
    %logistic3A_64 = arith.addf %logistic3A_63, %logistic3A_61 : vector<400x1xf32>
    %logistic3A_65 = arith.divf %logistic3A_63, %logistic3A_64 : vector<400x1xf32>
    %add3A_66 = arith.addf %logistic3A_49, %logistic3A_65 : vector<400x1xf32>
    %div3A = arith.divf %logistic3A_49, %add3A_66 : vector<400x1xf32>
    %mul3A_67 = vector.broadcast %div3A : vector<400x1xf32> to vector<400x300xf32>
    %mul3A_68 = arith.mulf %mul3A_67, %max3A_16 : vector<400x300xf32>
    %sub3A = arith.constant 1.000000e+00 : f32
    %sub3A_69 = vector.broadcast %sub3A : f32 to vector<400x1xf32>
    %sub3A_70 = arith.subf %sub3A_69, %div3A : vector<400x1xf32>
    %mul3A_71 = vector.broadcast %sub3A_70 : vector<400x1xf32> to vector<400x300xf32>
    %mul3A_72 = arith.mulf %mul3A_71, %max3A_35 : vector<400x300xf32>
    %add3A_73 = arith.addf %mul3A_68, %mul3A_72 : vector<400x300xf32>
    %swap3A = arith.constant 0 : index
    %swap3A_74 = arith.constant 0 : index
    %swap3A_75 = vector.load %arg10[%swap3A, %swap3A_74] : memref<400x300xf32, #tpu.memory_space<vmem>>, vector<400x300xf32>
    tpu.vector_store %arg10[%swap3A, %swap3A_74], %add3A_73 {strides = array<i32>} : memref<400x300xf32, #tpu.memory_space<vmem>>, vector<400x300xf32>,
    return
  }
  func.func @transform_0(%arg0: i32) -> (i32, i32, i32) {
    %c0_i32 = arith.constant 0 : i32
    %c0_i32_0 = arith.constant 0 : i32
    %c0_i32_1 = arith.constant 0 : i32
    return %c0_i32, %arg0, %c0_i32_0 : i32, i32, i32
  }
  func.func @transform_1(%arg0: i32) -> (i32, i32, i32) {
    %c0_i32 = arith.constant 0 : i32
    %c0_i32_0 = arith.constant 0 : i32
    %c0_i32_1 = arith.constant 0 : i32
    return %c0_i32, %arg0, %c0_i32_0 : i32, i32, i32
  }
  func.func @transform_2(%arg0: i32) -> (i32, i32) {
    %c0_i32 = arith.constant 0 : i32
    %c0_i32_0 = arith.constant 0 : i32
    return %arg0, %c0_i32 : i32, i32
  }
  func.func @transform_3(%arg0: i32) -> i32 {
    %c0_i32 = arith.constant 0 : i32
    %c0_i32_0 = arith.constant 0 : i32
    return %c0_i32 : i32
  }
  func.func @transform_4(%arg0: i32) -> i32 {
    %c0_i32 = arith.constant 0 : i32
    %c0_i32_0 = arith.constant 0 : i32
    return %c0_i32 : i32
  }
  func.func @transform_5(%arg0: i32) -> (i32, i32) {
    %c0_i32 = arith.constant 0 : i32
    %c0_i32_0 = arith.constant 0 : i32
    %c0_i32_1 = arith.constant 0 : i32
    return %c0_i32, %c0_i32_0 : i32, i32
  }
  func.func @transform_6(%arg0: i32) -> i32 {
    %c0_i32 = arith.constant 0 : i32
    %c0_i32_0 = arith.constant 0 : i32
    return %c0_i32 : i32
  }
  func.func @transform_7(%arg0: i32) -> (i32, i32) {
    %c0_i32 = arith.constant 0 : i32
    %c0_i32_0 = arith.constant 0 : i32
    %c0_i32_1 = arith.constant 0 : i32
    return %c0_i32, %c0_i32_0 : i32, i32
  }
  func.func @transform_8(%arg0: i32) -> i32 {
    %c0_i32 = arith.constant 0 : i32
    %c0_i32_0 = arith.constant 0 : i32
    return %c0_i32 : i32
  }
  func.func @transform_9(%arg0: i32) -> (i32, i32) {
    %c0_i32 = arith.constant 0 : i32
    %c0_i32_0 = arith.constant 0 : i32
    return %arg0, %c0_i32 : i32, i32
  }
}

</mosaic_0001>

<sc_bundles>
// kernel: kernel.12.cloned.1.call-start
scs
__scs_entry_jumppad:
0x0: {  	(pc) =	sbr.rel $0x88, $3  }
0x1: {  	(tag) =	ssettag $0x0;
	lr =	simm.s32 $0x1  }
0x2: {  	[smem:$0x3F86] =	sst lr;
	_ =	strace $0xD0000000  }
0x3: {  	_ = 	snop  }
0x4: {  	_ = 	snop  }
0x5: {  	_ = 	snop  }
0x6: {  	_ = 	snop  }
0x7: {  	_ = 	snop  }
__scs_overlays_trampoline_lowered:
0x8: {  	[smem:$0x3F95] =	sst s0  }
0x9: {  	[smem:$0x3F96] =	sst s1  }
0xa: {  	[smem:$0x3F97] =	sst s2  }
0xb: {  	[smem:$0x3F98] =	sst s3  }
0xc: {  	[smem:$0x3F99] =	sst s4  }
0xd: {  	[smem:$0x3F9A] =	sst s5  }
0xe: {  	[smem:$0x3F9B] =	sst s6  }
0xf: {  	[smem:$0x3F9C] =	sst s7  }
0x10: {  	[smem:$0x3F9D] =	sst s8  }
0x11: {  	[smem:$0x3F9E] =	sst s9;
	s0 =	simm.s32 @!p0 $0x0  }
0x12: {  	s1 =	sld [smem:$0x3F84];
	s0 =	simm.s32 @p0 $0x1  }
0x13: {  	[smem:$0x3F9F] =	sst s0;
	s0 =	simm.s32 @!p1 $0x0  }
0x14: {  	s2 =	sld [smem:$0x3F83];
	s0 =	simm.s32 @p1 $0x1  }
0x15: {  	[smem:$0x3FA0] =	sst s0;
	s0 =	simm.s32 @!p2 $0x0  }
0x16: {  	s3 =	sld [smem:$0x3FDB];
	s0 =	simm.s32 @p2 $0x1  }
0x17: {  	s4 =	simm.s32 $0x1BF5;
	[smem:$0x3FA2] =	sst s0  }
0x18: {  	s0 =	sld [smem:$0x3F85];
	_ =	swait.ge [sflag:s4], $0x0  }
0x19: {  	s7 =	sld [smem:$0x3F86]  }
0x1a: {  	s8 =	sadd.s32 $0xFFFFE003, lr  }
0x1b: {  	s9 =	sadd.s32 $0xFFFFFEF7, lr;
	s5 =	simm.s32 $0xFFFFFFFF;
	p2 =	slt.u32 s8, $0xFFFFF086  }
0x1c: {  	p1 =	slt.u32 s9, $0xF7A;
	s5 =	simm.s32 @!p2 $0x0  }
0x1d: {  	s5 =	simm.s32 @p1 $0x1;
	p0 =	seq.s32 s7, s2  }
0x1e: {  	s7 =	smul.u32 @!p0 $0xF7A, s2;
	p2 =	seq.s32 @!p0 s5, $0x0  }
0x1f: {  	s9 =	smul.u32 $0xF7A, s1;
	s8 =	simm.s32 @!p0 $0x1BF5;
	p2 =	por !p2, p0  }
0x20: {  	[sflag:s8] =	ssyncset.s32 @!p0 $0xFFFFF086;
	s6 =	sadd.s32 @!p0 s3, s7;
	s7 =	simm.s32 @!p0 $0x108  }
0x21: {  	s3 =	sadd.s32 s3, s9;
	s6 =	sadd.s32 @!p0 $0x88, s6;
	s7 =	simm.s32 @p2 $0x1082  }
0x22: {  	[simem:s7], [sflag:s8] =	dma.local @!p0 [hbm:s6], $0xF7A  }
0x23: {  	s9 =	sor.u32 $0xD0000000, s2;
	s6 =	simm.s32 $0x108;
	_ =	swait.ge @!p0 [sflag:s8], $0x0  }
0x24: {  	s3 =	sadd.s32 $0x88, s3;
	s6 =	simm.s32 @!p1 $0x1082;
	[sflag:s4] =	ssyncset.s32 $0xFFFFF086  }
0x25: {  	[simem:s6], [sflag:s4] =	dma.local [hbm:s3], $0xF7A  }
0x26: {  	[smem:$0x3F86] =	sst s1;
	(tag) =	ssettag s2;
	_ =	strace s9  }
0x27: {  	s1 =	sld [smem:$0x3F96]  }
0x28: {  	s2 =	sld [smem:$0x3F97]  }
0x29: {  	s4 =	sld [smem:$0x3F99]  }
0x2a: {  	p0 =	seq.s32 s5, $0x0;
	s5 =	sld [smem:$0x3F9A]  }
0x2b: {  	s6 =	sld [smem:$0x3F9B]  }
0x2c: {  	s7 =	sld [smem:$0x3F9C]  }
0x2d: {  	s3 =	simm.s32 $0x108;
	s8 =	sld [smem:$0x3F9D]  }
0x2e: {  	s3 =	simm.s32 @!p0 $0x1082;
	s9 =	sld [smem:$0x3F9E]  }
0x2f: {  	lr =	sadd.s32 s0, s3;
	s0 =	sld [smem:$0x3F95]  }
0x30: {  	s3 =	sld [smem:$0x3F98]  }
0x31: {  	[smem:$0x3FA1] =	sst s10  }
0x32: {  	s10 =	sld [smem:$0x3F9F];
	_ =	sdelay $0x3  }
0x33: {  	p0 =	seq.s32 s10, $0x1;
	s10 =	sld [smem:$0x3FA1];
	_ =	sdelay $0x3  }
0x34: {  	[smem:$0x3FA1] =	sst s10  }
0x35: {  	s10 =	sld [smem:$0x3FA0];
	_ =	sdelay $0x3  }
0x36: {  	p1 =	seq.s32 s10, $0x1;
	s10 =	sld [smem:$0x3FA1];
	_ =	sdelay $0x3  }
0x37: {  	[smem:$0x3FA1] =	sst s10  }
0x38: {  	s10 =	sld [smem:$0x3FA2]  }
0x39: {  	_ = 	snop;
	(pc) =	sbr.ind lr, $3  }
0x3a: {  	_ = 	snop  }
0x3b: {  	_ = 	snop  }
0x3c: {  	p2 =	seq.s32 s10, $0x1;
	s10 =	sld [smem:$0x3FA1]  }
0x3d: {  	_ =	shalt  }
0x3e: {  	_ =	shalt  }
0x3f: {  	_ =	shalt  }
0x40: {  	_ =	shalt  }
0x41: {  	_ =	shalt  }
0x42: {  	_ =	shalt  }
0x43: {  	_ =	shalt  }
0x44: {  	_ =	shalt  }
0x45: {  	_ =	shalt  }
0x46: {  	_ =	shalt  }
0x47: {  	_ =	shalt  }
0x48: {  	_ =	shalt  }
0x49: {  	_ =	shalt  }
0x4a: {  	_ =	shalt  }
0x4b: {  	_ =	shalt  }
0x4c: {  	_ =	shalt  }
0x4d: {  	_ =	shalt  }
0x4e: {  	_ =	shalt  }
0x4f: {  	_ =	shalt  }
0x50: {  	_ =	shalt  }
0x51: {  	_ =	shalt  }
0x52: {  	_ =	shalt  }
0x53: {  	_ =	shalt  }
0x54: {  	_ =	shalt  }
0x55: {  	_ =	shalt  }
0x56: {  	_ =	shalt  }
0x57: {  	_ =	shalt  }
0x58: {  	_ =	shalt  }
0x59: {  	_ =	shalt  }
0x5a: {  	_ =	shalt  }
0x5b: {  	_ =	shalt  }
0x5c: {  	_ =	shalt  }
0x5d: {  	_ =	shalt  }
0x5e: {  	_ =	shalt  }
0x5f: {  	_ =	shalt  }
0x60: {  	_ =	shalt  }
0x61: {  	_ =	shalt  }
0x62: {  	_ =	shalt  }
0x63: {  	_ =	shalt  }
0x64: {  	_ =	shalt  }
0x65: {  	_ =	shalt  }
0x66: {  	_ =	shalt  }
0x67: {  	_ =	shalt  }
0x68: {  	_ =	shalt  }
0x69: {  	_ =	shalt  }
0x6a: {  	_ =	shalt  }
0x6b: {  	_ =	shalt  }
0x6c: {  	_ =	shalt  }
0x6d: {  	_ =	shalt  }
0x6e: {  	_ =	shalt  }
0x6f: {  	_ =	shalt  }
0x70: {  	_ =	shalt  }
0x71: {  	_ =	shalt  }
0x72: {  	_ =	shalt  }
0x73: {  	_ =	shalt  }
0x74: {  	_ =	shalt  }
0x75: {  	_ =	shalt  }
0x76: {  	_ =	shalt  }
0x77: {  	_ =	shalt  }
0x78: {  	_ =	shalt  }
0x79: {  	_ =	shalt  }
0x7a: {  	_ =	shalt  }
0x7b: {  	_ =	shalt  }
0x7c: {  	_ =	shalt  }
0x7d: {  	_ =	shalt  }
0x7e: {  	_ =	shalt  }
0x7f: {  	_ =	shalt  }
0x80: {  	_ =	shalt  }
0x81: {  	_ =	shalt  }
0x82: {  	_ =	shalt  }
0x83: {  	_ =	shalt  }
0x84: {  	_ =	shalt  }
0x85: {  	_ =	shalt  }
0x86: {  	_ =	shalt  }
0x87: {  	_ =	shalt  }
.Lfunc_end0:
.L_simem_size_0:
called_computation.1_lowered:
.L_overlay_start_0:
0x88: {  	s2 =	sld [smem:$0x3FD9]  }
0x89: {  	s3 =	sld [smem:$0x3FFE];
	_ =	sdelay $0x1  }
0x8a: {  	s1 =	srdreg.scid  }
0x8b: {  	s0 =	sand.u32 $0x1, s1  }
0x8c: {  	s17 =	sshll.u32 s0, $0xA;
	s2 =	sadd.s32 s3, s2  }
0x8d: {  	s2 =	sadd.s32 s2, s17  }
0x8e: {  	[smem:$0x3FAD] =	sst s2  }
0x8f: {  	_ = 	snop  }
0x90: {  	s2 =	sld [smem:$0x3FD0];
	(tm) =	ssettm $0x1  }
0x91: {  	s18 =	sld [smem:$0x3FFB];
	_ =	sdelay $0x3  }
0x92: {  	_ =	strace s18  }
0x93: {  	s3 =	sld [smem:$0x3FFC];
	_ =	sdelay $0x3  }
0x94: {  	_ =	strace s3  }
0x95: {  	s3 =	sld [smem:$0x3FFD];
	_ =	sdelay $0x3  }
0x96: {  	_ =	strace s3  }
0x97: {  	_ =	strace $0x8FFFFFFF  }
0x98: {  	s19 =	sld [smem:$0x3FDB];
	_ =	sdelay $0x1  }
0x99: {  	s4 =	simm.s32 $_scs_section_size  }
0x9a: {  	s5 =	simm.s32 $_size__tile_overlayer_lowered;
	s6 =	simm.s32 $_tile_overlayer_lowered  }
0x9b: {  	s22 =	simm.s32 $0x1BFF;
	s21 =	sshll.u32 s6, $0x1;
	s3 =	sadd.s32 s4, s19  }
0x9c: {  	s7 =	simm.s32 $0x0;
	s20 =	sshll.u32 s5, $0x1;
	s5 =	sadd.s32 s21, s3  }
0x9d: {  	[timem:s7], [sflag:s22] =	dma.local [hbm:s5], s20  }
0x9e: {  	_ =	swait.ge [sflag:s22], s20  }
0x9f: {  	s4 =	ssub.s32 $0x0, s20;
	[sflag:s22] =	ssyncset.done $0x0  }
0xa0: {  	[sflag:s22] =	ssyncadd.s32 s4;
	_ =	sdelay $0x1  }
0xa1: {  	s23 =	simm.s32 $0x1B8B  }
0xa2: {  	_ =	swait.ge [sflag:s23], $0x1  }
0xa3: {  	[sflag:s23] =	ssyncset.done $0x0  }
0xa4: {  	s25 =	simm.s32 $0x1B8E;
	s24 =	sld [smem:$0x3FFE];
	[sflag:s23] =	ssyncadd.s32 $0xFFFFFFFF  }
0xa5: {  	s26 =	simm.s32 $execute0_lowered;
	[smem:$0x3FD2] =	sst s25  }
0xa6: {  	s5 =	sshll.u32 s26, $0x1;
	_ =	strace $0x80000049;
	[dreg:$0x1] =	wrdreg $0xFFFFFFFF  }
0xa7: {  	s28 =	simm.s32 $_size_execute0_lowered;
	s3 =	sadd.s32 s3, s5;
	[dreg:$0x0] =	wrdreg $0x0  }
0xa8: {  	s5 =	sshll.u32 s28, $0x1;
	[dreg:$0x2] =	wrdreg s3  }
0xa9: {  	[dreg:$0x3] =	wrdreg s5  }
0xaa: {  	[dreg:$0x4] =	wrdreg $0xC0  }
0xab: {  	_ =	task [dreg:s7], $0x5FFFF  }
0xac: {  	[dreg:$0x1] =	wrdreg $0xFFFFFFFF  }
0xad: {  	[dreg:$0x0] =	wrdreg $0x60  }
0xae: {  	[dreg:$0x2] =	wrdreg s24  }
0xaf: {  	[dreg:$0x3] =	wrdreg s2  }
0xb0: {  	[dreg:$0x4] =	wrdreg $0x0  }
0xb1: {  	[dreg:$0x5] =	wrdreg $0x9  }
0xb2: {  	_ =	task.clear_ibuf [dreg:s7], $0x6FFFF;
	_ =	strace $0x90000049  }
0xb3: {  	s29 =	simm.s32 $0x9;
	_ =	strace $0x8000004B  }
0xb4: {  	_ =	swait.ge [sflag:s29], $0x1  }
0xb5: {  	[sflag:s29] =	ssyncadd.s32 $0xFFFFFFFF  }
0xb6: {  	_ =	strace $0x9000004B  }
0xb7: {  	_ =	sfence  }
0xb8: {  	s30 =	sld [smem:$0x0];
	_ =	sdelay $0x2  }
0xb9: {  	s31 =	sshll.u32 s1, $0xD;
	s1 =	sshrl.u32 s1, $0x2  }
0xba: {  	s3 =	sand.u32 $0x4000, s31;
	s1 =	sadd.s32 s1, s30  }
0xbb: {  	s0 =	sor.u32 s3, s0;
	s1 =	sshll.u32 s1, $0x11  }
0xbc: {  	s0 =	sor.u32 s1, s0  }
0xbd: {  	s0 =	sadd.s32 $0x8F2B, s0  }
0xbe: {  	[sflag:s0] =	ssyncadd.remote.s32 $0x1  }
0xbf: {  	_ =	sfence.sel $0xFFFF  }
0xc0: {  	[dreg:$0x0] =	wrdreg $0xFFFFFFFF;
	(pc) =	sbr.abs _section_cstart, $3  }
0xc1: {  	[dreg:$0x1] =	wrdreg $0xFFFFFFFF  }
0xc2: {  	_ =	task.clear_ibuf [dreg:s7], $0x2FFFF;
	_ =	strace $0x9FFFFFFF  }
0xc3: {  	(tm) =	ssettm $0x7FFFFFFF  }
tec
execute0_lowered:
.L_overlay_start_1:
0x0: {  	(tag) =	ssettag $0x1  }
0x1: {  	s5 =	rddreg [dreg:$0x0]  }
0x2: {  	s1 =	rddreg [dreg:$0x1]  }
0x3: {  	s2 =	rddreg [dreg:$0x2];
	s3 =	srdreg.scid  }
0x4: {  	s0 =	rddreg [dreg:$0x3];
	s4 =	simm.s32 $0x0;
	s16 =	simm.s32 $0x197D0  }
0x5: {  	s17 =	simm.s32 $0x50;
	s18 =	simm.s32 $0x19FF0;
	s6 =	sand.u32 $0x1, s3  }
0x6: {  	s19 =	simm.s32 $0x1;
	s3 =	stileid.u32;
	s7 =	smul.u32 $0x30D40, s6  }
0x7: {  	s20 =	simm.s32 $0x19FA0;
	[smem:$0x7FF] =	sst s4;
	s8 =	smul.u32 $0x4E2, s3  }
0x8: {  	_ =	strace $0x8000004A;
	s9 =	smul.u32 $0x32000, s6;
	s6 =	ssub.s32 $0x2, s6  }
0x9: {  	s10 =	smul.u32 $0x19000, s3;
	s31 =	sshll.u32 s3, $0x6;
	s30 =	sshrl.u32 s6, $0x1  }
0xa: {  	s11 =	sadd.s32 s7, s5;
	s12 =	sadd.s32 s8, s5;
	s13 =	sadd.s32 s9, s5  }
0xb: {  	s14 =	ssub.s32 s6, s30;
	s15 =	sadd.s32 s10, s2;
	s5 =	sor.u32 $0x1C02, s31  }
0xc: {  	s22 =	sshrl.u32 s10, $0x3;
	s6 =	sadd.s32 $0x27C00, s12;
	s7 =	sadd.s32 $0x22C00, s12  }
0xd: {  	s8 =	sadd.s32 $0x2CC00, s11;
	s21 =	sadd.s32 $0xF2800, s13;
	s9 =	sadd.s32 $0x1DC00, s12  }
0xe: {  	s10 =	sadd.s32 $0x18C00, s12;
	s11 =	sadd.s32 $0x165400, s11;
	s23 =	sadd.s32 $0x8E800, s13  }
0xf: {  	s12 =	smax.u32 s14, $0x1;
	s13 =	sshrl.u32 s15, $0x3;
	s14 =	simm.s32 $0x2  }
0x10: {  	s15 =	simm.s32 $0x19000;
	s21 =	sadd.s32 s22, s21;
	s22 =	sadd.s32 s22, s23  }
.LBB2_1:
0x11: {  	[spmem:s13], [sflag:s5] =	dma.local [hbm:s1], $0x3200  }
0x12: {  	_ =	swait.ge [sflag:s14], $0x3200  }
0x13: {  	[sflag:s14] =	ssyncset.done $0x0  }
0x14: {  	[sflag:s14] =	ssyncadd.s32 $0xFFFFCE00  }
0x15: {  	s23 =	simm.s32 $0x0;
	[bflag:$0x0] =	sbarrier.arrive $0xFFFF  }
.LBB2_2:
0x16: {  	s24 =	smul.u32 $0xFA, s23;
	_ =	sdelay $0x1  }
0x17: {  	s26 =	simm.s32 $0x0;
	s25 =	sadd.s32 s24, s6  }
0x18: {  	[tilespmem:s15], [sflag:$0x2] =	stream.linear.gather [hbm4b:s25+s26], $0x7D0, $0x38;
	[tilespmem:$0x1D1F0] =	vst v63  }
0x19: {  	_ =	swait.ge [sflag:s14], $0x7D0  }
0x1a: {  	[sflag:s14] =	ssyncset.done $0x0  }
0x1b: {  	s24 =	sadd.s32 s24, s7;
	[sflag:s14] =	ssyncadd.s32 $0xFFFFF830  }
0x1c: {  	[tilespmem:s16], [sflag:$0x2] =	stream.linear.gather [hbm4b:s24+s26], $0x7D0, $0x38;
	[tilespmem:$0x1D1F0] =	vst v63  }
0x1d: {  	_ =	swait.ge [sflag:s14], $0x7D0  }
0x1e: {  	[sflag:s14] =	ssyncset.done $0x0  }
0x1f: {  	s30 =	simm.s32 $0x0;
	[sflag:s14] =	ssyncadd.s32 $0xFFFFF830  }
0x20: {  	v0 =	vld [tilespmem:s30+$0x197D0];
	_ =	sdelay $0x4  }
0x21: {  	[tilespmem:$0x19FA0] =	vst v0  }
0x22: {  	v0 =	vld [tilespmem:s30+$0x197E0];
	_ =	sdelay $0x4  }
0x23: {  	[tilespmem:$0x19FB0] =	vst v0  }
0x24: {  	v0 =	vld [tilespmem:s30+$0x197F0];
	_ =	sdelay $0x4  }
0x25: {  	[tilespmem:$0x19FC0] =	vst v0  }
0x26: {  	v0 =	vld [tilespmem:s30+$0x19800];
	_ =	sdelay $0x4  }
0x27: {  	[tilespmem:$0x19FD0] =	vst v0  }
0x28: {  	v0 =	vld [tilespmem:s30+$0x19810];
	_ =	sdelay $0x4  }
0x29: {  	s31 =	simm.s32 $0x19000;
	[tilespmem:$0x19FE0] =	vst v0  }
0x2a: {  	[tilespmem:s18], [sflag:$0x1] =	stream.indirect.gather [hbm4b:s8+s17], $0xA0, s31, s17, $0xb8;
	[tilespmem:$0x1D1F0] =	vst v63  }
0x2b: {  	_ =	swait.ge [sflag:s19], $0x3200  }
0x2c: {  	[sflag:s19] =	ssyncset.done $0x0  }
0x2d: {  	[sflag:s19] =	ssyncadd.s32 $0xFFFFCE00  }
0x2e: {  	[spmem:s2] =	stream.indirect.scatter.add.f32 [tilespmem:s18], [sflag:$0x2], $0xA0, s20, s17, $0xb8;
	[tilespmem:$0x1D1F0] =	vst v63  }
0x2f: {  	_ =	swait.ge [sflag:s14], $0x3200  }
0x30: {  	s25 =	simm.s32 $0x280;
	s24 =	simm.s32 $0x140;
	[sflag:s14] =	ssyncset.done $0x0  }
.LBB2_3:
0x31: {  	s26 =	sshra.s32 s24, $0x2  }
0x32: {  	[sflag:s14] =	ssyncadd.s32 $0xFFFFCE00;
	s24 =	smov.u32 s25;
	s28 =	sadd.s32 $0x140, s25  }
0x33: {  	p0 =	sne.s32 s25, $0x1E00;
	v0 =	vld [tilespmem:s26+$0x197D0];
	_ =	sdelay $0x4  }
0x34: {  	[tilespmem:$0x19FA0] =	vst v0  }
0x35: {  	v0 =	vld [tilespmem:s26+$0x197E0];
	_ =	sdelay $0x4  }
0x36: {  	[tilespmem:$0x19FB0] =	vst v0  }
0x37: {  	v0 =	vld [tilespmem:s26+$0x197F0];
	_ =	sdelay $0x4  }
0x38: {  	[tilespmem:$0x19FC0] =	vst v0  }
0x39: {  	v0 =	vld [tilespmem:s26+$0x19800];
	_ =	sdelay $0x4  }
0x3a: {  	[tilespmem:$0x19FD0] =	vst v0  }
0x3b: {  	v0 =	vld [tilespmem:s26+$0x19810];
	_ =	sdelay $0x4  }
0x3c: {  	s25 =	sadd.s32 $0x19000, s26;
	[tilespmem:$0x19FE0] =	vst v0  }
0x3d: {  	[tilespmem:s18], [sflag:$0x1] =	stream.indirect.gather [hbm4b:s8+s17], $0xA0, s25, s17, $0xb8;
	[tilespmem:$0x1D1F0] =	vst v63  }
0x3e: {  	_ =	swait.ge [sflag:s19], $0x3200  }
.Ltmp0:
0x3f: {  	[sflag:s19] =	ssyncset.done $0x0;
	(pc) =	sbr.rel @p0 .LBB2_3-.Ltmp0, $4  }
0x40: {  	[sflag:s19] =	ssyncadd.s32 $0xFFFFCE00  }
0x41: {  	[spmem:s2] =	stream.indirect.scatter.add.f32 [tilespmem:s18], [sflag:$0x2], $0xA0, s20, s17, $0xb8;
	[tilespmem:$0x1D1F0] =	vst v63  }
0x42: {  	_ =	swait.ge [sflag:s14], $0x3200  }
0x43: {  	s25 =	smov.u32 s28;
	[sflag:s14] =	ssyncset.done $0x0  }
0x44: {  	s24 =	sshra.s32 s24, $0x2;
	[sflag:s14] =	ssyncadd.s32 $0xFFFFCE00  }
0x45: {  	v0 =	vld [tilespmem:s24+$0x197D0];
	_ =	sdelay $0x4  }
0x46: {  	[tilespmem:$0x19FA0] =	vst v0  }
0x47: {  	v0 =	vld [tilespmem:s24+$0x197E0];
	_ =	sdelay $0x4  }
0x48: {  	[tilespmem:$0x19FB0] =	vst v0  }
0x49: {  	v0 =	vld [tilespmem:s24+$0x197F0];
	_ =	sdelay $0x4  }
0x4a: {  	[tilespmem:$0x19FC0] =	vst v0  }
0x4b: {  	v0 =	vld [tilespmem:s24+$0x19800];
	_ =	sdelay $0x4  }
0x4c: {  	[tilespmem:$0x19FD0] =	vst v0  }
0x4d: {  	v0 =	vld [tilespmem:s24+$0x19810];
	_ =	sdelay $0x4  }
0x4e: {  	s24 =	sadd.s32 $0x19000, s24;
	[tilespmem:$0x19FE0] =	vst v0  }
0x4f: {  	[tilespmem:s18], [sflag:$0x1] =	stream.indirect.gather [hbm4b:s8+s17], $0xA0, s24, s17, $0xb8;
	[tilespmem:$0x1D1F0] =	vst v63  }
0x50: {  	s23 =	sadd.s32 $0x1, s23;
	_ =	swait.ge [sflag:s19], $0x3200  }
0x51: {  	p0 =	sne.s32 s23, $0x5;
	[sflag:s19] =	ssyncset.done $0x0  }
.Ltmp1:
0x52: {  	[sflag:s19] =	ssyncadd.s32 $0xFFFFCE00;
	(pc) =	sbr.rel @p0 .LBB2_2-.Ltmp1, $4  }
0x53: {  	[spmem:s2] =	stream.indirect.scatter.add.f32 [tilespmem:s18], [sflag:$0x2], $0xA0, s20, s17, $0xb8;
	[tilespmem:$0x1D1F0] =	vst v63  }
0x54: {  	_ =	swait.ge [sflag:s14], $0x3200  }
0x55: {  	[sflag:s14] =	ssyncset.done $0x0  }
0x56: {  	[sflag:s14] =	ssyncadd.s32 $0xFFFFCE00  }
0x57: {  	[bflag:$0x0] =	sbarrier.arrive $0xFFFF  }
0x58: {  	[hbm:s21], [sflag:s5] =	dma.local [spmem:s13], $0x3200  }
0x59: {  	_ =	swait.ge [sflag:s14], $0x3200  }
0x5a: {  	[sflag:s14] =	ssyncset.done $0x0  }
0x5b: {  	[sflag:s14] =	ssyncadd.s32 $0xFFFFCE00  }
0x5c: {  	[bflag:$0x0] =	sbarrier.arrive $0xFFFF  }
0x5d: {  	[spmem:s13], [sflag:s5] =	dma.local [hbm:s1], $0x3200  }
0x5e: {  	_ =	swait.ge [sflag:s14], $0x3200  }
0x5f: {  	[sflag:s14] =	ssyncset.done $0x0  }
0x60: {  	[sflag:s14] =	ssyncadd.s32 $0xFFFFCE00  }
0x61: {  	s23 =	simm.s32 $0x0;
	s24 =	simm.s32 $0x0;
	[bflag:$0x0] =	sbarrier.arrive $0xFFFF  }
.LBB2_6:
0x62: {  	s25 =	smul.u32 $0xFA, s24;
	_ =	sdelay $0x1  }
0x63: {  	s26 =	sadd.s32 s25, s9  }
0x64: {  	[tilespmem:s15], [sflag:$0x2] =	stream.linear.gather [hbm4b:s26+s23], $0x7D0, $0x38;
	[tilespmem:$0x1D1F0] =	vst v63  }
0x65: {  	_ =	swait.ge [sflag:s14], $0x7D0  }
0x66: {  	[sflag:s14] =	ssyncset.done $0x0  }
0x67: {  	s25 =	sadd.s32 s25, s10;
	[sflag:s14] =	ssyncadd.s32 $0xFFFFF830  }
0x68: {  	[tilespmem:s16], [sflag:$0x2] =	stream.linear.gather [hbm4b:s25+s23], $0x7D0, $0x38;
	[tilespmem:$0x1D1F0] =	vst v63  }
0x69: {  	_ =	swait.ge [sflag:s14], $0x7D0  }
0x6a: {  	[sflag:s14] =	ssyncset.done $0x0  }
0x6b: {  	s30 =	simm.s32 $0x0;
	[sflag:s14] =	ssyncadd.s32 $0xFFFFF830  }
0x6c: {  	v0 =	vld [tilespmem:s30+$0x197D0];
	_ =	sdelay $0x4  }
0x6d: {  	[tilespmem:$0x19FA0] =	vst v0  }
0x6e: {  	v0 =	vld [tilespmem:s30+$0x197E0];
	_ =	sdelay $0x4  }
0x6f: {  	[tilespmem:$0x19FB0] =	vst v0  }
0x70: {  	v0 =	vld [tilespmem:s30+$0x197F0];
	_ =	sdelay $0x4  }
0x71: {  	[tilespmem:$0x19FC0] =	vst v0  }
0x72: {  	v0 =	vld [tilespmem:s30+$0x19800];
	_ =	sdelay $0x4  }
0x73: {  	[tilespmem:$0x19FD0] =	vst v0  }
0x74: {  	v0 =	vld [tilespmem:s30+$0x19810];
	_ =	sdelay $0x4  }
0x75: {  	s31 =	simm.s32 $0x19000;
	[tilespmem:$0x19FE0] =	vst v0  }
0x76: {  	[tilespmem:s18], [sflag:$0x1] =	stream.indirect.gather [hbm4b:s11+s17], $0xA0, s31, s17, $0xb8;
	[tilespmem:$0x1D1F0] =	vst v63  }
0x77: {  	_ =	swait.ge [sflag:s19], $0x3200  }
0x78: {  	[sflag:s19] =	ssyncset.done $0x0  }
0x79: {  	[sflag:s19] =	ssyncadd.s32 $0xFFFFCE00  }
0x7a: {  	[spmem:s2] =	stream.indirect.scatter.add.f32 [tilespmem:s18], [sflag:$0x2], $0xA0, s20, s17, $0xb8;
	[tilespmem:$0x1D1F0] =	vst v63  }
0x7b: {  	_ =	swait.ge [sflag:s14], $0x3200  }
0x7c: {  	s26 =	simm.s32 $0x280;
	s25 =	simm.s32 $0x140;
	[sflag:s14] =	ssyncset.done $0x0  }
.LBB2_7:
0x7d: {  	s28 =	sshra.s32 s25, $0x2  }
0x7e: {  	[sflag:s14] =	ssyncadd.s32 $0xFFFFCE00;
	s25 =	smov.u32 s26;
	s29 =	sadd.s32 $0x140, s26  }
0x7f: {  	p0 =	sne.s32 s26, $0x1E00;
	v0 =	vld [tilespmem:s28+$0x197D0];
	_ =	sdelay $0x4  }
0x80: {  	[tilespmem:$0x19FA0] =	vst v0  }
0x81: {  	v0 =	vld [tilespmem:s28+$0x197E0];
	_ =	sdelay $0x4  }
0x82: {  	[tilespmem:$0x19FB0] =	vst v0  }
0x83: {  	v0 =	vld [tilespmem:s28+$0x197F0];
	_ =	sdelay $0x4  }
0x84: {  	[tilespmem:$0x19FC0] =	vst v0  }
0x85: {  	v0 =	vld [tilespmem:s28+$0x19800];
	_ =	sdelay $0x4  }
0x86: {  	[tilespmem:$0x19FD0] =	vst v0  }
0x87: {  	v0 =	vld [tilespmem:s28+$0x19810];
	_ =	sdelay $0x4  }
0x88: {  	s26 =	sadd.s32 $0x19000, s28;
	[tilespmem:$0x19FE0] =	vst v0  }
0x89: {  	[tilespmem:s18], [sflag:$0x1] =	stream.indirect.gather [hbm4b:s11+s17], $0xA0, s26, s17, $0xb8;
	[tilespmem:$0x1D1F0] =	vst v63  }
0x8a: {  	_ =	swait.ge [sflag:s19], $0x3200  }
.Ltmp2:
0x8b: {  	[sflag:s19] =	ssyncset.done $0x0;
	(pc) =	sbr.rel @p0 .LBB2_7-.Ltmp2, $4  }
0x8c: {  	[sflag:s19] =	ssyncadd.s32 $0xFFFFCE00  }
0x8d: {  	[spmem:s2] =	stream.indirect.scatter.add.f32 [tilespmem:s18], [sflag:$0x2], $0xA0, s20, s17, $0xb8;
	[tilespmem:$0x1D1F0] =	vst v63  }
0x8e: {  	_ =	swait.ge [sflag:s14], $0x3200  }
0x8f: {  	s26 =	smov.u32 s29;
	[sflag:s14] =	ssyncset.done $0x0  }
0x90: {  	s25 =	sshra.s32 s25, $0x2;
	[sflag:s14] =	ssyncadd.s32 $0xFFFFCE00  }
0x91: {  	v0 =	vld [tilespmem:s25+$0x197D0];
	_ =	sdelay $0x4  }
0x92: {  	[tilespmem:$0x19FA0] =	vst v0  }
0x93: {  	v0 =	vld [tilespmem:s25+$0x197E0];
	_ =	sdelay $0x4  }
0x94: {  	[tilespmem:$0x19FB0] =	vst v0  }
0x95: {  	v0 =	vld [tilespmem:s25+$0x197F0];
	_ =	sdelay $0x4  }
0x96: {  	[tilespmem:$0x19FC0] =	vst v0  }
0x97: {  	v0 =	vld [tilespmem:s25+$0x19800];
	_ =	sdelay $0x4  }
0x98: {  	[tilespmem:$0x19FD0] =	vst v0  }
0x99: {  	v0 =	vld [tilespmem:s25+$0x19810];
	_ =	sdelay $0x4  }
0x9a: {  	s25 =	sadd.s32 $0x19000, s25;
	[tilespmem:$0x19FE0] =	vst v0  }
0x9b: {  	[tilespmem:s18], [sflag:$0x1] =	stream.indirect.gather [hbm4b:s11+s17], $0xA0, s25, s17, $0xb8;
	[tilespmem:$0x1D1F0] =	vst v63  }
0x9c: {  	s24 =	sadd.s32 $0x1, s24;
	_ =	swait.ge [sflag:s19], $0x3200  }
0x9d: {  	p0 =	sne.s32 s24, $0x5;
	[sflag:s19] =	ssyncset.done $0x0  }
.Ltmp3:
0x9e: {  	[sflag:s19] =	ssyncadd.s32 $0xFFFFCE00;
	(pc) =	sbr.rel @p0 .LBB2_6-.Ltmp3, $4  }
0x9f: {  	[spmem:s2] =	stream.indirect.scatter.add.f32 [tilespmem:s18], [sflag:$0x2], $0xA0, s20, s17, $0xb8;
	[tilespmem:$0x1D1F0] =	vst v63  }
0xa0: {  	_ =	swait.ge [sflag:s14], $0x3200  }
0xa1: {  	[sflag:s14] =	ssyncset.done $0x0  }
0xa2: {  	[sflag:s14] =	ssyncadd.s32 $0xFFFFCE00  }
0xa3: {  	[bflag:$0x0] =	sbarrier.arrive $0xFFFF;
	s4 =	sadd.s32 $0x1, s4  }
0xa4: {  	[hbm:s22], [sflag:s5] =	dma.local [spmem:s13], $0x3200  }
0xa5: {  	p0 =	sne.s32 s4, s12  }
.Ltmp4:
0xa6: {  	_ =	swait.ge [sflag:s14], $0x3200;
	(pc) =	sbr.rel @p0 .LBB2_1-.Ltmp4, $3  }
0xa7: {  	[sflag:s14] =	ssyncset.done $0x0  }
0xa8: {  	[sflag:s14] =	ssyncadd.s32 $0xFFFFCE00  }
0xa9: {  	[bflag:$0x0] =	sbarrier.arrive $0xFFFF;
	_ =	sdelay $0x1  }
0xaa: {  	_ =	sfence.sel $0x180000  }
0xab: {  	[bflag:$0x0] =	sbarrier.arrive $0xFFFF  }
0xac: {  	p0 =	sne.s32 s3, $0x0;
	_ =	strace $0x9000004A  }
0xad: {  	s0 =	sadd.s32 @!p0 $0x100000, s0;
	[bflag:$0x2] =	sbarrier.arrive $0xFFFF  }
0xae: {  	[sflag:s0] =	ssyncadd.tile.s32 @!p0 $0x1;
	_ =	shalt  }
.Lfunc_end2:
_tile_overlayer_lowered:
.L_overlay_start_2:
0xaf: {  	(tag) =	ssettag $0x2  }
0xb0: {  	s0 =	rddreg [dreg:$0x0];
	s2 =	stileid.u32  }
0xb1: {  	s1 =	rddreg [dreg:$0x1];
	p0 =	sne.s32 s2, $0x0  }
0xb2: {  	s3 =	rddreg [dreg:$0x2];
	[bflag:$0x3] =	sbarrier.arrive $0xFFFF;
	s2 =	simm.s32 @!p0 $0x1C02  }
0xb3: {  	[timem:s3], [sflag:s2] =	dma.local @!p0 [hbm:s0], s1  }
0xb4: {  	s0 =	simm.s32 @!p0 $0x2  }
0xb5: {  	_ =	swait.ge @!p0 [sflag:s0], s1  }
0xb6: {  	s1 =	ssub.s32 @!p0 $0x0, s1;
	[sflag:s0] =	ssyncset.done @!p0 $0x0  }
0xb7: {  	[sflag:s0] =	ssyncadd.s32 @!p0 s1  }
0xb8: {  	[bflag:$0x3] =	sbarrier.arrive $0xFFFF  }
0xb9: {  	_ =	shalt  }

// kernel: kernel.15.cloned.1.call-start
scs
__scs_entry_jumppad:
0x0: {  	(pc) =	sbr.rel $0x88, $3  }
0x1: {  	(tag) =	ssettag $0x0;
	lr =	simm.s32 $0x1  }
0x2: {  	[smem:$0x3F86] =	sst lr;
	_ =	strace $0xD0000000  }
0x3: {  	_ = 	snop  }
0x4: {  	_ = 	snop  }
0x5: {  	_ = 	snop  }
0x6: {  	_ = 	snop  }
0x7: {  	_ = 	snop  }
__scs_overlays_trampoline_lowered:
0x8: {  	[smem:$0x3F95] =	sst s0  }
0x9: {  	[smem:$0x3F96] =	sst s1  }
0xa: {  	[smem:$0x3F97] =	sst s2  }
0xb: {  	[smem:$0x3F98] =	sst s3  }
0xc: {  	[smem:$0x3F99] =	sst s4  }
0xd: {  	[smem:$0x3F9A] =	sst s5  }
0xe: {  	[smem:$0x3F9B] =	sst s6  }
0xf: {  	[smem:$0x3F9C] =	sst s7  }
0x10: {  	[smem:$0x3F9D] =	sst s8  }
0x11: {  	[smem:$0x3F9E] =	sst s9;
	s0 =	simm.s32 @!p0 $0x0  }
0x12: {  	s1 =	sld [smem:$0x3F84];
	s0 =	simm.s32 @p0 $0x1  }
0x13: {  	[smem:$0x3F9F] =	sst s0;
	s0 =	simm.s32 @!p1 $0x0  }
0x14: {  	s2 =	sld [smem:$0x3F83];
	s0 =	simm.s32 @p1 $0x1  }
0x15: {  	[smem:$0x3FA0] =	sst s0;
	s0 =	simm.s32 @!p2 $0x0  }
0x16: {  	s3 =	sld [smem:$0x3FDB];
	s0 =	simm.s32 @p2 $0x1  }
0x17: {  	s4 =	simm.s32 $0x1BF5;
	[smem:$0x3FA2] =	sst s0  }
0x18: {  	s0 =	sld [smem:$0x3F85];
	_ =	swait.ge [sflag:s4], $0x0  }
0x19: {  	s7 =	sld [smem:$0x3F86]  }
0x1a: {  	s8 =	sadd.s32 $0xFFFFE003, lr  }
0x1b: {  	s9 =	sadd.s32 $0xFFFFFEF7, lr;
	s5 =	simm.s32 $0xFFFFFFFF;
	p2 =	slt.u32 s8, $0xFFFFF086  }
0x1c: {  	p1 =	slt.u32 s9, $0xF7A;
	s5 =	simm.s32 @!p2 $0x0  }
0x1d: {  	s5 =	simm.s32 @p1 $0x1;
	p0 =	seq.s32 s7, s2  }
0x1e: {  	s7 =	smul.u32 @!p0 $0xF7A, s2;
	p2 =	seq.s32 @!p0 s5, $0x0  }
0x1f: {  	s9 =	smul.u32 $0xF7A, s1;
	s8 =	simm.s32 @!p0 $0x1BF5;
	p2 =	por !p2, p0  }
0x20: {  	[sflag:s8] =	ssyncset.s32 @!p0 $0xFFFFF086;
	s6 =	sadd.s32 @!p0 s3, s7;
	s7 =	simm.s32 @!p0 $0x108  }
0x21: {  	s3 =	sadd.s32 s3, s9;
	s6 =	sadd.s32 @!p0 $0x88, s6;
	s7 =	simm.s32 @p2 $0x1082  }
0x22: {  	[simem:s7], [sflag:s8] =	dma.local @!p0 [hbm:s6], $0xF7A  }
0x23: {  	s9 =	sor.u32 $0xD0000000, s2;
	s6 =	simm.s32 $0x108;
	_ =	swait.ge @!p0 [sflag:s8], $0x0  }
0x24: {  	s3 =	sadd.s32 $0x88, s3;
	s6 =	simm.s32 @!p1 $0x1082;
	[sflag:s4] =	ssyncset.s32 $0xFFFFF086  }
0x25: {  	[simem:s6], [sflag:s4] =	dma.local [hbm:s3], $0xF7A  }
0x26: {  	[smem:$0x3F86] =	sst s1;
	(tag) =	ssettag s2;
	_ =	strace s9  }
0x27: {  	s1 =	sld [smem:$0x3F96]  }
0x28: {  	s2 =	sld [smem:$0x3F97]  }
0x29: {  	s4 =	sld [smem:$0x3F99]  }
0x2a: {  	p0 =	seq.s32 s5, $0x0;
	s5 =	sld [smem:$0x3F9A]  }
0x2b: {  	s6 =	sld [smem:$0x3F9B]  }
0x2c: {  	s7 =	sld [smem:$0x3F9C]  }
0x2d: {  	s3 =	simm.s32 $0x108;
	s8 =	sld [smem:$0x3F9D]  }
0x2e: {  	s3 =	simm.s32 @!p0 $0x1082;
	s9 =	sld [smem:$0x3F9E]  }
0x2f: {  	lr =	sadd.s32 s0, s3;
	s0 =	sld [smem:$0x3F95]  }
0x30: {  	s3 =	sld [smem:$0x3F98]  }
0x31: {  	[smem:$0x3FA1] =	sst s10  }
0x32: {  	s10 =	sld [smem:$0x3F9F];
	_ =	sdelay $0x3  }
0x33: {  	p0 =	seq.s32 s10, $0x1;
	s10 =	sld [smem:$0x3FA1];
	_ =	sdelay $0x3  }
0x34: {  	[smem:$0x3FA1] =	sst s10  }
0x35: {  	s10 =	sld [smem:$0x3FA0];
	_ =	sdelay $0x3  }
0x36: {  	p1 =	seq.s32 s10, $0x1;
	s10 =	sld [smem:$0x3FA1];
	_ =	sdelay $0x3  }
0x37: {  	[smem:$0x3FA1] =	sst s10  }
0x38: {  	s10 =	sld [smem:$0x3FA2]  }
0x39: {  	_ = 	snop;
	(pc) =	sbr.ind lr, $3  }
0x3a: {  	_ = 	snop  }
0x3b: {  	_ = 	snop  }
0x3c: {  	p2 =	seq.s32 s10, $0x1;
	s10 =	sld [smem:$0x3FA1]  }
0x3d: {  	_ =	shalt  }
0x3e: {  	_ =	shalt  }
0x3f: {  	_ =	shalt  }
0x40: {  	_ =	shalt  }
0x41: {  	_ =	shalt  }
0x42: {  	_ =	shalt  }
0x43: {  	_ =	shalt  }
0x44: {  	_ =	shalt  }
0x45: {  	_ =	shalt  }
0x46: {  	_ =	shalt  }
0x47: {  	_ =	shalt  }
0x48: {  	_ =	shalt  }
0x49: {  	_ =	shalt  }
0x4a: {  	_ =	shalt  }
0x4b: {  	_ =	shalt  }
0x4c: {  	_ =	shalt  }
0x4d: {  	_ =	shalt  }
0x4e: {  	_ =	shalt  }
0x4f: {  	_ =	shalt  }
0x50: {  	_ =	shalt  }
0x51: {  	_ =	shalt  }
0x52: {  	_ =	shalt  }
0x53: {  	_ =	shalt  }
0x54: {  	_ =	shalt  }
0x55: {  	_ =	shalt  }
0x56: {  	_ =	shalt  }
0x57: {  	_ =	shalt  }
0x58: {  	_ =	shalt  }
0x59: {  	_ =	shalt  }
0x5a: {  	_ =	shalt  }
0x5b: {  	_ =	shalt  }
0x5c: {  	_ =	shalt  }
0x5d: {  	_ =	shalt  }
0x5e: {  	_ =	shalt  }
0x5f: {  	_ =	shalt  }
0x60: {  	_ =	shalt  }
0x61: {  	_ =	shalt  }
0x62: {  	_ =	shalt  }
0x63: {  	_ =	shalt  }
0x64: {  	_ =	shalt  }
0x65: {  	_ =	shalt  }
0x66: {  	_ =	shalt  }
0x67: {  	_ =	shalt  }
0x68: {  	_ =	shalt  }
0x69: {  	_ =	shalt  }
0x6a: {  	_ =	shalt  }
0x6b: {  	_ =	shalt  }
0x6c: {  	_ =	shalt  }
0x6d: {  	_ =	shalt  }
0x6e: {  	_ =	shalt  }
0x6f: {  	_ =	shalt  }
0x70: {  	_ =	shalt  }
0x71: {  	_ =	shalt  }
0x72: {  	_ =	shalt  }
0x73: {  	_ =	shalt  }
0x74: {  	_ =	shalt  }
0x75: {  	_ =	shalt  }
0x76: {  	_ =	shalt  }
0x77: {  	_ =	shalt  }
0x78: {  	_ =	shalt  }
0x79: {  	_ =	shalt  }
0x7a: {  	_ =	shalt  }
0x7b: {  	_ =	shalt  }
0x7c: {  	_ =	shalt  }
0x7d: {  	_ =	shalt  }
0x7e: {  	_ =	shalt  }
0x7f: {  	_ =	shalt  }
0x80: {  	_ =	shalt  }
0x81: {  	_ =	shalt  }
0x82: {  	_ =	shalt  }
0x83: {  	_ =	shalt  }
0x84: {  	_ =	shalt  }
0x85: {  	_ =	shalt  }
0x86: {  	_ =	shalt  }
0x87: {  	_ =	shalt  }
.Lfunc_end0:
.L_simem_size_0:
called_computation.2_lowered:
.L_overlay_start_0:
0x88: {  	s2 =	sld [smem:$0x3FD9]  }
0x89: {  	s3 =	sld [smem:$0x3FFE];
	_ =	sdelay $0x1  }
0x8a: {  	s1 =	srdreg.scid  }
0x8b: {  	s0 =	sand.u32 $0x1, s1  }
0x8c: {  	s17 =	sshll.u32 s0, $0xA;
	s2 =	sadd.s32 s3, s2  }
0x8d: {  	s2 =	sadd.s32 s2, s17  }
0x8e: {  	[smem:$0x3FAD] =	sst s2  }
0x8f: {  	_ = 	snop  }
0x90: {  	s2 =	sld [smem:$0x3FD0];
	(tm) =	ssettm $0x1  }
0x91: {  	s18 =	sld [smem:$0x3FFB];
	_ =	sdelay $0x3  }
0x92: {  	_ =	strace s18  }
0x93: {  	s3 =	sld [smem:$0x3FFC];
	_ =	sdelay $0x3  }
0x94: {  	_ =	strace s3  }
0x95: {  	s3 =	sld [smem:$0x3FFD];
	_ =	sdelay $0x3  }
0x96: {  	_ =	strace s3  }
0x97: {  	_ =	strace $0x8FFFFFFF  }
0x98: {  	s19 =	sld [smem:$0x3FDB];
	_ =	sdelay $0x1  }
0x99: {  	s4 =	simm.s32 $_scs_section_size  }
0x9a: {  	s5 =	simm.s32 $_size__tile_overlayer_lowered;
	s6 =	simm.s32 $_tile_overlayer_lowered  }
0x9b: {  	s22 =	simm.s32 $0x1BFF;
	s21 =	sshll.u32 s6, $0x1;
	s3 =	sadd.s32 s4, s19  }
0x9c: {  	s7 =	simm.s32 $0x0;
	s20 =	sshll.u32 s5, $0x1;
	s5 =	sadd.s32 s21, s3  }
0x9d: {  	[timem:s7], [sflag:s22] =	dma.local [hbm:s5], s20  }
0x9e: {  	_ =	swait.ge [sflag:s22], s20  }
0x9f: {  	s4 =	ssub.s32 $0x0, s20;
	[sflag:s22] =	ssyncset.done $0x0  }
0xa0: {  	[sflag:s22] =	ssyncadd.s32 s4;
	_ =	sdelay $0x1  }
0xa1: {  	s23 =	simm.s32 $0x1B8B  }
0xa2: {  	_ =	swait.ge [sflag:s23], $0x1  }
0xa3: {  	[sflag:s23] =	ssyncset.done $0x0  }
0xa4: {  	s25 =	simm.s32 $0x1B8E;
	s24 =	sld [smem:$0x3FFE];
	[sflag:s23] =	ssyncadd.s32 $0xFFFFFFFF  }
0xa5: {  	s26 =	simm.s32 $execute0_lowered;
	[smem:$0x3FD2] =	sst s25  }
0xa6: {  	s5 =	sshll.u32 s26, $0x1;
	_ =	strace $0x8000004C;
	[dreg:$0x1] =	wrdreg $0xFFFFFFFF  }
0xa7: {  	s28 =	simm.s32 $_size_execute0_lowered;
	s3 =	sadd.s32 s3, s5;
	[dreg:$0x0] =	wrdreg $0x0  }
0xa8: {  	s5 =	sshll.u32 s28, $0x1;
	[dreg:$0x2] =	wrdreg s3  }
0xa9: {  	[dreg:$0x3] =	wrdreg s5  }
0xaa: {  	[dreg:$0x4] =	wrdreg $0xC0  }
0xab: {  	_ =	task [dreg:s7], $0x5FFFF  }
0xac: {  	[dreg:$0x1] =	wrdreg $0xFFFFFFFF  }
0xad: {  	[dreg:$0x0] =	wrdreg $0x60  }
0xae: {  	[dreg:$0x2] =	wrdreg s24  }
0xaf: {  	[dreg:$0x3] =	wrdreg s2  }
0xb0: {  	[dreg:$0x4] =	wrdreg $0x0  }
0xb1: {  	[dreg:$0x5] =	wrdreg $0x9  }
0xb2: {  	_ =	task.clear_ibuf [dreg:s7], $0x6FFFF;
	_ =	strace $0x9000004C  }
0xb3: {  	s29 =	simm.s32 $0x9;
	_ =	strace $0x8000004E  }
0xb4: {  	_ =	swait.ge [sflag:s29], $0x1  }
0xb5: {  	[sflag:s29] =	ssyncadd.s32 $0xFFFFFFFF  }
0xb6: {  	_ =	strace $0x9000004E  }
0xb7: {  	_ =	sfence  }
0xb8: {  	s30 =	sld [smem:$0x0];
	_ =	sdelay $0x2  }
0xb9: {  	s31 =	sshll.u32 s1, $0xD;
	s1 =	sshrl.u32 s1, $0x2  }
0xba: {  	s3 =	sand.u32 $0x4000, s31;
	s1 =	sadd.s32 s1, s30  }
0xbb: {  	s0 =	sor.u32 s3, s0;
	s1 =	sshll.u32 s1, $0x11  }
0xbc: {  	s0 =	sor.u32 s1, s0  }
0xbd: {  	s0 =	sadd.s32 $0x8F2B, s0  }
0xbe: {  	[sflag:s0] =	ssyncadd.remote.s32 $0x1  }
0xbf: {  	_ =	sfence.sel $0xFFFF  }
0xc0: {  	[dreg:$0x0] =	wrdreg $0xFFFFFFFF;
	(pc) =	sbr.abs _section_cstart, $3  }
0xc1: {  	[dreg:$0x1] =	wrdreg $0xFFFFFFFF  }
0xc2: {  	_ =	task.clear_ibuf [dreg:s7], $0x2FFFF;
	_ =	strace $0x9FFFFFFF  }
0xc3: {  	(tm) =	ssettm $0x7FFFFFFF  }
tec
execute0_lowered:
.L_overlay_start_1:
0x0: {  	(tag) =	ssettag $0x1  }
0x1: {  	s5 =	rddreg [dreg:$0x0]  }
0x2: {  	s1 =	rddreg [dreg:$0x1]  }
0x3: {  	s2 =	rddreg [dreg:$0x2];
	s3 =	srdreg.scid  }
0x4: {  	s0 =	rddreg [dreg:$0x3];
	s4 =	simm.s32 $0x0;
	s16 =	simm.s32 $0x197D0  }
0x5: {  	s17 =	simm.s32 $0x50;
	s18 =	simm.s32 $0x19FF0;
	s6 =	sand.u32 $0x1, s3  }
0x6: {  	s19 =	simm.s32 $0x1;
	s3 =	stileid.u32;
	s7 =	smul.u32 $0x30D40, s6  }
0x7: {  	s20 =	simm.s32 $0x19FA0;
	[smem:$0x7FF] =	sst s4;
	s8 =	smul.u32 $0x4E2, s3  }
0x8: {  	_ =	strace $0x8000004D;
	s9 =	smul.u32 $0x32000, s6;
	s6 =	ssub.s32 $0x2, s6  }
0x9: {  	s10 =	smul.u32 $0x19000, s3;
	s31 =	sshll.u32 s3, $0x6;
	s30 =	sshrl.u32 s6, $0x1  }
0xa: {  	s11 =	sadd.s32 s7, s5;
	s12 =	sadd.s32 s8, s5;
	s13 =	sadd.s32 s9, s5  }
0xb: {  	s14 =	ssub.s32 s6, s30;
	s15 =	sadd.s32 s10, s2;
	s5 =	sor.u32 $0x1C02, s31  }
0xc: {  	s22 =	sshrl.u32 s10, $0x3;
	s6 =	sadd.s32 $0x27C00, s12;
	s7 =	sadd.s32 $0x22C00, s12  }
0xd: {  	s8 =	sadd.s32 $0x8E800, s11;
	s21 =	sadd.s32 $0x154400, s13;
	s9 =	sadd.s32 $0x1DC00, s12  }
0xe: {  	s10 =	sadd.s32 $0x18C00, s12;
	s11 =	sadd.s32 $0x2CC00, s11;
	s23 =	sadd.s32 $0xF0400, s13  }
0xf: {  	s12 =	smax.u32 s14, $0x1;
	s13 =	sshrl.u32 s15, $0x3;
	s14 =	simm.s32 $0x2  }
0x10: {  	s15 =	simm.s32 $0x19000;
	s21 =	sadd.s32 s22, s21;
	s22 =	sadd.s32 s22, s23  }
.LBB2_1:
0x11: {  	[spmem:s13], [sflag:s5] =	dma.local [hbm:s1], $0x3200  }
0x12: {  	_ =	swait.ge [sflag:s14], $0x3200  }
0x13: {  	[sflag:s14] =	ssyncset.done $0x0  }
0x14: {  	[sflag:s14] =	ssyncadd.s32 $0xFFFFCE00  }
0x15: {  	s23 =	simm.s32 $0x0;
	[bflag:$0x0] =	sbarrier.arrive $0xFFFF  }
.LBB2_2:
0x16: {  	s24 =	smul.u32 $0xFA, s23;
	_ =	sdelay $0x1  }
0x17: {  	s26 =	simm.s32 $0x0;
	s25 =	sadd.s32 s24, s6  }
0x18: {  	[tilespmem:s15], [sflag:$0x2] =	stream.linear.gather [hbm4b:s25+s26], $0x7D0, $0x38;
	[tilespmem:$0x1D1F0] =	vst v63  }
0x19: {  	_ =	swait.ge [sflag:s14], $0x7D0  }
0x1a: {  	[sflag:s14] =	ssyncset.done $0x0  }
0x1b: {  	s24 =	sadd.s32 s24, s7;
	[sflag:s14] =	ssyncadd.s32 $0xFFFFF830  }
0x1c: {  	[tilespmem:s16], [sflag:$0x2] =	stream.linear.gather [hbm4b:s24+s26], $0x7D0, $0x38;
	[tilespmem:$0x1D1F0] =	vst v63  }
0x1d: {  	_ =	swait.ge [sflag:s14], $0x7D0  }
0x1e: {  	[sflag:s14] =	ssyncset.done $0x0  }
0x1f: {  	s30 =	simm.s32 $0x0;
	[sflag:s14] =	ssyncadd.s32 $0xFFFFF830  }
0x20: {  	v0 =	vld [tilespmem:s30+$0x197D0];
	_ =	sdelay $0x4  }
0x21: {  	[tilespmem:$0x19FA0] =	vst v0  }
0x22: {  	v0 =	vld [tilespmem:s30+$0x197E0];
	_ =	sdelay $0x4  }
0x23: {  	[tilespmem:$0x19FB0] =	vst v0  }
0x24: {  	v0 =	vld [tilespmem:s30+$0x197F0];
	_ =	sdelay $0x4  }
0x25: {  	[tilespmem:$0x19FC0] =	vst v0  }
0x26: {  	v0 =	vld [tilespmem:s30+$0x19800];
	_ =	sdelay $0x4  }
0x27: {  	[tilespmem:$0x19FD0] =	vst v0  }
0x28: {  	v0 =	vld [tilespmem:s30+$0x19810];
	_ =	sdelay $0x4  }
0x29: {  	s31 =	simm.s32 $0x19000;
	[tilespmem:$0x19FE0] =	vst v0  }
0x2a: {  	[tilespmem:s18], [sflag:$0x1] =	stream.indirect.gather [hbm4b:s8+s17], $0xA0, s31, s17, $0xb8;
	[tilespmem:$0x1D1F0] =	vst v63  }
0x2b: {  	_ =	swait.ge [sflag:s19], $0x3200  }
0x2c: {  	[sflag:s19] =	ssyncset.done $0x0  }
0x2d: {  	[sflag:s19] =	ssyncadd.s32 $0xFFFFCE00  }
0x2e: {  	[spmem:s2] =	stream.indirect.scatter.add.f32 [tilespmem:s18], [sflag:$0x2], $0xA0, s20, s17, $0xb8;
	[tilespmem:$0x1D1F0] =	vst v63  }
0x2f: {  	_ =	swait.ge [sflag:s14], $0x3200  }
0x30: {  	s25 =	simm.s32 $0x280;
	s24 =	simm.s32 $0x140;
	[sflag:s14] =	ssyncset.done $0x0  }
.LBB2_3:
0x31: {  	s26 =	sshra.s32 s24, $0x2  }
0x32: {  	[sflag:s14] =	ssyncadd.s32 $0xFFFFCE00;
	s24 =	smov.u32 s25;
	s28 =	sadd.s32 $0x140, s25  }
0x33: {  	p0 =	sne.s32 s25, $0x1E00;
	v0 =	vld [tilespmem:s26+$0x197D0];
	_ =	sdelay $0x4  }
0x34: {  	[tilespmem:$0x19FA0] =	vst v0  }
0x35: {  	v0 =	vld [tilespmem:s26+$0x197E0];
	_ =	sdelay $0x4  }
0x36: {  	[tilespmem:$0x19FB0] =	vst v0  }
0x37: {  	v0 =	vld [tilespmem:s26+$0x197F0];
	_ =	sdelay $0x4  }
0x38: {  	[tilespmem:$0x19FC0] =	vst v0  }
0x39: {  	v0 =	vld [tilespmem:s26+$0x19800];
	_ =	sdelay $0x4  }
0x3a: {  	[tilespmem:$0x19FD0] =	vst v0  }
0x3b: {  	v0 =	vld [tilespmem:s26+$0x19810];
	_ =	sdelay $0x4  }
0x3c: {  	s25 =	sadd.s32 $0x19000, s26;
	[tilespmem:$0x19FE0] =	vst v0  }
0x3d: {  	[tilespmem:s18], [sflag:$0x1] =	stream.indirect.gather [hbm4b:s8+s17], $0xA0, s25, s17, $0xb8;
	[tilespmem:$0x1D1F0] =	vst v63  }
0x3e: {  	_ =	swait.ge [sflag:s19], $0x3200  }
.Ltmp0:
0x3f: {  	[sflag:s19] =	ssyncset.done $0x0;
	(pc) =	sbr.rel @p0 .LBB2_3-.Ltmp0, $4  }
0x40: {  	[sflag:s19] =	ssyncadd.s32 $0xFFFFCE00  }
0x41: {  	[spmem:s2] =	stream.indirect.scatter.add.f32 [tilespmem:s18], [sflag:$0x2], $0xA0, s20, s17, $0xb8;
	[tilespmem:$0x1D1F0] =	vst v63  }
0x42: {  	_ =	swait.ge [sflag:s14], $0x3200  }
0x43: {  	s25 =	smov.u32 s28;
	[sflag:s14] =	ssyncset.done $0x0  }
0x44: {  	s24 =	sshra.s32 s24, $0x2;
	[sflag:s14] =	ssyncadd.s32 $0xFFFFCE00  }
0x45: {  	v0 =	vld [tilespmem:s24+$0x197D0];
	_ =	sdelay $0x4  }
0x46: {  	[tilespmem:$0x19FA0] =	vst v0  }
0x47: {  	v0 =	vld [tilespmem:s24+$0x197E0];
	_ =	sdelay $0x4  }
0x48: {  	[tilespmem:$0x19FB0] =	vst v0  }
0x49: {  	v0 =	vld [tilespmem:s24+$0x197F0];
	_ =	sdelay $0x4  }
0x4a: {  	[tilespmem:$0x19FC0] =	vst v0  }
0x4b: {  	v0 =	vld [tilespmem:s24+$0x19800];
	_ =	sdelay $0x4  }
0x4c: {  	[tilespmem:$0x19FD0] =	vst v0  }
0x4d: {  	v0 =	vld [tilespmem:s24+$0x19810];
	_ =	sdelay $0x4  }
0x4e: {  	s24 =	sadd.s32 $0x19000, s24;
	[tilespmem:$0x19FE0] =	vst v0  }
0x4f: {  	[tilespmem:s18], [sflag:$0x1] =	stream.indirect.gather [hbm4b:s8+s17], $0xA0, s24, s17, $0xb8;
	[tilespmem:$0x1D1F0] =	vst v63  }
0x50: {  	s23 =	sadd.s32 $0x1, s23;
	_ =	swait.ge [sflag:s19], $0x3200  }
0x51: {  	p0 =	sne.s32 s23, $0x5;
	[sflag:s19] =	ssyncset.done $0x0  }
.Ltmp1:
0x52: {  	[sflag:s19] =	ssyncadd.s32 $0xFFFFCE00;
	(pc) =	sbr.rel @p0 .LBB2_2-.Ltmp1, $4  }
0x53: {  	[spmem:s2] =	stream.indirect.scatter.add.f32 [tilespmem:s18], [sflag:$0x2], $0xA0, s20, s17, $0xb8;
	[tilespmem:$0x1D1F0] =	vst v63  }
0x54: {  	_ =	swait.ge [sflag:s14], $0x3200  }
0x55: {  	[sflag:s14] =	ssyncset.done $0x0  }
0x56: {  	[sflag:s14] =	ssyncadd.s32 $0xFFFFCE00  }
0x57: {  	[bflag:$0x0] =	sbarrier.arrive $0xFFFF  }
0x58: {  	[hbm:s21], [sflag:s5] =	dma.local [spmem:s13], $0x3200  }
0x59: {  	_ =	swait.ge [sflag:s14], $0x3200  }
0x5a: {  	[sflag:s14] =	ssyncset.done $0x0  }
0x5b: {  	[sflag:s14] =	ssyncadd.s32 $0xFFFFCE00  }
0x5c: {  	[bflag:$0x0] =	sbarrier.arrive $0xFFFF  }
0x5d: {  	[spmem:s13], [sflag:s5] =	dma.local [hbm:s1], $0x3200  }
0x5e: {  	_ =	swait.ge [sflag:s14], $0x3200  }
0x5f: {  	[sflag:s14] =	ssyncset.done $0x0  }
0x60: {  	[sflag:s14] =	ssyncadd.s32 $0xFFFFCE00  }
0x61: {  	s23 =	simm.s32 $0x0;
	s24 =	simm.s32 $0x0;
	[bflag:$0x0] =	sbarrier.arrive $0xFFFF  }
.LBB2_6:
0x62: {  	s25 =	smul.u32 $0xFA, s24;
	_ =	sdelay $0x1  }
0x63: {  	s26 =	sadd.s32 s25, s9  }
0x64: {  	[tilespmem:s15], [sflag:$0x2] =	stream.linear.gather [hbm4b:s26+s23], $0x7D0, $0x38;
	[tilespmem:$0x1D1F0] =	vst v63  }
0x65: {  	_ =	swait.ge [sflag:s14], $0x7D0  }
0x66: {  	[sflag:s14] =	ssyncset.done $0x0  }
0x67: {  	s25 =	sadd.s32 s25, s10;
	[sflag:s14] =	ssyncadd.s32 $0xFFFFF830  }
0x68: {  	[tilespmem:s16], [sflag:$0x2] =	stream.linear.gather [hbm4b:s25+s23], $0x7D0, $0x38;
	[tilespmem:$0x1D1F0] =	vst v63  }
0x69: {  	_ =	swait.ge [sflag:s14], $0x7D0  }
0x6a: {  	[sflag:s14] =	ssyncset.done $0x0  }
0x6b: {  	s30 =	simm.s32 $0x0;
	[sflag:s14] =	ssyncadd.s32 $0xFFFFF830  }
0x6c: {  	v0 =	vld [tilespmem:s30+$0x197D0];
	_ =	sdelay $0x4  }
0x6d: {  	[tilespmem:$0x19FA0] =	vst v0  }
0x6e: {  	v0 =	vld [tilespmem:s30+$0x197E0];
	_ =	sdelay $0x4  }
0x6f: {  	[tilespmem:$0x19FB0] =	vst v0  }
0x70: {  	v0 =	vld [tilespmem:s30+$0x197F0];
	_ =	sdelay $0x4  }
0x71: {  	[tilespmem:$0x19FC0] =	vst v0  }
0x72: {  	v0 =	vld [tilespmem:s30+$0x19800];
	_ =	sdelay $0x4  }
0x73: {  	[tilespmem:$0x19FD0] =	vst v0  }
0x74: {  	v0 =	vld [tilespmem:s30+$0x19810];
	_ =	sdelay $0x4  }
0x75: {  	s31 =	simm.s32 $0x19000;
	[tilespmem:$0x19FE0] =	vst v0  }
0x76: {  	[tilespmem:s18], [sflag:$0x1] =	stream.indirect.gather [hbm4b:s11+s17], $0xA0, s31, s17, $0xb8;
	[tilespmem:$0x1D1F0] =	vst v63  }
0x77: {  	_ =	swait.ge [sflag:s19], $0x3200  }
0x78: {  	[sflag:s19] =	ssyncset.done $0x0  }
0x79: {  	[sflag:s19] =	ssyncadd.s32 $0xFFFFCE00  }
0x7a: {  	[spmem:s2] =	stream.indirect.scatter.add.f32 [tilespmem:s18], [sflag:$0x2], $0xA0, s20, s17, $0xb8;
	[tilespmem:$0x1D1F0] =	vst v63  }
0x7b: {  	_ =	swait.ge [sflag:s14], $0x3200  }
0x7c: {  	s26 =	simm.s32 $0x280;
	s25 =	simm.s32 $0x140;
	[sflag:s14] =	ssyncset.done $0x0  }
.LBB2_7:
0x7d: {  	s28 =	sshra.s32 s25, $0x2  }
0x7e: {  	[sflag:s14] =	ssyncadd.s32 $0xFFFFCE00;
	s25 =	smov.u32 s26;
	s29 =	sadd.s32 $0x140, s26  }
0x7f: {  	p0 =	sne.s32 s26, $0x1E00;
	v0 =	vld [tilespmem:s28+$0x197D0];
	_ =	sdelay $0x4  }
0x80: {  	[tilespmem:$0x19FA0] =	vst v0  }
0x81: {  	v0 =	vld [tilespmem:s28+$0x197E0];
	_ =	sdelay $0x4  }
0x82: {  	[tilespmem:$0x19FB0] =	vst v0  }
0x83: {  	v0 =	vld [tilespmem:s28+$0x197F0];
	_ =	sdelay $0x4  }
0x84: {  	[tilespmem:$0x19FC0] =	vst v0  }
0x85: {  	v0 =	vld [tilespmem:s28+$0x19800];
	_ =	sdelay $0x4  }
0x86: {  	[tilespmem:$0x19FD0] =	vst v0  }
0x87: {  	v0 =	vld [tilespmem:s28+$0x19810];
	_ =	sdelay $0x4  }
0x88: {  	s26 =	sadd.s32 $0x19000, s28;
	[tilespmem:$0x19FE0] =	vst v0  }
0x89: {  	[tilespmem:s18], [sflag:$0x1] =	stream.indirect.gather [hbm4b:s11+s17], $0xA0, s26, s17, $0xb8;
	[tilespmem:$0x1D1F0] =	vst v63  }
0x8a: {  	_ =	swait.ge [sflag:s19], $0x3200  }
.Ltmp2:
0x8b: {  	[sflag:s19] =	ssyncset.done $0x0;
	(pc) =	sbr.rel @p0 .LBB2_7-.Ltmp2, $4  }
0x8c: {  	[sflag:s19] =	ssyncadd.s32 $0xFFFFCE00  }
0x8d: {  	[spmem:s2] =	stream.indirect.scatter.add.f32 [tilespmem:s18], [sflag:$0x2], $0xA0, s20, s17, $0xb8;
	[tilespmem:$0x1D1F0] =	vst v63  }
0x8e: {  	_ =	swait.ge [sflag:s14], $0x3200  }
0x8f: {  	s26 =	smov.u32 s29;
	[sflag:s14] =	ssyncset.done $0x0  }
0x90: {  	s25 =	sshra.s32 s25, $0x2;
	[sflag:s14] =	ssyncadd.s32 $0xFFFFCE00  }
0x91: {  	v0 =	vld [tilespmem:s25+$0x197D0];
	_ =	sdelay $0x4  }
0x92: {  	[tilespmem:$0x19FA0] =	vst v0  }
0x93: {  	v0 =	vld [tilespmem:s25+$0x197E0];
	_ =	sdelay $0x4  }
0x94: {  	[tilespmem:$0x19FB0] =	vst v0  }
0x95: {  	v0 =	vld [tilespmem:s25+$0x197F0];
	_ =	sdelay $0x4  }
0x96: {  	[tilespmem:$0x19FC0] =	vst v0  }
0x97: {  	v0 =	vld [tilespmem:s25+$0x19800];
	_ =	sdelay $0x4  }
0x98: {  	[tilespmem:$0x19FD0] =	vst v0  }
0x99: {  	v0 =	vld [tilespmem:s25+$0x19810];
	_ =	sdelay $0x4  }
0x9a: {  	s25 =	sadd.s32 $0x19000, s25;
	[tilespmem:$0x19FE0] =	vst v0  }
0x9b: {  	[tilespmem:s18], [sflag:$0x1] =	stream.indirect.gather [hbm4b:s11+s17], $0xA0, s25, s17, $0xb8;
	[tilespmem:$0x1D1F0] =	vst v63  }
0x9c: {  	s24 =	sadd.s32 $0x1, s24;
	_ =	swait.ge [sflag:s19], $0x3200  }
0x9d: {  	p0 =	sne.s32 s24, $0x5;
	[sflag:s19] =	ssyncset.done $0x0  }
.Ltmp3:
0x9e: {  	[sflag:s19] =	ssyncadd.s32 $0xFFFFCE00;
	(pc) =	sbr.rel @p0 .LBB2_6-.Ltmp3, $4  }
0x9f: {  	[spmem:s2] =	stream.indirect.scatter.add.f32 [tilespmem:s18], [sflag:$0x2], $0xA0, s20, s17, $0xb8;
	[tilespmem:$0x1D1F0] =	vst v63  }
0xa0: {  	_ =	swait.ge [sflag:s14], $0x3200  }
0xa1: {  	[sflag:s14] =	ssyncset.done $0x0  }
0xa2: {  	[sflag:s14] =	ssyncadd.s32 $0xFFFFCE00  }
0xa3: {  	[bflag:$0x0] =	sbarrier.arrive $0xFFFF;
	s4 =	sadd.s32 $0x1, s4  }
0xa4: {  	[hbm:s22], [sflag:s5] =	dma.local [spmem:s13], $0x3200  }
0xa5: {  	p0 =	sne.s32 s4, s12  }
.Ltmp4:
0xa6: {  	_ =	swait.ge [sflag:s14], $0x3200;
	(pc) =	sbr.rel @p0 .LBB2_1-.Ltmp4, $3  }
0xa7: {  	[sflag:s14] =	ssyncset.done $0x0  }
0xa8: {  	[sflag:s14] =	ssyncadd.s32 $0xFFFFCE00  }
0xa9: {  	[bflag:$0x0] =	sbarrier.arrive $0xFFFF;
	_ =	sdelay $0x1  }
0xaa: {  	_ =	sfence.sel $0x180000  }
0xab: {  	[bflag:$0x0] =	sbarrier.arrive $0xFFFF  }
0xac: {  	p0 =	sne.s32 s3, $0x0;
	_ =	strace $0x9000004D  }
0xad: {  	s0 =	sadd.s32 @!p0 $0x100000, s0;
	[bflag:$0x2] =	sbarrier.arrive $0xFFFF  }
0xae: {  	[sflag:s0] =	ssyncadd.tile.s32 @!p0 $0x1;
	_ =	shalt  }
.Lfunc_end2:
_tile_overlayer_lowered:
.L_overlay_start_2:
0xaf: {  	(tag) =	ssettag $0x2  }
0xb0: {  	s0 =	rddreg [dreg:$0x0];
	s2 =	stileid.u32  }
0xb1: {  	s1 =	rddreg [dreg:$0x1];
	p0 =	sne.s32 s2, $0x0  }
0xb2: {  	s3 =	rddreg [dreg:$0x2];
	[bflag:$0x3] =	sbarrier.arrive $0xFFFF;
	s2 =	simm.s32 @!p0 $0x1C02  }
0xb3: {  	[timem:s3], [sflag:s2] =	dma.local @!p0 [hbm:s0], s1  }
0xb4: {  	s0 =	simm.s32 @!p0 $0x2  }
0xb5: {  	_ =	swait.ge @!p0 [sflag:s0], s1  }
0xb6: {  	s1 =	ssub.s32 @!p0 $0x0, s1;
	[sflag:s0] =	ssyncset.done @!p0 $0x0  }
0xb7: {  	[sflag:s0] =	ssyncadd.s32 @!p0 s1  }
0xb8: {  	[bflag:$0x3] =	sbarrier.arrive $0xFFFF  }
0xb9: {  	_ =	shalt  }

// kernel: kernel.9.cloned.1.call-start
scs
__scs_entry_jumppad:
0x0: {  	(pc) =	sbr.rel $0x88, $3  }
0x1: {  	(tag) =	ssettag $0x0;
	lr =	simm.s32 $0x1  }
0x2: {  	[smem:$0x3F86] =	sst lr;
	_ =	strace $0xD0000000  }
0x3: {  	_ = 	snop  }
0x4: {  	_ = 	snop  }
0x5: {  	_ = 	snop  }
0x6: {  	_ = 	snop  }
0x7: {  	_ = 	snop  }
__scs_overlays_trampoline_lowered:
0x8: {  	[smem:$0x3F95] =	sst s0  }
0x9: {  	[smem:$0x3F96] =	sst s1  }
0xa: {  	[smem:$0x3F97] =	sst s2  }
0xb: {  	[smem:$0x3F98] =	sst s3  }
0xc: {  	[smem:$0x3F99] =	sst s4  }
0xd: {  	[smem:$0x3F9A] =	sst s5  }
0xe: {  	[smem:$0x3F9B] =	sst s6  }
0xf: {  	[smem:$0x3F9C] =	sst s7  }
0x10: {  	[smem:$0x3F9D] =	sst s8  }
0x11: {  	[smem:$0x3F9E] =	sst s9;
	s0 =	simm.s32 @!p0 $0x0  }
0x12: {  	s1 =	sld [smem:$0x3F84];
	s0 =	simm.s32 @p0 $0x1  }
0x13: {  	[smem:$0x3F9F] =	sst s0;
	s0 =	simm.s32 @!p1 $0x0  }
0x14: {  	s2 =	sld [smem:$0x3F83];
	s0 =	simm.s32 @p1 $0x1  }
0x15: {  	[smem:$0x3FA0] =	sst s0;
	s0 =	simm.s32 @!p2 $0x0  }
0x16: {  	s3 =	sld [smem:$0x3FDB];
	s0 =	simm.s32 @p2 $0x1  }
0x17: {  	s4 =	simm.s32 $0x1BF5;
	[smem:$0x3FA2] =	sst s0  }
0x18: {  	s0 =	sld [smem:$0x3F85];
	_ =	swait.ge [sflag:s4], $0x0  }
0x19: {  	s7 =	sld [smem:$0x3F86]  }
0x1a: {  	s8 =	sadd.s32 $0xFFFFE003, lr  }
0x1b: {  	s9 =	sadd.s32 $0xFFFFFEF7, lr;
	s5 =	simm.s32 $0xFFFFFFFF;
	p2 =	slt.u32 s8, $0xFFFFF086  }
0x1c: {  	p1 =	slt.u32 s9, $0xF7A;
	s5 =	simm.s32 @!p2 $0x0  }
0x1d: {  	s5 =	simm.s32 @p1 $0x1;
	p0 =	seq.s32 s7, s2  }
0x1e: {  	s7 =	smul.u32 @!p0 $0xF7A, s2;
	p2 =	seq.s32 @!p0 s5, $0x0  }
0x1f: {  	s9 =	smul.u32 $0xF7A, s1;
	s8 =	simm.s32 @!p0 $0x1BF5;
	p2 =	por !p2, p0  }
0x20: {  	[sflag:s8] =	ssyncset.s32 @!p0 $0xFFFFF086;
	s6 =	sadd.s32 @!p0 s3, s7;
	s7 =	simm.s32 @!p0 $0x108  }
0x21: {  	s3 =	sadd.s32 s3, s9;
	s6 =	sadd.s32 @!p0 $0x88, s6;
	s7 =	simm.s32 @p2 $0x1082  }
0x22: {  	[simem:s7], [sflag:s8] =	dma.local @!p0 [hbm:s6], $0xF7A  }
0x23: {  	s9 =	sor.u32 $0xD0000000, s2;
	s6 =	simm.s32 $0x108;
	_ =	swait.ge @!p0 [sflag:s8], $0x0  }
0x24: {  	s3 =	sadd.s32 $0x88, s3;
	s6 =	simm.s32 @!p1 $0x1082;
	[sflag:s4] =	ssyncset.s32 $0xFFFFF086  }
0x25: {  	[simem:s6], [sflag:s4] =	dma.local [hbm:s3], $0xF7A  }
0x26: {  	[smem:$0x3F86] =	sst s1;
	(tag) =	ssettag s2;
	_ =	strace s9  }
0x27: {  	s1 =	sld [smem:$0x3F96]  }
0x28: {  	s2 =	sld [smem:$0x3F97]  }
0x29: {  	s4 =	sld [smem:$0x3F99]  }
0x2a: {  	p0 =	seq.s32 s5, $0x0;
	s5 =	sld [smem:$0x3F9A]  }
0x2b: {  	s6 =	sld [smem:$0x3F9B]  }
0x2c: {  	s7 =	sld [smem:$0x3F9C]  }
0x2d: {  	s3 =	simm.s32 $0x108;
	s8 =	sld [smem:$0x3F9D]  }
0x2e: {  	s3 =	simm.s32 @!p0 $0x1082;
	s9 =	sld [smem:$0x3F9E]  }
0x2f: {  	lr =	sadd.s32 s0, s3;
	s0 =	sld [smem:$0x3F95]  }
0x30: {  	s3 =	sld [smem:$0x3F98]  }
0x31: {  	[smem:$0x3FA1] =	sst s10  }
0x32: {  	s10 =	sld [smem:$0x3F9F];
	_ =	sdelay $0x3  }
0x33: {  	p0 =	seq.s32 s10, $0x1;
	s10 =	sld [smem:$0x3FA1];
	_ =	sdelay $0x3  }
0x34: {  	[smem:$0x3FA1] =	sst s10  }
0x35: {  	s10 =	sld [smem:$0x3FA0];
	_ =	sdelay $0x3  }
0x36: {  	p1 =	seq.s32 s10, $0x1;
	s10 =	sld [smem:$0x3FA1];
	_ =	sdelay $0x3  }
0x37: {  	[smem:$0x3FA1] =	sst s10  }
0x38: {  	s10 =	sld [smem:$0x3FA2]  }
0x39: {  	_ = 	snop;
	(pc) =	sbr.ind lr, $3  }
0x3a: {  	_ = 	snop  }
0x3b: {  	_ = 	snop  }
0x3c: {  	p2 =	seq.s32 s10, $0x1;
	s10 =	sld [smem:$0x3FA1]  }
0x3d: {  	_ =	shalt  }
0x3e: {  	_ =	shalt  }
0x3f: {  	_ =	shalt  }
0x40: {  	_ =	shalt  }
0x41: {  	_ =	shalt  }
0x42: {  	_ =	shalt  }
0x43: {  	_ =	shalt  }
0x44: {  	_ =	shalt  }
0x45: {  	_ =	shalt  }
0x46: {  	_ =	shalt  }
0x47: {  	_ =	shalt  }
0x48: {  	_ =	shalt  }
0x49: {  	_ =	shalt  }
0x4a: {  	_ =	shalt  }
0x4b: {  	_ =	shalt  }
0x4c: {  	_ =	shalt  }
0x4d: {  	_ =	shalt  }
0x4e: {  	_ =	shalt  }
0x4f: {  	_ =	shalt  }
0x50: {  	_ =	shalt  }
0x51: {  	_ =	shalt  }
0x52: {  	_ =	shalt  }
0x53: {  	_ =	shalt  }
0x54: {  	_ =	shalt  }
0x55: {  	_ =	shalt  }
0x56: {  	_ =	shalt  }
0x57: {  	_ =	shalt  }
0x58: {  	_ =	shalt  }
0x59: {  	_ =	shalt  }
0x5a: {  	_ =	shalt  }
0x5b: {  	_ =	shalt  }
0x5c: {  	_ =	shalt  }
0x5d: {  	_ =	shalt  }
0x5e: {  	_ =	shalt  }
0x5f: {  	_ =	shalt  }
0x60: {  	_ =	shalt  }
0x61: {  	_ =	shalt  }
0x62: {  	_ =	shalt  }
0x63: {  	_ =	shalt  }
0x64: {  	_ =	shalt  }
0x65: {  	_ =	shalt  }
0x66: {  	_ =	shalt  }
0x67: {  	_ =	shalt  }
0x68: {  	_ =	shalt  }
0x69: {  	_ =	shalt  }
0x6a: {  	_ =	shalt  }
0x6b: {  	_ =	shalt  }
0x6c: {  	_ =	shalt  }
0x6d: {  	_ =	shalt  }
0x6e: {  	_ =	shalt  }
0x6f: {  	_ =	shalt  }
0x70: {  	_ =	shalt  }
0x71: {  	_ =	shalt  }
0x72: {  	_ =	shalt  }
0x73: {  	_ =	shalt  }
0x74: {  	_ =	shalt  }
0x75: {  	_ =	shalt  }
0x76: {  	_ =	shalt  }
0x77: {  	_ =	shalt  }
0x78: {  	_ =	shalt  }
0x79: {  	_ =	shalt  }
0x7a: {  	_ =	shalt  }
0x7b: {  	_ =	shalt  }
0x7c: {  	_ =	shalt  }
0x7d: {  	_ =	shalt  }
0x7e: {  	_ =	shalt  }
0x7f: {  	_ =	shalt  }
0x80: {  	_ =	shalt  }
0x81: {  	_ =	shalt  }
0x82: {  	_ =	shalt  }
0x83: {  	_ =	shalt  }
0x84: {  	_ =	shalt  }
0x85: {  	_ =	shalt  }
0x86: {  	_ =	shalt  }
0x87: {  	_ =	shalt  }
.Lfunc_end0:
.L_simem_size_0:
called_computation_lowered:
.L_overlay_start_0:
0x88: {  	s2 =	sld [smem:$0x3FD9]  }
0x89: {  	s3 =	sld [smem:$0x3FFE];
	_ =	sdelay $0x1  }
0x8a: {  	s1 =	srdreg.scid  }
0x8b: {  	s0 =	sand.u32 $0x1, s1  }
0x8c: {  	s17 =	sshll.u32 s0, $0xA;
	s2 =	sadd.s32 s3, s2  }
0x8d: {  	s2 =	sadd.s32 s2, s17  }
0x8e: {  	[smem:$0x3FAD] =	sst s2  }
0x8f: {  	_ = 	snop  }
0x90: {  	s2 =	sld [smem:$0x3FD0];
	(tm) =	ssettm $0x1  }
0x91: {  	s18 =	sld [smem:$0x3FFB];
	_ =	sdelay $0x3  }
0x92: {  	_ =	strace s18  }
0x93: {  	s3 =	sld [smem:$0x3FFC];
	_ =	sdelay $0x3  }
0x94: {  	_ =	strace s3  }
0x95: {  	s3 =	sld [smem:$0x3FFD];
	_ =	sdelay $0x3  }
0x96: {  	_ =	strace s3  }
0x97: {  	_ =	strace $0x8FFFFFFF  }
0x98: {  	s19 =	sld [smem:$0x3FDB];
	_ =	sdelay $0x1  }
0x99: {  	s4 =	simm.s32 $_scs_section_size  }
0x9a: {  	s5 =	simm.s32 $_size__tile_overlayer_lowered;
	s6 =	simm.s32 $_tile_overlayer_lowered  }
0x9b: {  	s22 =	simm.s32 $0x1BFF;
	s21 =	sshll.u32 s6, $0x1;
	s3 =	sadd.s32 s4, s19  }
0x9c: {  	s7 =	simm.s32 $0x0;
	s20 =	sshll.u32 s5, $0x1;
	s5 =	sadd.s32 s21, s3  }
0x9d: {  	[timem:s7], [sflag:s22] =	dma.local [hbm:s5], s20  }
0x9e: {  	_ =	swait.ge [sflag:s22], s20  }
0x9f: {  	s4 =	ssub.s32 $0x0, s20;
	[sflag:s22] =	ssyncset.done $0x0  }
0xa0: {  	[sflag:s22] =	ssyncadd.s32 s4;
	_ =	sdelay $0x1  }
0xa1: {  	s23 =	simm.s32 $0x1B8B  }
0xa2: {  	_ =	swait.ge [sflag:s23], $0x1  }
0xa3: {  	[sflag:s23] =	ssyncset.done $0x0  }
0xa4: {  	s25 =	simm.s32 $0x1B8E;
	s24 =	sld [smem:$0x3FFE];
	[sflag:s23] =	ssyncadd.s32 $0xFFFFFFFF  }
0xa5: {  	s26 =	simm.s32 $execute0_lowered;
	[smem:$0x3FD2] =	sst s25  }
0xa6: {  	s5 =	sshll.u32 s26, $0x1;
	_ =	strace $0x80000046;
	[dreg:$0x1] =	wrdreg $0xFFFFFFFF  }
0xa7: {  	s28 =	simm.s32 $_size_execute0_lowered;
	s3 =	sadd.s32 s3, s5;
	[dreg:$0x0] =	wrdreg $0x0  }
0xa8: {  	s5 =	sshll.u32 s28, $0x1;
	[dreg:$0x2] =	wrdreg s3  }
0xa9: {  	[dreg:$0x3] =	wrdreg s5  }
0xaa: {  	[dreg:$0x4] =	wrdreg $0xC0  }
0xab: {  	_ =	task [dreg:s7], $0x5FFFF  }
0xac: {  	[dreg:$0x1] =	wrdreg $0xFFFFFFFF  }
0xad: {  	[dreg:$0x0] =	wrdreg $0x60  }
0xae: {  	[dreg:$0x2] =	wrdreg s24  }
0xaf: {  	[dreg:$0x3] =	wrdreg s2  }
0xb0: {  	[dreg:$0x4] =	wrdreg $0x9  }
0xb1: {  	_ =	task.clear_ibuf [dreg:s7], $0x5FFFF;
	_ =	strace $0x90000046  }
0xb2: {  	s29 =	simm.s32 $0x9;
	_ =	strace $0x80000048  }
0xb3: {  	_ =	swait.ge [sflag:s29], $0x1  }
0xb4: {  	[sflag:s29] =	ssyncadd.s32 $0xFFFFFFFF  }
0xb5: {  	_ =	strace $0x90000048  }
0xb6: {  	_ =	sfence  }
0xb7: {  	s30 =	sld [smem:$0x0];
	_ =	sdelay $0x2  }
0xb8: {  	s31 =	sshll.u32 s1, $0xD;
	s1 =	sshrl.u32 s1, $0x2  }
0xb9: {  	s3 =	sand.u32 $0x4000, s31;
	s1 =	sadd.s32 s1, s30  }
0xba: {  	s0 =	sor.u32 s3, s0;
	s1 =	sshll.u32 s1, $0x11  }
0xbb: {  	s0 =	sor.u32 s1, s0  }
0xbc: {  	s0 =	sadd.s32 $0x8F2B, s0  }
0xbd: {  	[sflag:s0] =	ssyncadd.remote.s32 $0x1  }
0xbe: {  	_ =	sfence.sel $0xFFFF  }
0xbf: {  	[dreg:$0x0] =	wrdreg $0xFFFFFFFF;
	(pc) =	sbr.abs _section_cstart, $3  }
0xc0: {  	[dreg:$0x1] =	wrdreg $0xFFFFFFFF  }
0xc1: {  	_ =	task.clear_ibuf [dreg:s7], $0x2FFFF;
	_ =	strace $0x9FFFFFFF  }
0xc2: {  	(tm) =	ssettm $0x7FFFFFFF  }
0xc3: {  	_ =	shalt  }
tec
execute0_lowered:
.L_overlay_start_1:
0x0: {  	(tag) =	ssettag $0x1  }
0x1: {  	s1 =	srdreg.scid;
	s7 =	rddreg [dreg:$0x0]  }
0x2: {  	s0 =	stileid.u32;
	s5 =	rddreg [dreg:$0x1]  }
0x3: {  	s2 =	simm.s32 $0x0;
	s10 =	simm.s32 $0x400;
	s11 =	simm.s32 $0x1  }
0x4: {  	s12 =	simm.s32 $0x1400;
	s13 =	simm.s32 $0x200;
	s3 =	sand.u32 $0x1, s1  }
0x5: {  	s28 =	sshll.u32 s0, $0x1;
	s29 =	sshrl.u32 s0, $0x2;
	s1 =	rddreg [dreg:$0x2]  }
0x6: {  	[smem:$0x7FF] =	sst s2;
	s14 =	sadd.s32 $0x9C00, s7;
	s15 =	sadd.s32 $0xEC00, s7  }
0x7: {  	s17 =	sadd.s32 $0x13C00, s7;
	s4 =	sor.u32 s3, s28;
	s6 =	smul.u32 $0xA000, s29  }
0x8: {  	s3 =	ssub.s32 $0x2, s3;
	s8 =	sshll.u32 s4, $0x7;
	s4 =	smul.u32 $0x1400, s4  }
0x9: {  	_ =	strace $0x80000047;
	s30 =	sshrl.u32 s3, $0x1;
	s8 =	sand.u32 $0x380, s8  }
0xa: {  	s9 =	ssub.s32 s3, s30;
	s6 =	sor.u32 s6, s8;
	s4 =	sadd.s32 s5, s4  }
0xb: {  	s8 =	smax.u32 s9, $0x1;
	s9 =	simm.s32 $0x80;
	s16 =	sshrl.u32 s6, $0x3  }
0xc: {  	s5 =	sadd.s32 $0x10, s4;
	s6 =	sadd.s32 $0x20, s4;
	s31 =	sadd.s32 s16, s7  }
0xd: {  	s7 =	sadd.s32 $0x30, s4;
	s14 =	sadd.s32 s16, s14;
	s15 =	sadd.s32 s16, s15  }
0xe: {  	v0 =	vimm.f32 $0.0e+00;
	v1 =	vimm.f32 $1.000000000e+00;
	s16 =	sadd.s32 s16, s17;
	s17 =	simm.s32 $0x0;
	s3 =	sadd.s32 $0x4C00, s31  }
.LBB2_1:
0xf: {  	[tilespmem:s2], [sflag:$0x1] =	stream.strided.gather [hbm4b:s3+s9], $0x1400, s10, s9, $0x38;
	[tilespmem:$0x3C00] =	vst v63  }
0x10: {  	_ =	swait.ge [sflag:s11], $0x1400  }
0x11: {  	[sflag:s11] =	ssyncset.done $0x0  }
0x12: {  	s18 =	simm.s32 $0x0;
	[sflag:s11] =	ssyncadd.s32 $0xFFFFEC00  }
.LBB2_2:
0x13: {  	p0 =	sne.s32 s18, $0x9FC0  }
.Ltmp0:
0x14: {  	_ = 	snop;
	(pc) =	sbr.rel @p0 .LBB2_2-.Ltmp0, $3  }
0x15: {  	_ =	sdelay $0x1  }
0x16: {  	s19 =	sshra.s32 s18, $0x2  }
0x17: {  	s18 =	sadd.s32 $0x40, s18;
	[tilespmem:s19+$0x1400] =	vst v0  }
0x18: {  	s19 =	simm.s32 $0x0;
	s18 =	simm.s32 $0x40  }
.LBB2_4:
0x19: {  	p0 =	sne.s32 s18, $0x4DC0;
	v2 =	vld [tilespmem:s19+$0x0];
	_ =	sdelay $0x3  }
.Ltmp1:
0x1a: {  	(pc) =	sbr.rel @p0 .LBB2_4-.Ltmp1, $2  }
0x1b: {  	_ =	sdelay $0x2  }
0x1c: {  	s19 =	sshra.s32 s18, $0x2;
	s18 =	sadd.s32 $0x40, s18;
	[tilespmem:v2+s12+$0x0] =	vst.idx.add.f32.msk $0xffff, v1  }
0x1d: {  	v2 =	vld [tilespmem:s19+$0x0];
	_ =	sdelay $0x7  }
0x1e: {  	[tilespmem:v2+s12+$0x0] =	vst.idx.add.f32.msk $0xffff, v1  }
0x1f: {  	[hbm4b:s4+s9] =	stream.strided.scatter [tilespmem:s12], [sflag:$0x1], $0x2800, s13, s9, $0x38;
	[tilespmem:$0x3C00] =	vst v63  }
0x20: {  	_ =	swait.ge [sflag:s11], $0x2800  }
0x21: {  	[sflag:s11] =	ssyncset.done $0x0  }
0x22: {  	s18 =	simm.s32 $0x0;
	[sflag:s11] =	ssyncadd.s32 $0xFFFFD800  }
0x23: {  	[tilespmem:s18], [sflag:$0x1] =	stream.strided.gather [hbm4b:s14+s9], $0x1400, s10, s9, $0x38;
	[tilespmem:$0x3C00] =	vst v63  }
0x24: {  	_ =	swait.ge [sflag:s11], $0x1400  }
0x25: {  	[sflag:s11] =	ssyncset.done $0x0  }
0x26: {  	s19 =	simm.s32 $0x0;
	s18 =	simm.s32 $0x40;
	[sflag:s11] =	ssyncadd.s32 $0xFFFFEC00  }
.LBB2_6:
0x27: {  	p0 =	sne.s32 s18, $0x9FC0;
	[tilespmem:s19+$0x1400] =	vst v0;
	s19 =	smov.u32 s18;
	s18 =	sadd.s32 $0x40, s18  }
.Ltmp2:
0x28: {  	(pc) =	sbr.rel @p0 .LBB2_6-.Ltmp2, $2  }
0x29: {  	_ =	sdelay $0x2  }
0x2a: {  	s19 =	sshra.s32 s19, $0x2  }
0x2b: {  	[tilespmem:s19+$0x1400] =	vst v0;
	s19 =	simm.s32 $0x0;
	s18 =	simm.s32 $0x40  }
.LBB2_8:
0x2c: {  	p0 =	sne.s32 s18, $0x4DC0;
	v2 =	vld [tilespmem:s19+$0x0];
	_ =	sdelay $0x3  }
.Ltmp3:
0x2d: {  	(pc) =	sbr.rel @p0 .LBB2_8-.Ltmp3, $2  }
0x2e: {  	_ =	sdelay $0x2  }
0x2f: {  	s19 =	sshra.s32 s18, $0x2;
	s18 =	sadd.s32 $0x40, s18;
	[tilespmem:v2+s12+$0x0] =	vst.idx.add.f32.msk $0xffff, v1  }
0x30: {  	v2 =	vld [tilespmem:s19+$0x0];
	_ =	sdelay $0x7  }
0x31: {  	[tilespmem:v2+s12+$0x0] =	vst.idx.add.f32.msk $0xffff, v1  }
0x32: {  	[hbm4b:s5+s9] =	stream.strided.scatter [tilespmem:s12], [sflag:$0x1], $0x2800, s13, s9, $0x38;
	[tilespmem:$0x3C00] =	vst v63  }
0x33: {  	_ =	swait.ge [sflag:s11], $0x2800  }
0x34: {  	[sflag:s11] =	ssyncset.done $0x0  }
0x35: {  	s18 =	simm.s32 $0x0;
	[sflag:s11] =	ssyncadd.s32 $0xFFFFD800  }
0x36: {  	[tilespmem:s18], [sflag:$0x1] =	stream.strided.gather [hbm4b:s15+s9], $0x1400, s10, s9, $0x38;
	[tilespmem:$0x3C00] =	vst v63  }
0x37: {  	_ =	swait.ge [sflag:s11], $0x1400  }
0x38: {  	[sflag:s11] =	ssyncset.done $0x0  }
0x39: {  	s19 =	simm.s32 $0x0;
	s18 =	simm.s32 $0x40;
	[sflag:s11] =	ssyncadd.s32 $0xFFFFEC00  }
.LBB2_10:
0x3a: {  	p0 =	sne.s32 s18, $0x9FC0;
	[tilespmem:s19+$0x1400] =	vst v0;
	s19 =	smov.u32 s18;
	s18 =	sadd.s32 $0x40, s18  }
.Ltmp4:
0x3b: {  	(pc) =	sbr.rel @p0 .LBB2_10-.Ltmp4, $2  }
0x3c: {  	_ =	sdelay $0x2  }
0x3d: {  	s19 =	sshra.s32 s19, $0x2  }
0x3e: {  	[tilespmem:s19+$0x1400] =	vst v0;
	s19 =	simm.s32 $0x0;
	s18 =	simm.s32 $0x40  }
.LBB2_12:
0x3f: {  	p0 =	sne.s32 s18, $0x4DC0;
	v2 =	vld [tilespmem:s19+$0x0];
	_ =	sdelay $0x3  }
.Ltmp5:
0x40: {  	(pc) =	sbr.rel @p0 .LBB2_12-.Ltmp5, $2  }
0x41: {  	_ =	sdelay $0x2  }
0x42: {  	s19 =	sshra.s32 s18, $0x2;
	s18 =	sadd.s32 $0x40, s18;
	[tilespmem:v2+s12+$0x0] =	vst.idx.add.f32.msk $0xffff, v1  }
0x43: {  	v2 =	vld [tilespmem:s19+$0x0];
	_ =	sdelay $0x7  }
0x44: {  	[tilespmem:v2+s12+$0x0] =	vst.idx.add.f32.msk $0xffff, v1  }
0x45: {  	[hbm4b:s6+s9] =	stream.strided.scatter [tilespmem:s12], [sflag:$0x1], $0x2800, s13, s9, $0x38;
	[tilespmem:$0x3C00] =	vst v63  }
0x46: {  	_ =	swait.ge [sflag:s11], $0x2800  }
0x47: {  	[sflag:s11] =	ssyncset.done $0x0  }
0x48: {  	s18 =	simm.s32 $0x0;
	[sflag:s11] =	ssyncadd.s32 $0xFFFFD800  }
0x49: {  	[tilespmem:s18], [sflag:$0x1] =	stream.strided.gather [hbm4b:s16+s9], $0x1400, s10, s9, $0x38;
	[tilespmem:$0x3C00] =	vst v63  }
0x4a: {  	_ =	swait.ge [sflag:s11], $0x1400  }
0x4b: {  	[sflag:s11] =	ssyncset.done $0x0  }
0x4c: {  	s19 =	simm.s32 $0x0;
	s18 =	simm.s32 $0x40;
	[sflag:s11] =	ssyncadd.s32 $0xFFFFEC00  }
.LBB2_14:
0x4d: {  	p0 =	sne.s32 s18, $0x9FC0;
	[tilespmem:s19+$0x1400] =	vst v0;
	s19 =	smov.u32 s18;
	s18 =	sadd.s32 $0x40, s18  }
.Ltmp6:
0x4e: {  	(pc) =	sbr.rel @p0 .LBB2_14-.Ltmp6, $2  }
0x4f: {  	_ =	sdelay $0x2  }
0x50: {  	s19 =	sshra.s32 s19, $0x2  }
0x51: {  	[tilespmem:s19+$0x1400] =	vst v0;
	s19 =	simm.s32 $0x0;
	s18 =	simm.s32 $0x40  }
.LBB2_16:
0x52: {  	p0 =	sne.s32 s18, $0x4DC0;
	v2 =	vld [tilespmem:s19+$0x0];
	_ =	sdelay $0x3  }
.Ltmp7:
0x53: {  	(pc) =	sbr.rel @p0 .LBB2_16-.Ltmp7, $2  }
0x54: {  	_ =	sdelay $0x2  }
0x55: {  	s19 =	sshra.s32 s18, $0x2;
	s18 =	sadd.s32 $0x40, s18;
	[tilespmem:v2+s12+$0x0] =	vst.idx.add.f32.msk $0xffff, v1  }
0x56: {  	v2 =	vld [tilespmem:s19+$0x0];
	_ =	sdelay $0x5  }
0x57: {  	s17 =	sadd.s32 $0x1, s17  }
0x58: {  	p0 =	sne.s32 s17, s8  }
.Ltmp8:
0x59: {  	[tilespmem:v2+s12+$0x0] =	vst.idx.add.f32.msk $0xffff, v1;
	(pc) =	sbr.rel @p0 .LBB2_1-.Ltmp8, $4  }
0x5a: {  	[hbm4b:s7+s9] =	stream.strided.scatter [tilespmem:s12], [sflag:$0x1], $0x2800, s13, s9, $0x38;
	[tilespmem:$0x3C00] =	vst v63  }
0x5b: {  	_ =	swait.ge [sflag:s11], $0x2800  }
0x5c: {  	[sflag:s11] =	ssyncset.done $0x0  }
0x5d: {  	[sflag:s11] =	ssyncadd.s32 $0xFFFFD800  }
0x5e: {  	_ =	sfence.sel $0x180000  }
0x5f: {  	[bflag:$0x0] =	sbarrier.arrive $0xFFFF  }
0x60: {  	p0 =	sne.s32 s0, $0x0;
	_ =	strace $0x90000047  }
0x61: {  	s0 =	sadd.s32 @!p0 $0x100000, s1;
	[bflag:$0x2] =	sbarrier.arrive $0xFFFF  }
0x62: {  	[sflag:s0] =	ssyncadd.tile.s32 @!p0 $0x1;
	_ =	shalt  }
.Lfunc_end2:
_tile_overlayer_lowered:
.L_overlay_start_2:
0x63: {  	(tag) =	ssettag $0x2  }
0x64: {  	s0 =	rddreg [dreg:$0x0];
	s2 =	stileid.u32  }
0x65: {  	s1 =	rddreg [dreg:$0x1];
	p0 =	sne.s32 s2, $0x0  }
0x66: {  	s3 =	rddreg [dreg:$0x2];
	[bflag:$0x3] =	sbarrier.arrive $0xFFFF;
	s2 =	simm.s32 @!p0 $0x1C01  }
0x67: {  	[timem:s3], [sflag:s2] =	dma.local @!p0 [hbm:s0], s1  }
0x68: {  	s0 =	simm.s32 @!p0 $0x1  }
0x69: {  	_ =	swait.ge @!p0 [sflag:s0], s1  }
0x6a: {  	s1 =	ssub.s32 @!p0 $0x0, s1;
	[sflag:s0] =	ssyncset.done @!p0 $0x0  }
0x6b: {  	[sflag:s0] =	ssyncadd.s32 @!p0 s1  }
0x6c: {  	[bflag:$0x3] =	sbarrier.arrive $0xFFFF  }
0x6d: {  	_ =	shalt  }

</sc_bundles>
